<compile_context>
chip_gen: v7x
topology: tpu7x:2x2x1
jax: 0.10.2.dev20260603
libtpu: 0.0.44.dev20260713+nightly
codegen_flags: <defaults>
</compile_context>

<pallas_src>
import functools

import jax
import jax.numpy as jnp
from jax import lax
from jax.experimental import pallas as pl
from jax.experimental.pallas import tpu as pltpu
from jax.experimental.pallas import tpu_sc as plsc

_VOCAB = 1_000_000
_BATCH, _SEQ, _D = 4096, 200, 32
_DP = 128
_NC, _NS = 2, 16
_NW = _NC * _NS
_BW = _BATCH // _NW
_SP = 2
_NIT = _SEQ // _SP
_G = _BW // 16
_TOK = _SP * _BW
_SKEW = _DP + 1

_mesh = plsc.VectorSubcoreMesh(core_axis_name="c", subcore_axis_name="s")


@functools.partial(
    pl.kernel,
    out_type=jax.ShapeDtypeStruct((_SEQ, _D, _BATCH), jnp.float32),
    mesh=_mesh,
    scratch_types=[
        pltpu.VMEM((_SP, _BW), jnp.int32),
        pltpu.VMEM((_SP, _BW), jnp.int32),
        pltpu.VMEM((_TOK,), jnp.int32),
        pltpu.VMEM((_TOK,), jnp.int32),
        pltpu.VMEM((_TOK, _DP), jnp.float32),
        pltpu.VMEM((_TOK, _DP), jnp.float32),
        pltpu.VMEM((_TOK * _SKEW,), jnp.float32),
        pltpu.VMEM((_SP, _D, _BW), jnp.float32),
        pltpu.VMEM((_SP, _D, _BW), jnp.float32),
        pltpu.SemaphoreType.DMA,
        pltpu.SemaphoreType.DMA,
        pltpu.SemaphoreType.DMA,
        pltpu.SemaphoreType.DMA,
    ],
    compiler_params=pltpu.CompilerParams(use_tc_tiling_on_sc=True,
                                         needs_layout_passes=False),
)
def _gather_kernel(ids_hbm, table_hbm, out_hbm,
                   ix0, ix1, ig0, ig1, rw0, rw1, skew, ob0, ob1,
                   sg0, sg1, ss0, ss1):
    wid = lax.axis_index("s") * _NC + lax.axis_index("c")
    bo = wid * _BW
    ixs, igs = [ix0, ix1], [ig0, ig1]
    rws, obs = [rw0, rw1], [ob0, ob1]
    sgs, sss = [sg0, sg1], [ss0, ss1]
    iota16 = jax.lax.iota(jnp.int32, 16)
    iota_skew = iota16 * _SKEW

    def fetch(t, p):
        pltpu.sync_copy(ids_hbm.at[pl.ds(t * _SP, _SP), pl.ds(bo, _BW)],
                        ixs[p])
        for a in range(_SP):
            for g in range(_G):
                v = ixs[p][a, pl.ds(g * 16, 16)]
                igs[p][pl.ds(a * _BW + g * 16, 16)] = (
                    lax.shift_right_logical(v, 2))
        pltpu.async_copy(table_hbm.at[igs[p]], rws[p], sgs[p])

    fetch(0, 0)
    fetch(1, 1)

    @pl.loop(0, _NIT, step=2)
    def _(tt):
        for p in range(2):
            t = tt + p
            pltpu.make_async_copy(table_hbm.at[igs[p]],
                                  rws[p], sgs[p]).wait()

            @pl.when(t >= 2)
            def _():
                pltpu.make_async_copy(
                    obs[p], out_hbm.at[pl.ds(0, _SP), :, pl.ds(bo, _BW)],
                    sss[p]).wait()

            @plsc.parallel_loop(0, _TOK, unroll=2)
            def _(tok):
                for h in range(_DP // 16):
                    skew[pl.ds(tok * _SKEW + h * 16, 16)] = (
                        rws[p][tok, pl.ds(h * 16, 16)])

            for a in range(_SP):
                @pl.loop(0, _G)
                def _(g):
                    lane0 = (ixs[p][a, pl.ds(g * 16, 16)] & 3) * 32
                    tvec = (a * _BW + g * 16) * _SKEW + iota_skew + lane0
                    for j in range(_D):
                        vals = plsc.load_gather(skew, [tvec + j])
                        obs[p][a, j, pl.ds(g * 16, 16)] = vals

            @pl.when(t + 2 < _NIT)
            def _():
                fetch(t + 2, p)

            pltpu.async_copy(
                obs[p],
                out_hbm.at[pl.ds(t * _SP, _SP), :, pl.ds(bo, _BW)],
                sss[p])

    for p in range(2):
        pltpu.make_async_copy(
            obs[p], out_hbm.at[pl.ds(0, _SP), :, pl.ds(bo, _BW)],
            sss[p]).wait()


def kernel(input_ids, embedding):
    ids_t = input_ids.T
    table128 = embedding.reshape(_VOCAB // 4, _DP)
    out = _gather_kernel(ids_t, table128)
    return out.transpose(2, 0, 1)

# --- scband reference (transcript-rebuilt; emitter-appended) ---
"""Pipeline reference for scband-token-embedding-27539330302258 (READ-ONLY COPY).

The authoritative reference and input builder live on the scoring server;
editing this copy changes nothing except your own understanding.
"""

import jax, jax.numpy as jnp
import numpy as np

VOCAB_SIZE = 1000000
EMBED_DIM = 32
BATCH = 4096
SEQ_LEN = 200

def setup_inputs(seed: int = 0) -> dict:
    key = jax.random.key(seed)
    k_ids, k_emb = jax.random.split(key)
    input_ids = jax.random.randint(k_ids, (BATCH, SEQ_LEN), 0, VOCAB_SIZE, dtype=jnp.int64 if jax.config.read('jax_enable_x64') else jnp.int32)
    embedding = jax.random.normal(k_emb, (VOCAB_SIZE, EMBED_DIM), dtype=jnp.float32) * 0.02
    return {"input_ids": input_ids, "embedding": embedding}

def reference(input_ids, embedding):
    # Faithful translation of TokenEmbedding.__call__
    return jnp.take(embedding, input_ids, axis=0)

if __name__ == "__main__":
    import jax
    _d = setup_inputs()
    print(jax.jit(kernel)(*tuple(_d.values())))

</pallas_src>

<mosaic_0001>
#map = affine_map<(d0, d1) -> (0, 0)>
#map1 = affine_map<(d0, d1) -> (0, 0, 0)>
module attributes {stable_mosaic.version = 14 : i64} {
  func.func @_gather_kernel(%arg0: i32, %arg1: i32, %arg2: memref<200x4096xi32, #tpu.memory_space<hbm>>, %arg3: memref<250000x128xf32, #tpu.memory_space<hbm>>, %arg4: memref<200x32x4096xf32, #tpu.memory_space<hbm>>, %arg5: memref<2x128xi32, #tpu.memory_space<vmem>>, %arg6: memref<2x128xi32, #tpu.memory_space<vmem>>, %arg7: memref<256xi32, #tpu.memory_space<vmem>>, %arg8: memref<256xi32, #tpu.memory_space<vmem>>, %arg9: memref<256x128xf32, #tpu.memory_space<vmem>>, %arg10: memref<256x128xf32, #tpu.memory_space<vmem>>, %arg11: memref<33024xf32, #tpu.memory_space<vmem>>, %arg12: memref<2x32x128xf32, #tpu.memory_space<vmem>>, %arg13: memref<2x32x128xf32, #tpu.memory_space<vmem>>, %arg14: memref<!tpu.dma_semaphore, #tpu.memory_space<semaphore_mem>>, %arg15: memref<!tpu.dma_semaphore, #tpu.memory_space<semaphore_mem>>, %arg16: memref<!tpu.dma_semaphore, #tpu.memory_space<semaphore_mem>>, %arg17: memref<!tpu.dma_semaphore, #tpu.memory_space<semaphore_mem>>) attributes {dimension_semantics = [#tpu.dimension_semantics<core_parallel>, #tpu.dimension_semantics<subcore_parallel>], iteration_bounds = array<i64: 2, 16>, scalar_prefetch = 0 : i64, scratch_operands = 13 : i64, tpu.core_type = #tpu.core_type<sc_vector_subcore>, window_params = [{transform_indices = #map}, {transform_indices = #map}, {transform_indices = #map1}]} {
    %mul3A = arith.constant 2 : i32
    %mul3A_0 = arith.muli %arg1, %mul3A : i32
    %add3A = arith.addi %mul3A_0, %arg0 : i32
    %mul3A_1 = arith.constant 128 : i32
    %mul3A_2 = arith.muli %add3A, %mul3A_1 : i32
    %iota3A = tpu.iota {dimensions = array<i32: 0>} : vector<16xi32>
    %mul3A_3 = arith.constant 129 : i32
    %mul3A_4 = vector.broadcast %mul3A_3 : i32 to vector<16xi32>
    %mul3A_5 = arith.muli %iota3A, %mul3A_4 : vector<16xi32>
    "tpu.region"() ({
      %run_scoped3A = tpu.sem_alloc : memref<!tpu.dma_semaphore, #tpu.memory_space<semaphore_mem>>
      %dma_start3A_311 = arith.constant 0 : i32
      %dma_start3A_312 = tpu.memref_slice %arg2[%dma_start3A_311, %mul3A_2] : memref<200x4096xi32, #tpu.memory_space<hbm>> -> memref<2x128xi32, #tpu.memory_space<hbm>>
      %dma_start3A_313 = arith.constant 0 : i32
      %dma_start3A_314 = tpu.memref_slice %arg2[%dma_start3A_313, %mul3A_2] : memref<200x4096xi32, #tpu.memory_space<hbm>> -> memref<2x128xi32, #tpu.memory_space<hbm>>
      tpu.enqueue_dma source(%dma_start3A_314 : memref<2x128xi32, #tpu.memory_space<hbm>>) target(%arg5 : memref<2x128xi32, #tpu.memory_space<vmem>>) target_semaphore(%run_scoped3A : memref<!tpu.dma_semaphore, #tpu.memory_space<semaphore_mem>>)
      %dma_wait3A_315 = arith.constant 0 : i32
      %dma_wait3A_316 = tpu.memref_slice %arg2[%dma_wait3A_315, %mul3A_2] : memref<200x4096xi32, #tpu.memory_space<hbm>> -> memref<2x128xi32, #tpu.memory_space<hbm>>
      %dma_wait3A_317 = arith.constant 0 : i32
      %dma_wait3A_318 = tpu.memref_slice %arg2[%dma_wait3A_317, %mul3A_2] : memref<200x4096xi32, #tpu.memory_space<hbm>> -> memref<2x128xi32, #tpu.memory_space<hbm>>
      tpu.wait_dma2 semaphore(%run_scoped3A : memref<!tpu.dma_semaphore, #tpu.memory_space<semaphore_mem>>) src(%dma_wait3A_318 : memref<2x128xi32, #tpu.memory_space<hbm>>) dst(%arg5 : memref<2x128xi32, #tpu.memory_space<vmem>>)
      tpu.yield
    }) : () -> ()
    %get3A = arith.constant 0 : i32
    %get3A_6 = arith.index_cast %get3A : i32 to index
    %get3A_7 = arith.constant 0 : index
    %get3A_8 = tpu.vector_load %arg5[%get3A_6, %get3A_7] {strides = array<i32>} : memref<2x128xi32, #tpu.memory_space<vmem>>, vector<16xi32>,
    %shift_right_logical3A = arith.constant 2 : i32
    %shift_right_logical3A_9 = vector.broadcast %shift_right_logical3A : i32 to vector<16xi32>
    %shift_right_logical3A_10 = arith.shrui %get3A_8, %shift_right_logical3A_9 : vector<16xi32>
    %swap3A = arith.constant 0 : index
    %swap3A_11 = tpu.vector_load %arg7[%swap3A] {strides = array<i32>} : memref<256xi32, #tpu.memory_space<vmem>>, vector<16xi32>,
    tpu.vector_store %arg7[%swap3A], %shift_right_logical3A_10 {strides = array<i32>} : memref<256xi32, #tpu.memory_space<vmem>>, vector<16xi32>,
    %get3A_12 = arith.constant 0 : i32
    %get3A_13 = arith.index_cast %get3A_12 : i32 to index
    %get3A_14 = arith.constant 16 : index
    %get3A_15 = tpu.vector_load %arg5[%get3A_13, %get3A_14] {strides = array<i32>} : memref<2x128xi32, #tpu.memory_space<vmem>>, vector<16xi32>,
    %shift_right_logical3A_16 = arith.constant 2 : i32
    %shift_right_logical3A_17 = vector.broadcast %shift_right_logical3A_16 : i32 to vector<16xi32>
    %shift_right_logical3A_18 = arith.shrui %get3A_15, %shift_right_logical3A_17 : vector<16xi32>
    %swap3A_19 = arith.constant 16 : index
    %swap3A_20 = tpu.vector_load %arg7[%swap3A_19] {strides = array<i32>} : memref<256xi32, #tpu.memory_space<vmem>>, vector<16xi32>,
    tpu.vector_store %arg7[%swap3A_19], %shift_right_logical3A_18 {strides = array<i32>} : memref<256xi32, #tpu.memory_space<vmem>>, vector<16xi32>,
    %get3A_21 = arith.constant 0 : i32
    %get3A_22 = arith.index_cast %get3A_21 : i32 to index
    %get3A_23 = arith.constant 32 : index
    %get3A_24 = tpu.vector_load %arg5[%get3A_22, %get3A_23] {strides = array<i32>} : memref<2x128xi32, #tpu.memory_space<vmem>>, vector<16xi32>,
    %shift_right_logical3A_25 = arith.constant 2 : i32
    %shift_right_logical3A_26 = vector.broadcast %shift_right_logical3A_25 : i32 to vector<16xi32>
    %shift_right_logical3A_27 = arith.shrui %get3A_24, %shift_right_logical3A_26 : vector<16xi32>
    %swap3A_28 = arith.constant 32 : index
    %swap3A_29 = tpu.vector_load %arg7[%swap3A_28] {strides = array<i32>} : memref<256xi32, #tpu.memory_space<vmem>>, vector<16xi32>,
    tpu.vector_store %arg7[%swap3A_28], %shift_right_logical3A_27 {strides = array<i32>} : memref<256xi32, #tpu.memory_space<vmem>>, vector<16xi32>,
    %get3A_30 = arith.constant 0 : i32
    %get3A_31 = arith.index_cast %get3A_30 : i32 to index
    %get3A_32 = arith.constant 48 : index
    %get3A_33 = tpu.vector_load %arg5[%get3A_31, %get3A_32] {strides = array<i32>} : memref<2x128xi32, #tpu.memory_space<vmem>>, vector<16xi32>,
    %shift_right_logical3A_34 = arith.constant 2 : i32
    %shift_right_logical3A_35 = vector.broadcast %shift_right_logical3A_34 : i32 to vector<16xi32>
    %shift_right_logical3A_36 = arith.shrui %get3A_33, %shift_right_logical3A_35 : vector<16xi32>
    %swap3A_37 = arith.constant 48 : index
    %swap3A_38 = tpu.vector_load %arg7[%swap3A_37] {strides = array<i32>} : memref<256xi32, #tpu.memory_space<vmem>>, vector<16xi32>,
    tpu.vector_store %arg7[%swap3A_37], %shift_right_logical3A_36 {strides = array<i32>} : memref<256xi32, #tpu.memory_space<vmem>>, vector<16xi32>,
    %get3A_39 = arith.constant 0 : i32
    %get3A_40 = arith.index_cast %get3A_39 : i32 to index
    %get3A_41 = arith.constant 64 : index
    %get3A_42 = tpu.vector_load %arg5[%get3A_40, %get3A_41] {strides = array<i32>} : memref<2x128xi32, #tpu.memory_space<vmem>>, vector<16xi32>,
    %shift_right_logical3A_43 = arith.constant 2 : i32
    %shift_right_logical3A_44 = vector.broadcast %shift_right_logical3A_43 : i32 to vector<16xi32>
    %shift_right_logical3A_45 = arith.shrui %get3A_42, %shift_right_logical3A_44 : vector<16xi32>
    %swap3A_46 = arith.constant 64 : index
    %swap3A_47 = tpu.vector_load %arg7[%swap3A_46] {strides = array<i32>} : memref<256xi32, #tpu.memory_space<vmem>>, vector<16xi32>,
    tpu.vector_store %arg7[%swap3A_46], %shift_right_logical3A_45 {strides = array<i32>} : memref<256xi32, #tpu.memory_space<vmem>>, vector<16xi32>,
    %get3A_48 = arith.constant 0 : i32
    %get3A_49 = arith.index_cast %get3A_48 : i32 to index
    %get3A_50 = arith.constant 80 : index
    %get3A_51 = tpu.vector_load %arg5[%get3A_49, %get3A_50] {strides = array<i32>} : memref<2x128xi32, #tpu.memory_space<vmem>>, vector<16xi32>,
    %shift_right_logical3A_52 = arith.constant 2 : i32
    %shift_right_logical3A_53 = vector.broadcast %shift_right_logical3A_52 : i32 to vector<16xi32>
    %shift_right_logical3A_54 = arith.shrui %get3A_51, %shift_right_logical3A_53 : vector<16xi32>
    %swap3A_55 = arith.constant 80 : index
    %swap3A_56 = tpu.vector_load %arg7[%swap3A_55] {strides = array<i32>} : memref<256xi32, #tpu.memory_space<vmem>>, vector<16xi32>,
    tpu.vector_store %arg7[%swap3A_55], %shift_right_logical3A_54 {strides = array<i32>} : memref<256xi32, #tpu.memory_space<vmem>>, vector<16xi32>,
    %get3A_57 = arith.constant 0 : i32
    %get3A_58 = arith.index_cast %get3A_57 : i32 to index
    %get3A_59 = arith.constant 96 : index
    %get3A_60 = tpu.vector_load %arg5[%get3A_58, %get3A_59] {strides = array<i32>} : memref<2x128xi32, #tpu.memory_space<vmem>>, vector<16xi32>,
    %shift_right_logical3A_61 = arith.constant 2 : i32
    %shift_right_logical3A_62 = vector.broadcast %shift_right_logical3A_61 : i32 to vector<16xi32>
    %shift_right_logical3A_63 = arith.shrui %get3A_60, %shift_right_logical3A_62 : vector<16xi32>
    %swap3A_64 = arith.constant 96 : index
    %swap3A_65 = tpu.vector_load %arg7[%swap3A_64] {strides = array<i32>} : memref<256xi32, #tpu.memory_space<vmem>>, vector<16xi32>,
    tpu.vector_store %arg7[%swap3A_64], %shift_right_logical3A_63 {strides = array<i32>} : memref<256xi32, #tpu.memory_space<vmem>>, vector<16xi32>,
    %get3A_66 = arith.constant 0 : i32
    %get3A_67 = arith.index_cast %get3A_66 : i32 to index
    %get3A_68 = arith.constant 112 : index
    %get3A_69 = tpu.vector_load %arg5[%get3A_67, %get3A_68] {strides = array<i32>} : memref<2x128xi32, #tpu.memory_space<vmem>>, vector<16xi32>,
    %shift_right_logical3A_70 = arith.constant 2 : i32
    %shift_right_logical3A_71 = vector.broadcast %shift_right_logical3A_70 : i32 to vector<16xi32>
    %shift_right_logical3A_72 = arith.shrui %get3A_69, %shift_right_logical3A_71 : vector<16xi32>
    %swap3A_73 = arith.constant 112 : index
    %swap3A_74 = tpu.vector_load %arg7[%swap3A_73] {strides = array<i32>} : memref<256xi32, #tpu.memory_space<vmem>>, vector<16xi32>,
    tpu.vector_store %arg7[%swap3A_73], %shift_right_logical3A_72 {strides = array<i32>} : memref<256xi32, #tpu.memory_space<vmem>>, vector<16xi32>,
    %get3A_75 = arith.constant 1 : i32
    %get3A_76 = arith.index_cast %get3A_75 : i32 to index
    %get3A_77 = arith.constant 0 : index
    %get3A_78 = tpu.vector_load %arg5[%get3A_76, %get3A_77] {strides = array<i32>} : memref<2x128xi32, #tpu.memory_space<vmem>>, vector<16xi32>,
    %shift_right_logical3A_79 = arith.constant 2 : i32
    %shift_right_logical3A_80 = vector.broadcast %shift_right_logical3A_79 : i32 to vector<16xi32>
    %shift_right_logical3A_81 = arith.shrui %get3A_78, %shift_right_logical3A_80 : vector<16xi32>
    %swap3A_82 = arith.constant 128 : index
    %swap3A_83 = tpu.vector_load %arg7[%swap3A_82] {strides = array<i32>} : memref<256xi32, #tpu.memory_space<vmem>>, vector<16xi32>,
    tpu.vector_store %arg7[%swap3A_82], %shift_right_logical3A_81 {strides = array<i32>} : memref<256xi32, #tpu.memory_space<vmem>>, vector<16xi32>,
    %get3A_84 = arith.constant 1 : i32
    %get3A_85 = arith.index_cast %get3A_84 : i32 to index
    %get3A_86 = arith.constant 16 : index
    %get3A_87 = tpu.vector_load %arg5[%get3A_85, %get3A_86] {strides = array<i32>} : memref<2x128xi32, #tpu.memory_space<vmem>>, vector<16xi32>,
    %shift_right_logical3A_88 = arith.constant 2 : i32
    %shift_right_logical3A_89 = vector.broadcast %shift_right_logical3A_88 : i32 to vector<16xi32>
    %shift_right_logical3A_90 = arith.shrui %get3A_87, %shift_right_logical3A_89 : vector<16xi32>
    %swap3A_91 = arith.constant 144 : index
    %swap3A_92 = tpu.vector_load %arg7[%swap3A_91] {strides = array<i32>} : memref<256xi32, #tpu.memory_space<vmem>>, vector<16xi32>,
    tpu.vector_store %arg7[%swap3A_91], %shift_right_logical3A_90 {strides = array<i32>} : memref<256xi32, #tpu.memory_space<vmem>>, vector<16xi32>,
    %get3A_93 = arith.constant 1 : i32
    %get3A_94 = arith.index_cast %get3A_93 : i32 to index
    %get3A_95 = arith.constant 32 : index
    %get3A_96 = tpu.vector_load %arg5[%get3A_94, %get3A_95] {strides = array<i32>} : memref<2x128xi32, #tpu.memory_space<vmem>>, vector<16xi32>,
    %shift_right_logical3A_97 = arith.constant 2 : i32
    %shift_right_logical3A_98 = vector.broadcast %shift_right_logical3A_97 : i32 to vector<16xi32>
    %shift_right_logical3A_99 = arith.shrui %get3A_96, %shift_right_logical3A_98 : vector<16xi32>
    %swap3A_100 = arith.constant 160 : index
    %swap3A_101 = tpu.vector_load %arg7[%swap3A_100] {strides = array<i32>} : memref<256xi32, #tpu.memory_space<vmem>>, vector<16xi32>,
    tpu.vector_store %arg7[%swap3A_100], %shift_right_logical3A_99 {strides = array<i32>} : memref<256xi32, #tpu.memory_space<vmem>>, vector<16xi32>,
    %get3A_102 = arith.constant 1 : i32
    %get3A_103 = arith.index_cast %get3A_102 : i32 to index
    %get3A_104 = arith.constant 48 : index
    %get3A_105 = tpu.vector_load %arg5[%get3A_103, %get3A_104] {strides = array<i32>} : memref<2x128xi32, #tpu.memory_space<vmem>>, vector<16xi32>,
    %shift_right_logical3A_106 = arith.constant 2 : i32
    %shift_right_logical3A_107 = vector.broadcast %shift_right_logical3A_106 : i32 to vector<16xi32>
    %shift_right_logical3A_108 = arith.shrui %get3A_105, %shift_right_logical3A_107 : vector<16xi32>
    %swap3A_109 = arith.constant 176 : index
    %swap3A_110 = tpu.vector_load %arg7[%swap3A_109] {strides = array<i32>} : memref<256xi32, #tpu.memory_space<vmem>>, vector<16xi32>,
    tpu.vector_store %arg7[%swap3A_109], %shift_right_logical3A_108 {strides = array<i32>} : memref<256xi32, #tpu.memory_space<vmem>>, vector<16xi32>,
    %get3A_111 = arith.constant 1 : i32
    %get3A_112 = arith.index_cast %get3A_111 : i32 to index
    %get3A_113 = arith.constant 64 : index
    %get3A_114 = tpu.vector_load %arg5[%get3A_112, %get3A_113] {strides = array<i32>} : memref<2x128xi32, #tpu.memory_space<vmem>>, vector<16xi32>,
    %shift_right_logical3A_115 = arith.constant 2 : i32
    %shift_right_logical3A_116 = vector.broadcast %shift_right_logical3A_115 : i32 to vector<16xi32>
    %shift_right_logical3A_117 = arith.shrui %get3A_114, %shift_right_logical3A_116 : vector<16xi32>
    %swap3A_118 = arith.constant 192 : index
    %swap3A_119 = tpu.vector_load %arg7[%swap3A_118] {strides = array<i32>} : memref<256xi32, #tpu.memory_space<vmem>>, vector<16xi32>,
    tpu.vector_store %arg7[%swap3A_118], %shift_right_logical3A_117 {strides = array<i32>} : memref<256xi32, #tpu.memory_space<vmem>>, vector<16xi32>,
    %get3A_120 = arith.constant 1 : i32
    %get3A_121 = arith.index_cast %get3A_120 : i32 to index
    %get3A_122 = arith.constant 80 : index
    %get3A_123 = tpu.vector_load %arg5[%get3A_121, %get3A_122] {strides = array<i32>} : memref<2x128xi32, #tpu.memory_space<vmem>>, vector<16xi32>,
    %shift_right_logical3A_124 = arith.constant 2 : i32
    %shift_right_logical3A_125 = vector.broadcast %shift_right_logical3A_124 : i32 to vector<16xi32>
    %shift_right_logical3A_126 = arith.shrui %get3A_123, %shift_right_logical3A_125 : vector<16xi32>
    %swap3A_127 = arith.constant 208 : index
    %swap3A_128 = tpu.vector_load %arg7[%swap3A_127] {strides = array<i32>} : memref<256xi32, #tpu.memory_space<vmem>>, vector<16xi32>,
    tpu.vector_store %arg7[%swap3A_127], %shift_right_logical3A_126 {strides = array<i32>} : memref<256xi32, #tpu.memory_space<vmem>>, vector<16xi32>,
    %get3A_129 = arith.constant 1 : i32
    %get3A_130 = arith.index_cast %get3A_129 : i32 to index
    %get3A_131 = arith.constant 96 : index
    %get3A_132 = tpu.vector_load %arg5[%get3A_130, %get3A_131] {strides = array<i32>} : memref<2x128xi32, #tpu.memory_space<vmem>>, vector<16xi32>,
    %shift_right_logical3A_133 = arith.constant 2 : i32
    %shift_right_logical3A_134 = vector.broadcast %shift_right_logical3A_133 : i32 to vector<16xi32>
    %shift_right_logical3A_135 = arith.shrui %get3A_132, %shift_right_logical3A_134 : vector<16xi32>
    %swap3A_136 = arith.constant 224 : index
    %swap3A_137 = tpu.vector_load %arg7[%swap3A_136] {strides = array<i32>} : memref<256xi32, #tpu.memory_space<vmem>>, vector<16xi32>,
    tpu.vector_store %arg7[%swap3A_136], %shift_right_logical3A_135 {strides = array<i32>} : memref<256xi32, #tpu.memory_space<vmem>>, vector<16xi32>,
    %get3A_138 = arith.constant 1 : i32
    %get3A_139 = arith.index_cast %get3A_138 : i32 to index
    %get3A_140 = arith.constant 112 : index
    %get3A_141 = tpu.vector_load %arg5[%get3A_139, %get3A_140] {strides = array<i32>} : memref<2x128xi32, #tpu.memory_space<vmem>>, vector<16xi32>,
    %shift_right_logical3A_142 = arith.constant 2 : i32
    %shift_right_logical3A_143 = vector.broadcast %shift_right_logical3A_142 : i32 to vector<16xi32>
    %shift_right_logical3A_144 = arith.shrui %get3A_141, %shift_right_logical3A_143 : vector<16xi32>
    %swap3A_145 = arith.constant 240 : index
    %swap3A_146 = tpu.vector_load %arg7[%swap3A_145] {strides = array<i32>} : memref<256xi32, #tpu.memory_space<vmem>>, vector<16xi32>,
    tpu.vector_store %arg7[%swap3A_145], %shift_right_logical3A_144 {strides = array<i32>} : memref<256xi32, #tpu.memory_space<vmem>>, vector<16xi32>,
    %dma_start3A = arith.constant 0 : i32
    %dma_start3A_147 = arith.constant 0 : i32
    %dma_start3A_148 = tpu.memref_slice %arg3[%dma_start3A, %dma_start3A_147] : memref<250000x128xf32, #tpu.memory_space<hbm>> -> memref<250000x128xf32, #tpu.memory_space<hbm>>
    tpu.enqueue_indirect_dma source(%dma_start3A_148 : memref<250000x128xf32, #tpu.memory_space<hbm>>) target(%arg9 : memref<256x128xf32, #tpu.memory_space<vmem>>) offsets(%arg7 : memref<256xi32, #tpu.memory_space<vmem>>) semaphore(%arg14 : memref<!tpu.dma_semaphore, #tpu.memory_space<semaphore_mem>>)
    "tpu.region"() ({
      %run_scoped3A = tpu.sem_alloc : memref<!tpu.dma_semaphore, #tpu.memory_space<semaphore_mem>>
      %dma_start3A_311 = arith.constant 2 : i32
      %dma_start3A_312 = tpu.memref_slice %arg2[%dma_start3A_311, %mul3A_2] : memref<200x4096xi32, #tpu.memory_space<hbm>> -> memref<2x128xi32, #tpu.memory_space<hbm>>
      %dma_start3A_313 = arith.constant 2 : i32
      %dma_start3A_314 = tpu.memref_slice %arg2[%dma_start3A_313, %mul3A_2] : memref<200x4096xi32, #tpu.memory_space<hbm>> -> memref<2x128xi32, #tpu.memory_space<hbm>>
      tpu.enqueue_dma source(%dma_start3A_314 : memref<2x128xi32, #tpu.memory_space<hbm>>) target(%arg6 : memref<2x128xi32, #tpu.memory_space<vmem>>) target_semaphore(%run_scoped3A : memref<!tpu.dma_semaphore, #tpu.memory_space<semaphore_mem>>)
      %dma_wait3A_315 = arith.constant 2 : i32
      %dma_wait3A_316 = tpu.memref_slice %arg2[%dma_wait3A_315, %mul3A_2] : memref<200x4096xi32, #tpu.memory_space<hbm>> -> memref<2x128xi32, #tpu.memory_space<hbm>>
      %dma_wait3A_317 = arith.constant 2 : i32
      %dma_wait3A_318 = tpu.memref_slice %arg2[%dma_wait3A_317, %mul3A_2] : memref<200x4096xi32, #tpu.memory_space<hbm>> -> memref<2x128xi32, #tpu.memory_space<hbm>>
      tpu.wait_dma2 semaphore(%run_scoped3A : memref<!tpu.dma_semaphore, #tpu.memory_space<semaphore_mem>>) src(%dma_wait3A_318 : memref<2x128xi32, #tpu.memory_space<hbm>>) dst(%arg6 : memref<2x128xi32, #tpu.memory_space<vmem>>)
      tpu.yield
    }) : () -> ()
    %get3A_149 = arith.constant 0 : i32
    %get3A_150 = arith.index_cast %get3A_149 : i32 to index
    %get3A_151 = arith.constant 0 : index
    %get3A_152 = tpu.vector_load %arg6[%get3A_150, %get3A_151] {strides = array<i32>} : memref<2x128xi32, #tpu.memory_space<vmem>>, vector<16xi32>,
    %shift_right_logical3A_153 = arith.constant 2 : i32
    %shift_right_logical3A_154 = vector.broadcast %shift_right_logical3A_153 : i32 to vector<16xi32>
    %shift_right_logical3A_155 = arith.shrui %get3A_152, %shift_right_logical3A_154 : vector<16xi32>
    %swap3A_156 = arith.constant 0 : index
    %swap3A_157 = tpu.vector_load %arg8[%swap3A_156] {strides = array<i32>} : memref<256xi32, #tpu.memory_space<vmem>>, vector<16xi32>,
    tpu.vector_store %arg8[%swap3A_156], %shift_right_logical3A_155 {strides = array<i32>} : memref<256xi32, #tpu.memory_space<vmem>>, vector<16xi32>,
    %get3A_158 = arith.constant 0 : i32
    %get3A_159 = arith.index_cast %get3A_158 : i32 to index
    %get3A_160 = arith.constant 16 : index
    %get3A_161 = tpu.vector_load %arg6[%get3A_159, %get3A_160] {strides = array<i32>} : memref<2x128xi32, #tpu.memory_space<vmem>>, vector<16xi32>,
    %shift_right_logical3A_162 = arith.constant 2 : i32
    %shift_right_logical3A_163 = vector.broadcast %shift_right_logical3A_162 : i32 to vector<16xi32>
    %shift_right_logical3A_164 = arith.shrui %get3A_161, %shift_right_logical3A_163 : vector<16xi32>
    %swap3A_165 = arith.constant 16 : index
    %swap3A_166 = tpu.vector_load %arg8[%swap3A_165] {strides = array<i32>} : memref<256xi32, #tpu.memory_space<vmem>>, vector<16xi32>,
    tpu.vector_store %arg8[%swap3A_165], %shift_right_logical3A_164 {strides = array<i32>} : memref<256xi32, #tpu.memory_space<vmem>>, vector<16xi32>,
    %get3A_167 = arith.constant 0 : i32
    %get3A_168 = arith.index_cast %get3A_167 : i32 to index
    %get3A_169 = arith.constant 32 : index
    %get3A_170 = tpu.vector_load %arg6[%get3A_168, %get3A_169] {strides = array<i32>} : memref<2x128xi32, #tpu.memory_space<vmem>>, vector<16xi32>,
    %shift_right_logical3A_171 = arith.constant 2 : i32
    %shift_right_logical3A_172 = vector.broadcast %shift_right_logical3A_171 : i32 to vector<16xi32>
    %shift_right_logical3A_173 = arith.shrui %get3A_170, %shift_right_logical3A_172 : vector<16xi32>
    %swap3A_174 = arith.constant 32 : index
    %swap3A_175 = tpu.vector_load %arg8[%swap3A_174] {strides = array<i32>} : memref<256xi32, #tpu.memory_space<vmem>>, vector<16xi32>,
    tpu.vector_store %arg8[%swap3A_174], %shift_right_logical3A_173 {strides = array<i32>} : memref<256xi32, #tpu.memory_space<vmem>>, vector<16xi32>,
    %get3A_176 = arith.constant 0 : i32
    %get3A_177 = arith.index_cast %get3A_176 : i32 to index
    %get3A_178 = arith.constant 48 : index
    %get3A_179 = tpu.vector_load %arg6[%get3A_177, %get3A_178] {strides = array<i32>} : memref<2x128xi32, #tpu.memory_space<vmem>>, vector<16xi32>,
    %shift_right_logical3A_180 = arith.constant 2 : i32
    %shift_right_logical3A_181 = vector.broadcast %shift_right_logical3A_180 : i32 to vector<16xi32>
    %shift_right_logical3A_182 = arith.shrui %get3A_179, %shift_right_logical3A_181 : vector<16xi32>
    %swap3A_183 = arith.constant 48 : index
    %swap3A_184 = tpu.vector_load %arg8[%swap3A_183] {strides = array<i32>} : memref<256xi32, #tpu.memory_space<vmem>>, vector<16xi32>,
    tpu.vector_store %arg8[%swap3A_183], %shift_right_logical3A_182 {strides = array<i32>} : memref<256xi32, #tpu.memory_space<vmem>>, vector<16xi32>,
    %get3A_185 = arith.constant 0 : i32
    %get3A_186 = arith.index_cast %get3A_185 : i32 to index
    %get3A_187 = arith.constant 64 : index
    %get3A_188 = tpu.vector_load %arg6[%get3A_186, %get3A_187] {strides = array<i32>} : memref<2x128xi32, #tpu.memory_space<vmem>>, vector<16xi32>,
    %shift_right_logical3A_189 = arith.constant 2 : i32
    %shift_right_logical3A_190 = vector.broadcast %shift_right_logical3A_189 : i32 to vector<16xi32>
    %shift_right_logical3A_191 = arith.shrui %get3A_188, %shift_right_logical3A_190 : vector<16xi32>
    %swap3A_192 = arith.constant 64 : index
    %swap3A_193 = tpu.vector_load %arg8[%swap3A_192] {strides = array<i32>} : memref<256xi32, #tpu.memory_space<vmem>>, vector<16xi32>,
    tpu.vector_store %arg8[%swap3A_192], %shift_right_logical3A_191 {strides = array<i32>} : memref<256xi32, #tpu.memory_space<vmem>>, vector<16xi32>,
    %get3A_194 = arith.constant 0 : i32
    %get3A_195 = arith.index_cast %get3A_194 : i32 to index
    %get3A_196 = arith.constant 80 : index
    %get3A_197 = tpu.vector_load %arg6[%get3A_195, %get3A_196] {strides = array<i32>} : memref<2x128xi32, #tpu.memory_space<vmem>>, vector<16xi32>,
    %shift_right_logical3A_198 = arith.constant 2 : i32
    %shift_right_logical3A_199 = vector.broadcast %shift_right_logical3A_198 : i32 to vector<16xi32>
    %shift_right_logical3A_200 = arith.shrui %get3A_197, %shift_right_logical3A_199 : vector<16xi32>
    %swap3A_201 = arith.constant 80 : index
    %swap3A_202 = tpu.vector_load %arg8[%swap3A_201] {strides = array<i32>} : memref<256xi32, #tpu.memory_space<vmem>>, vector<16xi32>,
    tpu.vector_store %arg8[%swap3A_201], %shift_right_logical3A_200 {strides = array<i32>} : memref<256xi32, #tpu.memory_space<vmem>>, vector<16xi32>,
    %get3A_203 = arith.constant 0 : i32
    %get3A_204 = arith.index_cast %get3A_203 : i32 to index
    %get3A_205 = arith.constant 96 : index
    %get3A_206 = tpu.vector_load %arg6[%get3A_204, %get3A_205] {strides = array<i32>} : memref<2x128xi32, #tpu.memory_space<vmem>>, vector<16xi32>,
    %shift_right_logical3A_207 = arith.constant 2 : i32
    %shift_right_logical3A_208 = vector.broadcast %shift_right_logical3A_207 : i32 to vector<16xi32>
    %shift_right_logical3A_209 = arith.shrui %get3A_206, %shift_right_logical3A_208 : vector<16xi32>
    %swap3A_210 = arith.constant 96 : index
    %swap3A_211 = tpu.vector_load %arg8[%swap3A_210] {strides = array<i32>} : memref<256xi32, #tpu.memory_space<vmem>>, vector<16xi32>,
    tpu.vector_store %arg8[%swap3A_210], %shift_right_logical3A_209 {strides = array<i32>} : memref<256xi32, #tpu.memory_space<vmem>>, vector<16xi32>,
    %get3A_212 = arith.constant 0 : i32
    %get3A_213 = arith.index_cast %get3A_212 : i32 to index
    %get3A_214 = arith.constant 112 : index
    %get3A_215 = tpu.vector_load %arg6[%get3A_213, %get3A_214] {strides = array<i32>} : memref<2x128xi32, #tpu.memory_space<vmem>>, vector<16xi32>,
    %shift_right_logical3A_216 = arith.constant 2 : i32
    %shift_right_logical3A_217 = vector.broadcast %shift_right_logical3A_216 : i32 to vector<16xi32>
    %shift_right_logical3A_218 = arith.shrui %get3A_215, %shift_right_logical3A_217 : vector<16xi32>
    %swap3A_219 = arith.constant 112 : index
    %swap3A_220 = tpu.vector_load %arg8[%swap3A_219] {strides = array<i32>} : memref<256xi32, #tpu.memory_space<vmem>>, vector<16xi32>,
    tpu.vector_store %arg8[%swap3A_219], %shift_right_logical3A_218 {strides = array<i32>} : memref<256xi32, #tpu.memory_space<vmem>>, vector<16xi32>,
    %get3A_221 = arith.constant 1 : i32
    %get3A_222 = arith.index_cast %get3A_221 : i32 to index
    %get3A_223 = arith.constant 0 : index
    %get3A_224 = tpu.vector_load %arg6[%get3A_222, %get3A_223] {strides = array<i32>} : memref<2x128xi32, #tpu.memory_space<vmem>>, vector<16xi32>,
    %shift_right_logical3A_225 = arith.constant 2 : i32
    %shift_right_logical3A_226 = vector.broadcast %shift_right_logical3A_225 : i32 to vector<16xi32>
    %shift_right_logical3A_227 = arith.shrui %get3A_224, %shift_right_logical3A_226 : vector<16xi32>
    %swap3A_228 = arith.constant 128 : index
    %swap3A_229 = tpu.vector_load %arg8[%swap3A_228] {strides = array<i32>} : memref<256xi32, #tpu.memory_space<vmem>>, vector<16xi32>,
    tpu.vector_store %arg8[%swap3A_228], %shift_right_logical3A_227 {strides = array<i32>} : memref<256xi32, #tpu.memory_space<vmem>>, vector<16xi32>,
    %get3A_230 = arith.constant 1 : i32
    %get3A_231 = arith.index_cast %get3A_230 : i32 to index
    %get3A_232 = arith.constant 16 : index
    %get3A_233 = tpu.vector_load %arg6[%get3A_231, %get3A_232] {strides = array<i32>} : memref<2x128xi32, #tpu.memory_space<vmem>>, vector<16xi32>,
    %shift_right_logical3A_234 = arith.constant 2 : i32
    %shift_right_logical3A_235 = vector.broadcast %shift_right_logical3A_234 : i32 to vector<16xi32>
    %shift_right_logical3A_236 = arith.shrui %get3A_233, %shift_right_logical3A_235 : vector<16xi32>
    %swap3A_237 = arith.constant 144 : index
    %swap3A_238 = tpu.vector_load %arg8[%swap3A_237] {strides = array<i32>} : memref<256xi32, #tpu.memory_space<vmem>>, vector<16xi32>,
    tpu.vector_store %arg8[%swap3A_237], %shift_right_logical3A_236 {strides = array<i32>} : memref<256xi32, #tpu.memory_space<vmem>>, vector<16xi32>,
    %get3A_239 = arith.constant 1 : i32
    %get3A_240 = arith.index_cast %get3A_239 : i32 to index
    %get3A_241 = arith.constant 32 : index
    %get3A_242 = tpu.vector_load %arg6[%get3A_240, %get3A_241] {strides = array<i32>} : memref<2x128xi32, #tpu.memory_space<vmem>>, vector<16xi32>,
    %shift_right_logical3A_243 = arith.constant 2 : i32
    %shift_right_logical3A_244 = vector.broadcast %shift_right_logical3A_243 : i32 to vector<16xi32>
    %shift_right_logical3A_245 = arith.shrui %get3A_242, %shift_right_logical3A_244 : vector<16xi32>
    %swap3A_246 = arith.constant 160 : index
    %swap3A_247 = tpu.vector_load %arg8[%swap3A_246] {strides = array<i32>} : memref<256xi32, #tpu.memory_space<vmem>>, vector<16xi32>,
    tpu.vector_store %arg8[%swap3A_246], %shift_right_logical3A_245 {strides = array<i32>} : memref<256xi32, #tpu.memory_space<vmem>>, vector<16xi32>,
    %get3A_248 = arith.constant 1 : i32
    %get3A_249 = arith.index_cast %get3A_248 : i32 to index
    %get3A_250 = arith.constant 48 : index
    %get3A_251 = tpu.vector_load %arg6[%get3A_249, %get3A_250] {strides = array<i32>} : memref<2x128xi32, #tpu.memory_space<vmem>>, vector<16xi32>,
    %shift_right_logical3A_252 = arith.constant 2 : i32
    %shift_right_logical3A_253 = vector.broadcast %shift_right_logical3A_252 : i32 to vector<16xi32>
    %shift_right_logical3A_254 = arith.shrui %get3A_251, %shift_right_logical3A_253 : vector<16xi32>
    %swap3A_255 = arith.constant 176 : index
    %swap3A_256 = tpu.vector_load %arg8[%swap3A_255] {strides = array<i32>} : memref<256xi32, #tpu.memory_space<vmem>>, vector<16xi32>,
    tpu.vector_store %arg8[%swap3A_255], %shift_right_logical3A_254 {strides = array<i32>} : memref<256xi32, #tpu.memory_space<vmem>>, vector<16xi32>,
    %get3A_257 = arith.constant 1 : i32
    %get3A_258 = arith.index_cast %get3A_257 : i32 to index
    %get3A_259 = arith.constant 64 : index
    %get3A_260 = tpu.vector_load %arg6[%get3A_258, %get3A_259] {strides = array<i32>} : memref<2x128xi32, #tpu.memory_space<vmem>>, vector<16xi32>,
    %shift_right_logical3A_261 = arith.constant 2 : i32
    %shift_right_logical3A_262 = vector.broadcast %shift_right_logical3A_261 : i32 to vector<16xi32>
    %shift_right_logical3A_263 = arith.shrui %get3A_260, %shift_right_logical3A_262 : vector<16xi32>
    %swap3A_264 = arith.constant 192 : index
    %swap3A_265 = tpu.vector_load %arg8[%swap3A_264] {strides = array<i32>} : memref<256xi32, #tpu.memory_space<vmem>>, vector<16xi32>,
    tpu.vector_store %arg8[%swap3A_264], %shift_right_logical3A_263 {strides = array<i32>} : memref<256xi32, #tpu.memory_space<vmem>>, vector<16xi32>,
    %get3A_266 = arith.constant 1 : i32
    %get3A_267 = arith.index_cast %get3A_266 : i32 to index
    %get3A_268 = arith.constant 80 : index
    %get3A_269 = tpu.vector_load %arg6[%get3A_267, %get3A_268] {strides = array<i32>} : memref<2x128xi32, #tpu.memory_space<vmem>>, vector<16xi32>,
    %shift_right_logical3A_270 = arith.constant 2 : i32
    %shift_right_logical3A_271 = vector.broadcast %shift_right_logical3A_270 : i32 to vector<16xi32>
    %shift_right_logical3A_272 = arith.shrui %get3A_269, %shift_right_logical3A_271 : vector<16xi32>
    %swap3A_273 = arith.constant 208 : index
    %swap3A_274 = tpu.vector_load %arg8[%swap3A_273] {strides = array<i32>} : memref<256xi32, #tpu.memory_space<vmem>>, vector<16xi32>,
    tpu.vector_store %arg8[%swap3A_273], %shift_right_logical3A_272 {strides = array<i32>} : memref<256xi32, #tpu.memory_space<vmem>>, vector<16xi32>,
    %get3A_275 = arith.constant 1 : i32
    %get3A_276 = arith.index_cast %get3A_275 : i32 to index
    %get3A_277 = arith.constant 96 : index
    %get3A_278 = tpu.vector_load %arg6[%get3A_276, %get3A_277] {strides = array<i32>} : memref<2x128xi32, #tpu.memory_space<vmem>>, vector<16xi32>,
    %shift_right_logical3A_279 = arith.constant 2 : i32
    %shift_right_logical3A_280 = vector.broadcast %shift_right_logical3A_279 : i32 to vector<16xi32>
    %shift_right_logical3A_281 = arith.shrui %get3A_278, %shift_right_logical3A_280 : vector<16xi32>
    %swap3A_282 = arith.constant 224 : index
    %swap3A_283 = tpu.vector_load %arg8[%swap3A_282] {strides = array<i32>} : memref<256xi32, #tpu.memory_space<vmem>>, vector<16xi32>,
    tpu.vector_store %arg8[%swap3A_282], %shift_right_logical3A_281 {strides = array<i32>} : memref<256xi32, #tpu.memory_space<vmem>>, vector<16xi32>,
    %get3A_284 = arith.constant 1 : i32
    %get3A_285 = arith.index_cast %get3A_284 : i32 to index
    %get3A_286 = arith.constant 112 : index
    %get3A_287 = tpu.vector_load %arg6[%get3A_285, %get3A_286] {strides = array<i32>} : memref<2x128xi32, #tpu.memory_space<vmem>>, vector<16xi32>,
    %shift_right_logical3A_288 = arith.constant 2 : i32
    %shift_right_logical3A_289 = vector.broadcast %shift_right_logical3A_288 : i32 to vector<16xi32>
    %shift_right_logical3A_290 = arith.shrui %get3A_287, %shift_right_logical3A_289 : vector<16xi32>
    %swap3A_291 = arith.constant 240 : index
    %swap3A_292 = tpu.vector_load %arg8[%swap3A_291] {strides = array<i32>} : memref<256xi32, #tpu.memory_space<vmem>>, vector<16xi32>,
    tpu.vector_store %arg8[%swap3A_291], %shift_right_logical3A_290 {strides = array<i32>} : memref<256xi32, #tpu.memory_space<vmem>>, vector<16xi32>,
    %dma_start3A_293 = arith.constant 0 : i32
    %dma_start3A_294 = arith.constant 0 : i32
    %dma_start3A_295 = tpu.memref_slice %arg3[%dma_start3A_293, %dma_start3A_294] : memref<250000x128xf32, #tpu.memory_space<hbm>> -> memref<250000x128xf32, #tpu.memory_space<hbm>>
    tpu.enqueue_indirect_dma source(%dma_start3A_295 : memref<250000x128xf32, #tpu.memory_space<hbm>>) target(%arg10 : memref<256x128xf32, #tpu.memory_space<vmem>>) offsets(%arg8 : memref<256xi32, #tpu.memory_space<vmem>>) semaphore(%arg15 : memref<!tpu.dma_semaphore, #tpu.memory_space<semaphore_mem>>)
    %scan3A = arith.constant 0 : i32
    %scan3A_296 = arith.constant 50 : i32
    %scan3A_297 = arith.addi %scan3A, %scan3A_296 : i32
    %scan3A_298 = arith.constant 1 : i32
    scf.for %scan3A_311 = %scan3A to %scan3A_297 step %scan3A_298  : i32 {
      %mul3A_312 = arith.constant 2 : i32
      %mul3A_313 = arith.muli %scan3A_311, %mul3A_312 : i32
      %add3A_314 = arith.constant 0 : i32
      %add3A_315 = arith.addi %add3A_314, %mul3A_313 : i32
      %add3A_316 = arith.constant 0 : i32
      %add3A_317 = arith.addi %add3A_315, %add3A_316 : i32
      %dma_wait3A_318 = arith.constant 0 : i32
      %dma_wait3A_319 = arith.constant 0 : i32
      %dma_wait3A_320 = tpu.memref_slice %arg3[%dma_wait3A_318, %dma_wait3A_319] : memref<250000x128xf32, #tpu.memory_space<hbm>> -> memref<250000x128xf32, #tpu.memory_space<hbm>>
      tpu.wait_indirect_dma semaphore(%arg14 : memref<!tpu.dma_semaphore, #tpu.memory_space<semaphore_mem>>) src(%dma_wait3A_320 : memref<250000x128xf32, #tpu.memory_space<hbm>>) dst(%arg9 : memref<256x128xf32, #tpu.memory_space<vmem>>)
      %ge3A = arith.constant 2 : i32
      %ge3A_321 = arith.cmpi sge, %add3A_317, %ge3A : i32
      %convert_element_type3A = arith.extui %ge3A_321 : i1 to i32
      %cond3A = arith.constant 0 : i32
      %cond3A_322 = arith.cmpi ne, %convert_element_type3A, %cond3A : i32
      scf.if %cond3A_322 {
        %dma_wait3A_383 = arith.constant 0 : i32
        %dma_wait3A_384 = arith.constant 0 : i32
        %dma_wait3A_385 = tpu.memref_slice %arg4[%dma_wait3A_383, %dma_wait3A_384, %mul3A_2] : memref<200x32x4096xf32, #tpu.memory_space<hbm>> -> memref<2x32x128xf32, #tpu.memory_space<hbm>>
        %dma_wait3A_386 = arith.constant 0 : i32
        %dma_wait3A_387 = arith.constant 0 : i32
        %dma_wait3A_388 = tpu.memref_slice %arg4[%dma_wait3A_386, %dma_wait3A_387, %mul3A_2] : memref<200x32x4096xf32, #tpu.memory_space<hbm>> -> memref<2x32x128xf32, #tpu.memory_space<hbm>>
        tpu.wait_dma2 semaphore(%arg16 : memref<!tpu.dma_semaphore, #tpu.memory_space<semaphore_mem>>) src(%arg12 : memref<2x32x128xf32, #tpu.memory_space<vmem>>) dst(%dma_wait3A_388 : memref<2x32x128xf32, #tpu.memory_space<hbm>>)
      } else {
      }
      %parallel_loop3A = arith.constant 0 : i32
      %parallel_loop3A_323 = arith.constant 256 : i32
      %parallel_loop3A_324 = arith.constant 1 : i32
      scf.for %parallel_loop3A_383 = %parallel_loop3A to %parallel_loop3A_323 step %parallel_loop3A_324  : i32 {
        %parallel_loop3A_384 = arith.index_cast %parallel_loop3A_383 : i32 to index
        %parallel_loop3A_385 = arith.constant 0 : index
        %parallel_loop3A_386 = tpu.vector_load %arg9[%parallel_loop3A_384, %parallel_loop3A_385] {strides = array<i32>} : memref<256x128xf32, #tpu.memory_space<vmem>>, vector<16xf32>,
        %parallel_loop3A_387 = arith.constant 129 : i32
        %parallel_loop3A_388 = arith.muli %parallel_loop3A_383, %parallel_loop3A_387 : i32
        %parallel_loop3A_389 = arith.constant 0 : i32
        %parallel_loop3A_390 = arith.addi %parallel_loop3A_388, %parallel_loop3A_389 : i32
        %parallel_loop3A_391 = arith.index_cast %parallel_loop3A_390 : i32 to index
        %parallel_loop3A_392 = tpu.vector_load %arg11[%parallel_loop3A_391] {strides = array<i32>} : memref<33024xf32, #tpu.memory_space<vmem>>, vector<16xf32>,
        tpu.vector_store %arg11[%parallel_loop3A_391], %parallel_loop3A_386 {strides = array<i32>} : memref<33024xf32, #tpu.memory_space<vmem>>, vector<16xf32>,
        %parallel_loop3A_393 = arith.index_cast %parallel_loop3A_383 : i32 to index
        %parallel_loop3A_394 = arith.constant 16 : index
        %parallel_loop3A_395 = tpu.vector_load %arg9[%parallel_loop3A_393, %parallel_loop3A_394] {strides = array<i32>} : memref<256x128xf32, #tpu.memory_space<vmem>>, vector<16xf32>,
        %parallel_loop3A_396 = arith.constant 129 : i32
        %parallel_loop3A_397 = arith.muli %parallel_loop3A_383, %parallel_loop3A_396 : i32
        %parallel_loop3A_398 = arith.constant 16 : i32
        %parallel_loop3A_399 = arith.addi %parallel_loop3A_397, %parallel_loop3A_398 : i32
        %parallel_loop3A_400 = arith.index_cast %parallel_loop3A_399 : i32 to index
        %parallel_loop3A_401 = tpu.vector_load %arg11[%parallel_loop3A_400] {strides = array<i32>} : memref<33024xf32, #tpu.memory_space<vmem>>, vector<16xf32>,
        tpu.vector_store %arg11[%parallel_loop3A_400], %parallel_loop3A_395 {strides = array<i32>} : memref<33024xf32, #tpu.memory_space<vmem>>, vector<16xf32>,
        %parallel_loop3A_402 = arith.index_cast %parallel_loop3A_383 : i32 to index
        %parallel_loop3A_403 = arith.constant 32 : index
        %parallel_loop3A_404 = tpu.vector_load %arg9[%parallel_loop3A_402, %parallel_loop3A_403] {strides = array<i32>} : memref<256x128xf32, #tpu.memory_space<vmem>>, vector<16xf32>,
        %parallel_loop3A_405 = arith.constant 129 : i32
        %parallel_loop3A_406 = arith.muli %parallel_loop3A_383, %parallel_loop3A_405 : i32
        %parallel_loop3A_407 = arith.constant 32 : i32
        %parallel_loop3A_408 = arith.addi %parallel_loop3A_406, %parallel_loop3A_407 : i32
        %parallel_loop3A_409 = arith.index_cast %parallel_loop3A_408 : i32 to index
        %parallel_loop3A_410 = tpu.vector_load %arg11[%parallel_loop3A_409] {strides = array<i32>} : memref<33024xf32, #tpu.memory_space<vmem>>, vector<16xf32>,
        tpu.vector_store %arg11[%parallel_loop3A_409], %parallel_loop3A_404 {strides = array<i32>} : memref<33024xf32, #tpu.memory_space<vmem>>, vector<16xf32>,
        %parallel_loop3A_411 = arith.index_cast %parallel_loop3A_383 : i32 to index
        %parallel_loop3A_412 = arith.constant 48 : index
        %parallel_loop3A_413 = tpu.vector_load %arg9[%parallel_loop3A_411, %parallel_loop3A_412] {strides = array<i32>} : memref<256x128xf32, #tpu.memory_space<vmem>>, vector<16xf32>,
        %parallel_loop3A_414 = arith.constant 129 : i32
        %parallel_loop3A_415 = arith.muli %parallel_loop3A_383, %parallel_loop3A_414 : i32
        %parallel_loop3A_416 = arith.constant 48 : i32
        %parallel_loop3A_417 = arith.addi %parallel_loop3A_415, %parallel_loop3A_416 : i32
        %parallel_loop3A_418 = arith.index_cast %parallel_loop3A_417 : i32 to index
        %parallel_loop3A_419 = tpu.vector_load %arg11[%parallel_loop3A_418] {strides = array<i32>} : memref<33024xf32, #tpu.memory_space<vmem>>, vector<16xf32>,
        tpu.vector_store %arg11[%parallel_loop3A_418], %parallel_loop3A_413 {strides = array<i32>} : memref<33024xf32, #tpu.memory_space<vmem>>, vector<16xf32>,
        %parallel_loop3A_420 = arith.index_cast %parallel_loop3A_383 : i32 to index
        %parallel_loop3A_421 = arith.constant 64 : index
        %parallel_loop3A_422 = tpu.vector_load %arg9[%parallel_loop3A_420, %parallel_loop3A_421] {strides = array<i32>} : memref<256x128xf32, #tpu.memory_space<vmem>>, vector<16xf32>,
        %parallel_loop3A_423 = arith.constant 129 : i32
        %parallel_loop3A_424 = arith.muli %parallel_loop3A_383, %parallel_loop3A_423 : i32
        %parallel_loop3A_425 = arith.constant 64 : i32
        %parallel_loop3A_426 = arith.addi %parallel_loop3A_424, %parallel_loop3A_425 : i32
        %parallel_loop3A_427 = arith.index_cast %parallel_loop3A_426 : i32 to index
        %parallel_loop3A_428 = tpu.vector_load %arg11[%parallel_loop3A_427] {strides = array<i32>} : memref<33024xf32, #tpu.memory_space<vmem>>, vector<16xf32>,
        tpu.vector_store %arg11[%parallel_loop3A_427], %parallel_loop3A_422 {strides = array<i32>} : memref<33024xf32, #tpu.memory_space<vmem>>, vector<16xf32>,
        %parallel_loop3A_429 = arith.index_cast %parallel_loop3A_383 : i32 to index
        %parallel_loop3A_430 = arith.constant 80 : index
        %parallel_loop3A_431 = tpu.vector_load %arg9[%parallel_loop3A_429, %parallel_loop3A_430] {strides = array<i32>} : memref<256x128xf32, #tpu.memory_space<vmem>>, vector<16xf32>,
        %parallel_loop3A_432 = arith.constant 129 : i32
        %parallel_loop3A_433 = arith.muli %parallel_loop3A_383, %parallel_loop3A_432 : i32
        %parallel_loop3A_434 = arith.constant 80 : i32
        %parallel_loop3A_435 = arith.addi %parallel_loop3A_433, %parallel_loop3A_434 : i32
        %parallel_loop3A_436 = arith.index_cast %parallel_loop3A_435 : i32 to index
        %parallel_loop3A_437 = tpu.vector_load %arg11[%parallel_loop3A_436] {strides = array<i32>} : memref<33024xf32, #tpu.memory_space<vmem>>, vector<16xf32>,
        tpu.vector_store %arg11[%parallel_loop3A_436], %parallel_loop3A_431 {strides = array<i32>} : memref<33024xf32, #tpu.memory_space<vmem>>, vector<16xf32>,
        %parallel_loop3A_438 = arith.index_cast %parallel_loop3A_383 : i32 to index
        %parallel_loop3A_439 = arith.constant 96 : index
        %parallel_loop3A_440 = tpu.vector_load %arg9[%parallel_loop3A_438, %parallel_loop3A_439] {strides = array<i32>} : memref<256x128xf32, #tpu.memory_space<vmem>>, vector<16xf32>,
        %parallel_loop3A_441 = arith.constant 129 : i32
        %parallel_loop3A_442 = arith.muli %parallel_loop3A_383, %parallel_loop3A_441 : i32
        %parallel_loop3A_443 = arith.constant 96 : i32
        %parallel_loop3A_444 = arith.addi %parallel_loop3A_442, %parallel_loop3A_443 : i32
        %parallel_loop3A_445 = arith.index_cast %parallel_loop3A_444 : i32 to index
        %parallel_loop3A_446 = tpu.vector_load %arg11[%parallel_loop3A_445] {strides = array<i32>} : memref<33024xf32, #tpu.memory_space<vmem>>, vector<16xf32>,
        tpu.vector_store %arg11[%parallel_loop3A_445], %parallel_loop3A_440 {strides = array<i32>} : memref<33024xf32, #tpu.memory_space<vmem>>, vector<16xf32>,
        %parallel_loop3A_447 = arith.index_cast %parallel_loop3A_383 : i32 to index
        %parallel_loop3A_448 = arith.constant 112 : index
        %parallel_loop3A_449 = tpu.vector_load %arg9[%parallel_loop3A_447, %parallel_loop3A_448] {strides = array<i32>} : memref<256x128xf32, #tpu.memory_space<vmem>>, vector<16xf32>,
        %parallel_loop3A_450 = arith.constant 129 : i32
        %parallel_loop3A_451 = arith.muli %parallel_loop3A_383, %parallel_loop3A_450 : i32
        %parallel_loop3A_452 = arith.constant 112 : i32
        %parallel_loop3A_453 = arith.addi %parallel_loop3A_451, %parallel_loop3A_452 : i32
        %parallel_loop3A_454 = arith.index_cast %parallel_loop3A_453 : i32 to index
        %parallel_loop3A_455 = tpu.vector_load %arg11[%parallel_loop3A_454] {strides = array<i32>} : memref<33024xf32, #tpu.memory_space<vmem>>, vector<16xf32>,
        tpu.vector_store %arg11[%parallel_loop3A_454], %parallel_loop3A_449 {strides = array<i32>} : memref<33024xf32, #tpu.memory_space<vmem>>, vector<16xf32>,
      } {sc.loop_unroll_factor = 2 : i64, sc.parallel_access}
      %scan3A_325 = arith.constant 0 : i32
      %scan3A_326 = arith.constant 8 : i32
      %scan3A_327 = arith.addi %scan3A_325, %scan3A_326 : i32
      %scan3A_328 = arith.constant 1 : i32
      scf.for %scan3A_383 = %scan3A_325 to %scan3A_327 step %scan3A_328  : i32 {
        %mul3A_384 = arith.constant 1 : i32
        %mul3A_385 = arith.muli %scan3A_383, %mul3A_384 : i32
        %add3A_386 = arith.constant 0 : i32
        %add3A_387 = arith.addi %add3A_386, %mul3A_385 : i32
        %mul3A_388 = arith.constant 16 : i32
        %mul3A_389 = arith.muli %add3A_387, %mul3A_388 : i32
        %get3A_390 = arith.constant 0 : i32
        %get3A_391 = arith.index_cast %get3A_390 : i32 to index
        %get3A_392 = arith.index_cast %mul3A_389 : i32 to index
        %get3A_393 = tpu.vector_load %arg5[%get3A_391, %get3A_392] {strides = array<i32>} : memref<2x128xi32, #tpu.memory_space<vmem>>, vector<16xi32>,
        %and3A = arith.constant 3 : i32
        %and3A_394 = vector.broadcast %and3A : i32 to vector<16xi32>
        %and3A_395 = arith.andi %get3A_393, %and3A_394 : vector<16xi32>
        %mul3A_396 = arith.constant 32 : i32
        %mul3A_397 = vector.broadcast %mul3A_396 : i32 to vector<16xi32>
        %mul3A_398 = arith.muli %and3A_395, %mul3A_397 : vector<16xi32>
        %mul3A_399 = arith.constant 16 : i32
        %mul3A_400 = arith.muli %add3A_387, %mul3A_399 : i32
        %add3A_401 = arith.constant 0 : i32
        %add3A_402 = arith.addi %add3A_401, %mul3A_400 : i32
        %mul3A_403 = arith.constant 129 : i32
        %mul3A_404 = arith.muli %add3A_402, %mul3A_403 : i32
        %add3A_405 = vector.broadcast %mul3A_404 : i32 to vector<16xi32>
        %add3A_406 = arith.addi %add3A_405, %mul3A_5 : vector<16xi32>
        %add3A_407 = arith.addi %add3A_406, %mul3A_398 : vector<16xi32>
        %add3A_408 = arith.constant 0 : i32
        %add3A_409 = vector.broadcast %add3A_408 : i32 to vector<16xi32>
        %add3A_410 = arith.addi %add3A_407, %add3A_409 : vector<16xi32>
        %gather3A = tpu.vector_load_idx %arg11[%add3A_410] : memref<33024xf32, #tpu.memory_space<vmem>>[vector<16xi32>], vector<16xf32>,
        %mul3A_411 = arith.constant 16 : i32
        %mul3A_412 = arith.muli %add3A_387, %mul3A_411 : i32
        %swap3A_413 = arith.constant 0 : i32
        %swap3A_414 = arith.constant 0 : i32
        %swap3A_415 = arith.index_cast %swap3A_413 : i32 to index
        %swap3A_416 = arith.index_cast %swap3A_414 : i32 to index
        %swap3A_417 = arith.index_cast %mul3A_412 : i32 to index
        %swap3A_418 = tpu.vector_load %arg12[%swap3A_415, %swap3A_416, %swap3A_417] {strides = array<i32>} : memref<2x32x128xf32, #tpu.memory_space<vmem>>, vector<16xf32>,
        tpu.vector_store %arg12[%swap3A_415, %swap3A_416, %swap3A_417], %gather3A {strides = array<i32>} : memref<2x32x128xf32, #tpu.memory_space<vmem>>, vector<16xf32>,
        %add3A_419 = arith.constant 1 : i32
        %add3A_420 = vector.broadcast %add3A_419 : i32 to vector<16xi32>
        %add3A_421 = arith.addi %add3A_407, %add3A_420 : vector<16xi32>
        %gather3A_422 = tpu.vector_load_idx %arg11[%add3A_421] : memref<33024xf32, #tpu.memory_space<vmem>>[vector<16xi32>], vector<16xf32>,
        %mul3A_423 = arith.constant 16 : i32
        %mul3A_424 = arith.muli %add3A_387, %mul3A_423 : i32
        %swap3A_425 = arith.constant 0 : i32
        %swap3A_426 = arith.constant 1 : i32
        %swap3A_427 = arith.index_cast %swap3A_425 : i32 to index
        %swap3A_428 = arith.index_cast %swap3A_426 : i32 to index
        %swap3A_429 = arith.index_cast %mul3A_424 : i32 to index
        %swap3A_430 = tpu.vector_load %arg12[%swap3A_427, %swap3A_428, %swap3A_429] {strides = array<i32>} : memref<2x32x128xf32, #tpu.memory_space<vmem>>, vector<16xf32>,
        tpu.vector_store %arg12[%swap3A_427, %swap3A_428, %swap3A_429], %gather3A_422 {strides = array<i32>} : memref<2x32x128xf32, #tpu.memory_space<vmem>>, vector<16xf32>,
        %add3A_431 = arith.constant 2 : i32
        %add3A_432 = vector.broadcast %add3A_431 : i32 to vector<16xi32>
        %add3A_433 = arith.addi %add3A_407, %add3A_432 : vector<16xi32>
        %gather3A_434 = tpu.vector_load_idx %arg11[%add3A_433] : memref<33024xf32, #tpu.memory_space<vmem>>[vector<16xi32>], vector<16xf32>,
        %mul3A_435 = arith.constant 16 : i32
        %mul3A_436 = arith.muli %add3A_387, %mul3A_435 : i32
        %swap3A_437 = arith.constant 0 : i32
        %swap3A_438 = arith.constant 2 : i32
        %swap3A_439 = arith.index_cast %swap3A_437 : i32 to index
        %swap3A_440 = arith.index_cast %swap3A_438 : i32 to index
        %swap3A_441 = arith.index_cast %mul3A_436 : i32 to index
        %swap3A_442 = tpu.vector_load %arg12[%swap3A_439, %swap3A_440, %swap3A_441] {strides = array<i32>} : memref<2x32x128xf32, #tpu.memory_space<vmem>>, vector<16xf32>,
        tpu.vector_store %arg12[%swap3A_439, %swap3A_440, %swap3A_441], %gather3A_434 {strides = array<i32>} : memref<2x32x128xf32, #tpu.memory_space<vmem>>, vector<16xf32>,
        %add3A_443 = arith.constant 3 : i32
        %add3A_444 = vector.broadcast %add3A_443 : i32 to vector<16xi32>
        %add3A_445 = arith.addi %add3A_407, %add3A_444 : vector<16xi32>
        %gather3A_446 = tpu.vector_load_idx %arg11[%add3A_445] : memref<33024xf32, #tpu.memory_space<vmem>>[vector<16xi32>], vector<16xf32>,
        %mul3A_447 = arith.constant 16 : i32
        %mul3A_448 = arith.muli %add3A_387, %mul3A_447 : i32
        %swap3A_449 = arith.constant 0 : i32
        %swap3A_450 = arith.constant 3 : i32
        %swap3A_451 = arith.index_cast %swap3A_449 : i32 to index
        %swap3A_452 = arith.index_cast %swap3A_450 : i32 to index
        %swap3A_453 = arith.index_cast %mul3A_448 : i32 to index
        %swap3A_454 = tpu.vector_load %arg12[%swap3A_451, %swap3A_452, %swap3A_453] {strides = array<i32>} : memref<2x32x128xf32, #tpu.memory_space<vmem>>, vector<16xf32>,
        tpu.vector_store %arg12[%swap3A_451, %swap3A_452, %swap3A_453], %gather3A_446 {strides = array<i32>} : memref<2x32x128xf32, #tpu.memory_space<vmem>>, vector<16xf32>,
        %add3A_455 = arith.constant 4 : i32
        %add3A_456 = vector.broadcast %add3A_455 : i32 to vector<16xi32>
        %add3A_457 = arith.addi %add3A_407, %add3A_456 : vector<16xi32>
        %gather3A_458 = tpu.vector_load_idx %arg11[%add3A_457] : memref<33024xf32, #tpu.memory_space<vmem>>[vector<16xi32>], vector<16xf32>,
        %mul3A_459 = arith.constant 16 : i32
        %mul3A_460 = arith.muli %add3A_387, %mul3A_459 : i32
        %swap3A_461 = arith.constant 0 : i32
        %swap3A_462 = arith.constant 4 : i32
        %swap3A_463 = arith.index_cast %swap3A_461 : i32 to index
        %swap3A_464 = arith.index_cast %swap3A_462 : i32 to index
        %swap3A_465 = arith.index_cast %mul3A_460 : i32 to index
        %swap3A_466 = tpu.vector_load %arg12[%swap3A_463, %swap3A_464, %swap3A_465] {strides = array<i32>} : memref<2x32x128xf32, #tpu.memory_space<vmem>>, vector<16xf32>,
        tpu.vector_store %arg12[%swap3A_463, %swap3A_464, %swap3A_465], %gather3A_458 {strides = array<i32>} : memref<2x32x128xf32, #tpu.memory_space<vmem>>, vector<16xf32>,
        %add3A_467 = arith.constant 5 : i32
        %add3A_468 = vector.broadcast %add3A_467 : i32 to vector<16xi32>
        %add3A_469 = arith.addi %add3A_407, %add3A_468 : vector<16xi32>
        %gather3A_470 = tpu.vector_load_idx %arg11[%add3A_469] : memref<33024xf32, #tpu.memory_space<vmem>>[vector<16xi32>], vector<16xf32>,
        %mul3A_471 = arith.constant 16 : i32
        %mul3A_472 = arith.muli %add3A_387, %mul3A_471 : i32
        %swap3A_473 = arith.constant 0 : i32
        %swap3A_474 = arith.constant 5 : i32
        %swap3A_475 = arith.index_cast %swap3A_473 : i32 to index
        %swap3A_476 = arith.index_cast %swap3A_474 : i32 to index
        %swap3A_477 = arith.index_cast %mul3A_472 : i32 to index
        %swap3A_478 = tpu.vector_load %arg12[%swap3A_475, %swap3A_476, %swap3A_477] {strides = array<i32>} : memref<2x32x128xf32, #tpu.memory_space<vmem>>, vector<16xf32>,
        tpu.vector_store %arg12[%swap3A_475, %swap3A_476, %swap3A_477], %gather3A_470 {strides = array<i32>} : memref<2x32x128xf32, #tpu.memory_space<vmem>>, vector<16xf32>,
        %add3A_479 = arith.constant 6 : i32
        %add3A_480 = vector.broadcast %add3A_479 : i32 to vector<16xi32>
        %add3A_481 = arith.addi %add3A_407, %add3A_480 : vector<16xi32>
        %gather3A_482 = tpu.vector_load_idx %arg11[%add3A_481] : memref<33024xf32, #tpu.memory_space<vmem>>[vector<16xi32>], vector<16xf32>,
        %mul3A_483 = arith.constant 16 : i32
        %mul3A_484 = arith.muli %add3A_387, %mul3A_483 : i32
        %swap3A_485 = arith.constant 0 : i32
        %swap3A_486 = arith.constant 6 : i32
        %swap3A_487 = arith.index_cast %swap3A_485 : i32 to index
        %swap3A_488 = arith.index_cast %swap3A_486 : i32 to index
        %swap3A_489 = arith.index_cast %mul3A_484 : i32 to index
        %swap3A_490 = tpu.vector_load %arg12[%swap3A_487, %swap3A_488, %swap3A_489] {strides = array<i32>} : memref<2x32x128xf32, #tpu.memory_space<vmem>>, vector<16xf32>,
        tpu.vector_store %arg12[%swap3A_487, %swap3A_488, %swap3A_489], %gather3A_482 {strides = array<i32>} : memref<2x32x128xf32, #tpu.memory_space<vmem>>, vector<16xf32>,
        %add3A_491 = arith.constant 7 : i32
        %add3A_492 = vector.broadcast %add3A_491 : i32 to vector<16xi32>
        %add3A_493 = arith.addi %add3A_407, %add3A_492 : vector<16xi32>
        %gather3A_494 = tpu.vector_load_idx %arg11[%add3A_493] : memref<33024xf32, #tpu.memory_space<vmem>>[vector<16xi32>], vector<16xf32>,
        %mul3A_495 = arith.constant 16 : i32
        %mul3A_496 = arith.muli %add3A_387, %mul3A_495 : i32
        %swap3A_497 = arith.constant 0 : i32
        %swap3A_498 = arith.constant 7 : i32
        %swap3A_499 = arith.index_cast %swap3A_497 : i32 to index
        %swap3A_500 = arith.index_cast %swap3A_498 : i32 to index
        %swap3A_501 = arith.index_cast %mul3A_496 : i32 to index
        %swap3A_502 = tpu.vector_load %arg12[%swap3A_499, %swap3A_500, %swap3A_501] {strides = array<i32>} : memref<2x32x128xf32, #tpu.memory_space<vmem>>, vector<16xf32>,
        tpu.vector_store %arg12[%swap3A_499, %swap3A_500, %swap3A_501], %gather3A_494 {strides = array<i32>} : memref<2x32x128xf32, #tpu.memory_space<vmem>>, vector<16xf32>,
        %add3A_503 = arith.constant 8 : i32
        %add3A_504 = vector.broadcast %add3A_503 : i32 to vector<16xi32>
        %add3A_505 = arith.addi %add3A_407, %add3A_504 : vector<16xi32>
        %gather3A_506 = tpu.vector_load_idx %arg11[%add3A_505] : memref<33024xf32, #tpu.memory_space<vmem>>[vector<16xi32>], vector<16xf32>,
        %mul3A_507 = arith.constant 16 : i32
        %mul3A_508 = arith.muli %add3A_387, %mul3A_507 : i32
        %swap3A_509 = arith.constant 0 : i32
        %swap3A_510 = arith.constant 8 : i32
        %swap3A_511 = arith.index_cast %swap3A_509 : i32 to index
        %swap3A_512 = arith.index_cast %swap3A_510 : i32 to index
        %swap3A_513 = arith.index_cast %mul3A_508 : i32 to index
        %swap3A_514 = tpu.vector_load %arg12[%swap3A_511, %swap3A_512, %swap3A_513] {strides = array<i32>} : memref<2x32x128xf32, #tpu.memory_space<vmem>>, vector<16xf32>,
        tpu.vector_store %arg12[%swap3A_511, %swap3A_512, %swap3A_513], %gather3A_506 {strides = array<i32>} : memref<2x32x128xf32, #tpu.memory_space<vmem>>, vector<16xf32>,
        %add3A_515 = arith.constant 9 : i32
        %add3A_516 = vector.broadcast %add3A_515 : i32 to vector<16xi32>
        %add3A_517 = arith.addi %add3A_407, %add3A_516 : vector<16xi32>
        %gather3A_518 = tpu.vector_load_idx %arg11[%add3A_517] : memref<33024xf32, #tpu.memory_space<vmem>>[vector<16xi32>], vector<16xf32>,
        %mul3A_519 = arith.constant 16 : i32
        %mul3A_520 = arith.muli %add3A_387, %mul3A_519 : i32
        %swap3A_521 = arith.constant 0 : i32
        %swap3A_522 = arith.constant 9 : i32
        %swap3A_523 = arith.index_cast %swap3A_521 : i32 to index
        %swap3A_524 = arith.index_cast %swap3A_522 : i32 to index
        %swap3A_525 = arith.index_cast %mul3A_520 : i32 to index
        %swap3A_526 = tpu.vector_load %arg12[%swap3A_523, %swap3A_524, %swap3A_525] {strides = array<i32>} : memref<2x32x128xf32, #tpu.memory_space<vmem>>, vector<16xf32>,
        tpu.vector_store %arg12[%swap3A_523, %swap3A_524, %swap3A_525], %gather3A_518 {strides = array<i32>} : memref<2x32x128xf32, #tpu.memory_space<vmem>>, vector<16xf32>,
        %add3A_527 = arith.constant 10 : i32
        %add3A_528 = vector.broadcast %add3A_527 : i32 to vector<16xi32>
        %add3A_529 = arith.addi %add3A_407, %add3A_528 : vector<16xi32>
        %gather3A_530 = tpu.vector_load_idx %arg11[%add3A_529] : memref<33024xf32, #tpu.memory_space<vmem>>[vector<16xi32>], vector<16xf32>,
        %mul3A_531 = arith.constant 16 : i32
        %mul3A_532 = arith.muli %add3A_387, %mul3A_531 : i32
        %swap3A_533 = arith.constant 0 : i32
        %swap3A_534 = arith.constant 10 : i32
        %swap3A_535 = arith.index_cast %swap3A_533 : i32 to index
        %swap3A_536 = arith.index_cast %swap3A_534 : i32 to index
        %swap3A_537 = arith.index_cast %mul3A_532 : i32 to index
        %swap3A_538 = tpu.vector_load %arg12[%swap3A_535, %swap3A_536, %swap3A_537] {strides = array<i32>} : memref<2x32x128xf32, #tpu.memory_space<vmem>>, vector<16xf32>,
        tpu.vector_store %arg12[%swap3A_535, %swap3A_536, %swap3A_537], %gather3A_530 {strides = array<i32>} : memref<2x32x128xf32, #tpu.memory_space<vmem>>, vector<16xf32>,
        %add3A_539 = arith.constant 11 : i32
        %add3A_540 = vector.broadcast %add3A_539 : i32 to vector<16xi32>
        %add3A_541 = arith.addi %add3A_407, %add3A_540 : vector<16xi32>
        %gather3A_542 = tpu.vector_load_idx %arg11[%add3A_541] : memref<33024xf32, #tpu.memory_space<vmem>>[vector<16xi32>], vector<16xf32>,
        %mul3A_543 = arith.constant 16 : i32
        %mul3A_544 = arith.muli %add3A_387, %mul3A_543 : i32
        %swap3A_545 = arith.constant 0 : i32
        %swap3A_546 = arith.constant 11 : i32
        %swap3A_547 = arith.index_cast %swap3A_545 : i32 to index
        %swap3A_548 = arith.index_cast %swap3A_546 : i32 to index
        %swap3A_549 = arith.index_cast %mul3A_544 : i32 to index
        %swap3A_550 = tpu.vector_load %arg12[%swap3A_547, %swap3A_548, %swap3A_549] {strides = array<i32>} : memref<2x32x128xf32, #tpu.memory_space<vmem>>, vector<16xf32>,
        tpu.vector_store %arg12[%swap3A_547, %swap3A_548, %swap3A_549], %gather3A_542 {strides = array<i32>} : memref<2x32x128xf32, #tpu.memory_space<vmem>>, vector<16xf32>,
        %add3A_551 = arith.constant 12 : i32
        %add3A_552 = vector.broadcast %add3A_551 : i32 to vector<16xi32>
        %add3A_553 = arith.addi %add3A_407, %add3A_552 : vector<16xi32>
        %gather3A_554 = tpu.vector_load_idx %arg11[%add3A_553] : memref<33024xf32, #tpu.memory_space<vmem>>[vector<16xi32>], vector<16xf32>,
        %mul3A_555 = arith.constant 16 : i32
        %mul3A_556 = arith.muli %add3A_387, %mul3A_555 : i32
        %swap3A_557 = arith.constant 0 : i32
        %swap3A_558 = arith.constant 12 : i32
        %swap3A_559 = arith.index_cast %swap3A_557 : i32 to index
        %swap3A_560 = arith.index_cast %swap3A_558 : i32 to index
        %swap3A_561 = arith.index_cast %mul3A_556 : i32 to index
        %swap3A_562 = tpu.vector_load %arg12[%swap3A_559, %swap3A_560, %swap3A_561] {strides = array<i32>} : memref<2x32x128xf32, #tpu.memory_space<vmem>>, vector<16xf32>,
        tpu.vector_store %arg12[%swap3A_559, %swap3A_560, %swap3A_561], %gather3A_554 {strides = array<i32>} : memref<2x32x128xf32, #tpu.memory_space<vmem>>, vector<16xf32>,
        %add3A_563 = arith.constant 13 : i32
        %add3A_564 = vector.broadcast %add3A_563 : i32 to vector<16xi32>
        %add3A_565 = arith.addi %add3A_407, %add3A_564 : vector<16xi32>
        %gather3A_566 = tpu.vector_load_idx %arg11[%add3A_565] : memref<33024xf32, #tpu.memory_space<vmem>>[vector<16xi32>], vector<16xf32>,
        %mul3A_567 = arith.constant 16 : i32
        %mul3A_568 = arith.muli %add3A_387, %mul3A_567 : i32
        %swap3A_569 = arith.constant 0 : i32
        %swap3A_570 = arith.constant 13 : i32
        %swap3A_571 = arith.index_cast %swap3A_569 : i32 to index
        %swap3A_572 = arith.index_cast %swap3A_570 : i32 to index
        %swap3A_573 = arith.index_cast %mul3A_568 : i32 to index
        %swap3A_574 = tpu.vector_load %arg12[%swap3A_571, %swap3A_572, %swap3A_573] {strides = array<i32>} : memref<2x32x128xf32, #tpu.memory_space<vmem>>, vector<16xf32>,
        tpu.vector_store %arg12[%swap3A_571, %swap3A_572, %swap3A_573], %gather3A_566 {strides = array<i32>} : memref<2x32x128xf32, #tpu.memory_space<vmem>>, vector<16xf32>,
        %add3A_575 = arith.constant 14 : i32
        %add3A_576 = vector.broadcast %add3A_575 : i32 to vector<16xi32>
        %add3A_577 = arith.addi %add3A_407, %add3A_576 : vector<16xi32>
        %gather3A_578 = tpu.vector_load_idx %arg11[%add3A_577] : memref<33024xf32, #tpu.memory_space<vmem>>[vector<16xi32>], vector<16xf32>,
        %mul3A_579 = arith.constant 16 : i32
        %mul3A_580 = arith.muli %add3A_387, %mul3A_579 : i32
        %swap3A_581 = arith.constant 0 : i32
        %swap3A_582 = arith.constant 14 : i32
        %swap3A_583 = arith.index_cast %swap3A_581 : i32 to index
        %swap3A_584 = arith.index_cast %swap3A_582 : i32 to index
        %swap3A_585 = arith.index_cast %mul3A_580 : i32 to index
        %swap3A_586 = tpu.vector_load %arg12[%swap3A_583, %swap3A_584, %swap3A_585] {strides = array<i32>} : memref<2x32x128xf32, #tpu.memory_space<vmem>>, vector<16xf32>,
        tpu.vector_store %arg12[%swap3A_583, %swap3A_584, %swap3A_585], %gather3A_578 {strides = array<i32>} : memref<2x32x128xf32, #tpu.memory_space<vmem>>, vector<16xf32>,
        %add3A_587 = arith.constant 15 : i32
        %add3A_588 = vector.broadcast %add3A_587 : i32 to vector<16xi32>
        %add3A_589 = arith.addi %add3A_407, %add3A_588 : vector<16xi32>
        %gather3A_590 = tpu.vector_load_idx %arg11[%add3A_589] : memref<33024xf32, #tpu.memory_space<vmem>>[vector<16xi32>], vector<16xf32>,
        %mul3A_591 = arith.constant 16 : i32
        %mul3A_592 = arith.muli %add3A_387, %mul3A_591 : i32
        %swap3A_593 = arith.constant 0 : i32
        %swap3A_594 = arith.constant 15 : i32
        %swap3A_595 = arith.index_cast %swap3A_593 : i32 to index
        %swap3A_596 = arith.index_cast %swap3A_594 : i32 to index
        %swap3A_597 = arith.index_cast %mul3A_592 : i32 to index
        %swap3A_598 = tpu.vector_load %arg12[%swap3A_595, %swap3A_596, %swap3A_597] {strides = array<i32>} : memref<2x32x128xf32, #tpu.memory_space<vmem>>, vector<16xf32>,
        tpu.vector_store %arg12[%swap3A_595, %swap3A_596, %swap3A_597], %gather3A_590 {strides = array<i32>} : memref<2x32x128xf32, #tpu.memory_space<vmem>>, vector<16xf32>,
        %add3A_599 = arith.constant 16 : i32
        %add3A_600 = vector.broadcast %add3A_599 : i32 to vector<16xi32>
        %add3A_601 = arith.addi %add3A_407, %add3A_600 : vector<16xi32>
        %gather3A_602 = tpu.vector_load_idx %arg11[%add3A_601] : memref<33024xf32, #tpu.memory_space<vmem>>[vector<16xi32>], vector<16xf32>,
        %mul3A_603 = arith.constant 16 : i32
        %mul3A_604 = arith.muli %add3A_387, %mul3A_603 : i32
        %swap3A_605 = arith.constant 0 : i32
        %swap3A_606 = arith.constant 16 : i32
        %swap3A_607 = arith.index_cast %swap3A_605 : i32 to index
        %swap3A_608 = arith.index_cast %swap3A_606 : i32 to index
        %swap3A_609 = arith.index_cast %mul3A_604 : i32 to index
        %swap3A_610 = tpu.vector_load %arg12[%swap3A_607, %swap3A_608, %swap3A_609] {strides = array<i32>} : memref<2x32x128xf32, #tpu.memory_space<vmem>>, vector<16xf32>,
        tpu.vector_store %arg12[%swap3A_607, %swap3A_608, %swap3A_609], %gather3A_602 {strides = array<i32>} : memref<2x32x128xf32, #tpu.memory_space<vmem>>, vector<16xf32>,
        %add3A_611 = arith.constant 17 : i32
        %add3A_612 = vector.broadcast %add3A_611 : i32 to vector<16xi32>
        %add3A_613 = arith.addi %add3A_407, %add3A_612 : vector<16xi32>
        %gather3A_614 = tpu.vector_load_idx %arg11[%add3A_613] : memref<33024xf32, #tpu.memory_space<vmem>>[vector<16xi32>], vector<16xf32>,
        %mul3A_615 = arith.constant 16 : i32
        %mul3A_616 = arith.muli %add3A_387, %mul3A_615 : i32
        %swap3A_617 = arith.constant 0 : i32
        %swap3A_618 = arith.constant 17 : i32
        %swap3A_619 = arith.index_cast %swap3A_617 : i32 to index
        %swap3A_620 = arith.index_cast %swap3A_618 : i32 to index
        %swap3A_621 = arith.index_cast %mul3A_616 : i32 to index
        %swap3A_622 = tpu.vector_load %arg12[%swap3A_619, %swap3A_620, %swap3A_621] {strides = array<i32>} : memref<2x32x128xf32, #tpu.memory_space<vmem>>, vector<16xf32>,
        tpu.vector_store %arg12[%swap3A_619, %swap3A_620, %swap3A_621], %gather3A_614 {strides = array<i32>} : memref<2x32x128xf32, #tpu.memory_space<vmem>>, vector<16xf32>,
        %add3A_623 = arith.constant 18 : i32
        %add3A_624 = vector.broadcast %add3A_623 : i32 to vector<16xi32>
        %add3A_625 = arith.addi %add3A_407, %add3A_624 : vector<16xi32>
        %gather3A_626 = tpu.vector_load_idx %arg11[%add3A_625] : memref<33024xf32, #tpu.memory_space<vmem>>[vector<16xi32>], vector<16xf32>,
        %mul3A_627 = arith.constant 16 : i32
        %mul3A_628 = arith.muli %add3A_387, %mul3A_627 : i32
        %swap3A_629 = arith.constant 0 : i32
        %swap3A_630 = arith.constant 18 : i32
        %swap3A_631 = arith.index_cast %swap3A_629 : i32 to index
        %swap3A_632 = arith.index_cast %swap3A_630 : i32 to index
        %swap3A_633 = arith.index_cast %mul3A_628 : i32 to index
        %swap3A_634 = tpu.vector_load %arg12[%swap3A_631, %swap3A_632, %swap3A_633] {strides = array<i32>} : memref<2x32x128xf32, #tpu.memory_space<vmem>>, vector<16xf32>,
        tpu.vector_store %arg12[%swap3A_631, %swap3A_632, %swap3A_633], %gather3A_626 {strides = array<i32>} : memref<2x32x128xf32, #tpu.memory_space<vmem>>, vector<16xf32>,
        %add3A_635 = arith.constant 19 : i32
        %add3A_636 = vector.broadcast %add3A_635 : i32 to vector<16xi32>
        %add3A_637 = arith.addi %add3A_407, %add3A_636 : vector<16xi32>
        %gather3A_638 = tpu.vector_load_idx %arg11[%add3A_637] : memref<33024xf32, #tpu.memory_space<vmem>>[vector<16xi32>], vector<16xf32>,
        %mul3A_639 = arith.constant 16 : i32
        %mul3A_640 = arith.muli %add3A_387, %mul3A_639 : i32
        %swap3A_641 = arith.constant 0 : i32
        %swap3A_642 = arith.constant 19 : i32
        %swap3A_643 = arith.index_cast %swap3A_641 : i32 to index
        %swap3A_644 = arith.index_cast %swap3A_642 : i32 to index
        %swap3A_645 = arith.index_cast %mul3A_640 : i32 to index
        %swap3A_646 = tpu.vector_load %arg12[%swap3A_643, %swap3A_644, %swap3A_645] {strides = array<i32>} : memref<2x32x128xf32, #tpu.memory_space<vmem>>, vector<16xf32>,
        tpu.vector_store %arg12[%swap3A_643, %swap3A_644, %swap3A_645], %gather3A_638 {strides = array<i32>} : memref<2x32x128xf32, #tpu.memory_space<vmem>>, vector<16xf32>,
        %add3A_647 = arith.constant 20 : i32
        %add3A_648 = vector.broadcast %add3A_647 : i32 to vector<16xi32>
        %add3A_649 = arith.addi %add3A_407, %add3A_648 : vector<16xi32>
        %gather3A_650 = tpu.vector_load_idx %arg11[%add3A_649] : memref<33024xf32, #tpu.memory_space<vmem>>[vector<16xi32>], vector<16xf32>,
        %mul3A_651 = arith.constant 16 : i32
        %mul3A_652 = arith.muli %add3A_387, %mul3A_651 : i32
        %swap3A_653 = arith.constant 0 : i32
        %swap3A_654 = arith.constant 20 : i32
        %swap3A_655 = arith.index_cast %swap3A_653 : i32 to index
        %swap3A_656 = arith.index_cast %swap3A_654 : i32 to index
        %swap3A_657 = arith.index_cast %mul3A_652 : i32 to index
        %swap3A_658 = tpu.vector_load %arg12[%swap3A_655, %swap3A_656, %swap3A_657] {strides = array<i32>} : memref<2x32x128xf32, #tpu.memory_space<vmem>>, vector<16xf32>,
        tpu.vector_store %arg12[%swap3A_655, %swap3A_656, %swap3A_657], %gather3A_650 {strides = array<i32>} : memref<2x32x128xf32, #tpu.memory_space<vmem>>, vector<16xf32>,
        %add3A_659 = arith.constant 21 : i32
        %add3A_660 = vector.broadcast %add3A_659 : i32 to vector<16xi32>
        %add3A_661 = arith.addi %add3A_407, %add3A_660 : vector<16xi32>
        %gather3A_662 = tpu.vector_load_idx %arg11[%add3A_661] : memref<33024xf32, #tpu.memory_space<vmem>>[vector<16xi32>], vector<16xf32>,
        %mul3A_663 = arith.constant 16 : i32
        %mul3A_664 = arith.muli %add3A_387, %mul3A_663 : i32
        %swap3A_665 = arith.constant 0 : i32
        %swap3A_666 = arith.constant 21 : i32
        %swap3A_667 = arith.index_cast %swap3A_665 : i32 to index
        %swap3A_668 = arith.index_cast %swap3A_666 : i32 to index
        %swap3A_669 = arith.index_cast %mul3A_664 : i32 to index
        %swap3A_670 = tpu.vector_load %arg12[%swap3A_667, %swap3A_668, %swap3A_669] {strides = array<i32>} : memref<2x32x128xf32, #tpu.memory_space<vmem>>, vector<16xf32>,
        tpu.vector_store %arg12[%swap3A_667, %swap3A_668, %swap3A_669], %gather3A_662 {strides = array<i32>} : memref<2x32x128xf32, #tpu.memory_space<vmem>>, vector<16xf32>,
        %add3A_671 = arith.constant 22 : i32
        %add3A_672 = vector.broadcast %add3A_671 : i32 to vector<16xi32>
        %add3A_673 = arith.addi %add3A_407, %add3A_672 : vector<16xi32>
        %gather3A_674 = tpu.vector_load_idx %arg11[%add3A_673] : memref<33024xf32, #tpu.memory_space<vmem>>[vector<16xi32>], vector<16xf32>,
        %mul3A_675 = arith.constant 16 : i32
        %mul3A_676 = arith.muli %add3A_387, %mul3A_675 : i32
        %swap3A_677 = arith.constant 0 : i32
        %swap3A_678 = arith.constant 22 : i32
        %swap3A_679 = arith.index_cast %swap3A_677 : i32 to index
        %swap3A_680 = arith.index_cast %swap3A_678 : i32 to index
        %swap3A_681 = arith.index_cast %mul3A_676 : i32 to index
        %swap3A_682 = tpu.vector_load %arg12[%swap3A_679, %swap3A_680, %swap3A_681] {strides = array<i32>} : memref<2x32x128xf32, #tpu.memory_space<vmem>>, vector<16xf32>,
        tpu.vector_store %arg12[%swap3A_679, %swap3A_680, %swap3A_681], %gather3A_674 {strides = array<i32>} : memref<2x32x128xf32, #tpu.memory_space<vmem>>, vector<16xf32>,
        %add3A_683 = arith.constant 23 : i32
        %add3A_684 = vector.broadcast %add3A_683 : i32 to vector<16xi32>
        %add3A_685 = arith.addi %add3A_407, %add3A_684 : vector<16xi32>
        %gather3A_686 = tpu.vector_load_idx %arg11[%add3A_685] : memref<33024xf32, #tpu.memory_space<vmem>>[vector<16xi32>], vector<16xf32>,
        %mul3A_687 = arith.constant 16 : i32
        %mul3A_688 = arith.muli %add3A_387, %mul3A_687 : i32
        %swap3A_689 = arith.constant 0 : i32
        %swap3A_690 = arith.constant 23 : i32
        %swap3A_691 = arith.index_cast %swap3A_689 : i32 to index
        %swap3A_692 = arith.index_cast %swap3A_690 : i32 to index
        %swap3A_693 = arith.index_cast %mul3A_688 : i32 to index
        %swap3A_694 = tpu.vector_load %arg12[%swap3A_691, %swap3A_692, %swap3A_693] {strides = array<i32>} : memref<2x32x128xf32, #tpu.memory_space<vmem>>, vector<16xf32>,
        tpu.vector_store %arg12[%swap3A_691, %swap3A_692, %swap3A_693], %gather3A_686 {strides = array<i32>} : memref<2x32x128xf32, #tpu.memory_space<vmem>>, vector<16xf32>,
        %add3A_695 = arith.constant 24 : i32
        %add3A_696 = vector.broadcast %add3A_695 : i32 to vector<16xi32>
        %add3A_697 = arith.addi %add3A_407, %add3A_696 : vector<16xi32>
        %gather3A_698 = tpu.vector_load_idx %arg11[%add3A_697] : memref<33024xf32, #tpu.memory_space<vmem>>[vector<16xi32>], vector<16xf32>,
        %mul3A_699 = arith.constant 16 : i32
        %mul3A_700 = arith.muli %add3A_387, %mul3A_699 : i32
        %swap3A_701 = arith.constant 0 : i32
        %swap3A_702 = arith.constant 24 : i32
        %swap3A_703 = arith.index_cast %swap3A_701 : i32 to index
        %swap3A_704 = arith.index_cast %swap3A_702 : i32 to index
        %swap3A_705 = arith.index_cast %mul3A_700 : i32 to index
        %swap3A_706 = tpu.vector_load %arg12[%swap3A_703, %swap3A_704, %swap3A_705] {strides = array<i32>} : memref<2x32x128xf32, #tpu.memory_space<vmem>>, vector<16xf32>,
        tpu.vector_store %arg12[%swap3A_703, %swap3A_704, %swap3A_705], %gather3A_698 {strides = array<i32>} : memref<2x32x128xf32, #tpu.memory_space<vmem>>, vector<16xf32>,
        %add3A_707 = arith.constant 25 : i32
        %add3A_708 = vector.broadcast %add3A_707 : i32 to vector<16xi32>
        %add3A_709 = arith.addi %add3A_407, %add3A_708 : vector<16xi32>
        %gather3A_710 = tpu.vector_load_idx %arg11[%add3A_709] : memref<33024xf32, #tpu.memory_space<vmem>>[vector<16xi32>], vector<16xf32>,
        %mul3A_711 = arith.constant 16 : i32
        %mul3A_712 = arith.muli %add3A_387, %mul3A_711 : i32
        %swap3A_713 = arith.constant 0 : i32
        %swap3A_714 = arith.constant 25 : i32
        %swap3A_715 = arith.index_cast %swap3A_713 : i32 to index
        %swap3A_716 = arith.index_cast %swap3A_714 : i32 to index
        %swap3A_717 = arith.index_cast %mul3A_712 : i32 to index
        %swap3A_718 = tpu.vector_load %arg12[%swap3A_715, %swap3A_716, %swap3A_717] {strides = array<i32>} : memref<2x32x128xf32, #tpu.memory_space<vmem>>, vector<16xf32>,
        tpu.vector_store %arg12[%swap3A_715, %swap3A_716, %swap3A_717], %gather3A_710 {strides = array<i32>} : memref<2x32x128xf32, #tpu.memory_space<vmem>>, vector<16xf32>,
        %add3A_719 = arith.constant 26 : i32
        %add3A_720 = vector.broadcast %add3A_719 : i32 to vector<16xi32>
        %add3A_721 = arith.addi %add3A_407, %add3A_720 : vector<16xi32>
        %gather3A_722 = tpu.vector_load_idx %arg11[%add3A_721] : memref<33024xf32, #tpu.memory_space<vmem>>[vector<16xi32>], vector<16xf32>,
        %mul3A_723 = arith.constant 16 : i32
        %mul3A_724 = arith.muli %add3A_387, %mul3A_723 : i32
        %swap3A_725 = arith.constant 0 : i32
        %swap3A_726 = arith.constant 26 : i32
        %swap3A_727 = arith.index_cast %swap3A_725 : i32 to index
        %swap3A_728 = arith.index_cast %swap3A_726 : i32 to index
        %swap3A_729 = arith.index_cast %mul3A_724 : i32 to index
        %swap3A_730 = tpu.vector_load %arg12[%swap3A_727, %swap3A_728, %swap3A_729] {strides = array<i32>} : memref<2x32x128xf32, #tpu.memory_space<vmem>>, vector<16xf32>,
        tpu.vector_store %arg12[%swap3A_727, %swap3A_728, %swap3A_729], %gather3A_722 {strides = array<i32>} : memref<2x32x128xf32, #tpu.memory_space<vmem>>, vector<16xf32>,
        %add3A_731 = arith.constant 27 : i32
        %add3A_732 = vector.broadcast %add3A_731 : i32 to vector<16xi32>
        %add3A_733 = arith.addi %add3A_407, %add3A_732 : vector<16xi32>
        %gather3A_734 = tpu.vector_load_idx %arg11[%add3A_733] : memref<33024xf32, #tpu.memory_space<vmem>>[vector<16xi32>], vector<16xf32>,
        %mul3A_735 = arith.constant 16 : i32
        %mul3A_736 = arith.muli %add3A_387, %mul3A_735 : i32
        %swap3A_737 = arith.constant 0 : i32
        %swap3A_738 = arith.constant 27 : i32
        %swap3A_739 = arith.index_cast %swap3A_737 : i32 to index
        %swap3A_740 = arith.index_cast %swap3A_738 : i32 to index
        %swap3A_741 = arith.index_cast %mul3A_736 : i32 to index
        %swap3A_742 = tpu.vector_load %arg12[%swap3A_739, %swap3A_740, %swap3A_741] {strides = array<i32>} : memref<2x32x128xf32, #tpu.memory_space<vmem>>, vector<16xf32>,
        tpu.vector_store %arg12[%swap3A_739, %swap3A_740, %swap3A_741], %gather3A_734 {strides = array<i32>} : memref<2x32x128xf32, #tpu.memory_space<vmem>>, vector<16xf32>,
        %add3A_743 = arith.constant 28 : i32
        %add3A_744 = vector.broadcast %add3A_743 : i32 to vector<16xi32>
        %add3A_745 = arith.addi %add3A_407, %add3A_744 : vector<16xi32>
        %gather3A_746 = tpu.vector_load_idx %arg11[%add3A_745] : memref<33024xf32, #tpu.memory_space<vmem>>[vector<16xi32>], vector<16xf32>,
        %mul3A_747 = arith.constant 16 : i32
        %mul3A_748 = arith.muli %add3A_387, %mul3A_747 : i32
        %swap3A_749 = arith.constant 0 : i32
        %swap3A_750 = arith.constant 28 : i32
        %swap3A_751 = arith.index_cast %swap3A_749 : i32 to index
        %swap3A_752 = arith.index_cast %swap3A_750 : i32 to index
        %swap3A_753 = arith.index_cast %mul3A_748 : i32 to index
        %swap3A_754 = tpu.vector_load %arg12[%swap3A_751, %swap3A_752, %swap3A_753] {strides = array<i32>} : memref<2x32x128xf32, #tpu.memory_space<vmem>>, vector<16xf32>,
        tpu.vector_store %arg12[%swap3A_751, %swap3A_752, %swap3A_753], %gather3A_746 {strides = array<i32>} : memref<2x32x128xf32, #tpu.memory_space<vmem>>, vector<16xf32>,
        %add3A_755 = arith.constant 29 : i32
        %add3A_756 = vector.broadcast %add3A_755 : i32 to vector<16xi32>
        %add3A_757 = arith.addi %add3A_407, %add3A_756 : vector<16xi32>
        %gather3A_758 = tpu.vector_load_idx %arg11[%add3A_757] : memref<33024xf32, #tpu.memory_space<vmem>>[vector<16xi32>], vector<16xf32>,
        %mul3A_759 = arith.constant 16 : i32
        %mul3A_760 = arith.muli %add3A_387, %mul3A_759 : i32
        %swap3A_761 = arith.constant 0 : i32
        %swap3A_762 = arith.constant 29 : i32
        %swap3A_763 = arith.index_cast %swap3A_761 : i32 to index
        %swap3A_764 = arith.index_cast %swap3A_762 : i32 to index
        %swap3A_765 = arith.index_cast %mul3A_760 : i32 to index
        %swap3A_766 = tpu.vector_load %arg12[%swap3A_763, %swap3A_764, %swap3A_765] {strides = array<i32>} : memref<2x32x128xf32, #tpu.memory_space<vmem>>, vector<16xf32>,
        tpu.vector_store %arg12[%swap3A_763, %swap3A_764, %swap3A_765], %gather3A_758 {strides = array<i32>} : memref<2x32x128xf32, #tpu.memory_space<vmem>>, vector<16xf32>,
        %add3A_767 = arith.constant 30 : i32
        %add3A_768 = vector.broadcast %add3A_767 : i32 to vector<16xi32>
        %add3A_769 = arith.addi %add3A_407, %add3A_768 : vector<16xi32>
        %gather3A_770 = tpu.vector_load_idx %arg11[%add3A_769] : memref<33024xf32, #tpu.memory_space<vmem>>[vector<16xi32>], vector<16xf32>,
        %mul3A_771 = arith.constant 16 : i32
        %mul3A_772 = arith.muli %add3A_387, %mul3A_771 : i32
        %swap3A_773 = arith.constant 0 : i32
        %swap3A_774 = arith.constant 30 : i32
        %swap3A_775 = arith.index_cast %swap3A_773 : i32 to index
        %swap3A_776 = arith.index_cast %swap3A_774 : i32 to index
        %swap3A_777 = arith.index_cast %mul3A_772 : i32 to index
        %swap3A_778 = tpu.vector_load %arg12[%swap3A_775, %swap3A_776, %swap3A_777] {strides = array<i32>} : memref<2x32x128xf32, #tpu.memory_space<vmem>>, vector<16xf32>,
        tpu.vector_store %arg12[%swap3A_775, %swap3A_776, %swap3A_777], %gather3A_770 {strides = array<i32>} : memref<2x32x128xf32, #tpu.memory_space<vmem>>, vector<16xf32>,
        %add3A_779 = arith.constant 31 : i32
        %add3A_780 = vector.broadcast %add3A_779 : i32 to vector<16xi32>
        %add3A_781 = arith.addi %add3A_407, %add3A_780 : vector<16xi32>
        %gather3A_782 = tpu.vector_load_idx %arg11[%add3A_781] : memref<33024xf32, #tpu.memory_space<vmem>>[vector<16xi32>], vector<16xf32>,
        %mul3A_783 = arith.constant 16 : i32
        %mul3A_784 = arith.muli %add3A_387, %mul3A_783 : i32
        %swap3A_785 = arith.constant 0 : i32
        %swap3A_786 = arith.constant 31 : i32
        %swap3A_787 = arith.index_cast %swap3A_785 : i32 to index
        %swap3A_788 = arith.index_cast %swap3A_786 : i32 to index
        %swap3A_789 = arith.index_cast %mul3A_784 : i32 to index
        %swap3A_790 = tpu.vector_load %arg12[%swap3A_787, %swap3A_788, %swap3A_789] {strides = array<i32>} : memref<2x32x128xf32, #tpu.memory_space<vmem>>, vector<16xf32>,
        tpu.vector_store %arg12[%swap3A_787, %swap3A_788, %swap3A_789], %gather3A_782 {strides = array<i32>} : memref<2x32x128xf32, #tpu.memory_space<vmem>>, vector<16xf32>,
      }
      %scan3A_329 = arith.constant 8 : i32
      %scan3A_330 = arith.constant 0 : i32
      %scan3A_331 = arith.constant 8 : i32
      %scan3A_332 = arith.addi %scan3A_330, %scan3A_331 : i32
      %scan3A_333 = arith.constant 1 : i32
      scf.for %scan3A_383 = %scan3A_330 to %scan3A_332 step %scan3A_333  : i32 {
        %mul3A_384 = arith.constant 1 : i32
        %mul3A_385 = arith.muli %scan3A_383, %mul3A_384 : i32
        %add3A_386 = arith.constant 0 : i32
        %add3A_387 = arith.addi %add3A_386, %mul3A_385 : i32
        %mul3A_388 = arith.constant 16 : i32
        %mul3A_389 = arith.muli %add3A_387, %mul3A_388 : i32
        %get3A_390 = arith.constant 1 : i32
        %get3A_391 = arith.index_cast %get3A_390 : i32 to index
        %get3A_392 = arith.index_cast %mul3A_389 : i32 to index
        %get3A_393 = tpu.vector_load %arg5[%get3A_391, %get3A_392] {strides = array<i32>} : memref<2x128xi32, #tpu.memory_space<vmem>>, vector<16xi32>,
        %and3A = arith.constant 3 : i32
        %and3A_394 = vector.broadcast %and3A : i32 to vector<16xi32>
        %and3A_395 = arith.andi %get3A_393, %and3A_394 : vector<16xi32>
        %mul3A_396 = arith.constant 32 : i32
        %mul3A_397 = vector.broadcast %mul3A_396 : i32 to vector<16xi32>
        %mul3A_398 = arith.muli %and3A_395, %mul3A_397 : vector<16xi32>
        %mul3A_399 = arith.constant 16 : i32
        %mul3A_400 = arith.muli %add3A_387, %mul3A_399 : i32
        %add3A_401 = arith.constant 128 : i32
        %add3A_402 = arith.addi %add3A_401, %mul3A_400 : i32
        %mul3A_403 = arith.constant 129 : i32
        %mul3A_404 = arith.muli %add3A_402, %mul3A_403 : i32
        %add3A_405 = vector.broadcast %mul3A_404 : i32 to vector<16xi32>
        %add3A_406 = arith.addi %add3A_405, %mul3A_5 : vector<16xi32>
        %add3A_407 = arith.addi %add3A_406, %mul3A_398 : vector<16xi32>
        %add3A_408 = arith.constant 0 : i32
        %add3A_409 = vector.broadcast %add3A_408 : i32 to vector<16xi32>
        %add3A_410 = arith.addi %add3A_407, %add3A_409 : vector<16xi32>
        %gather3A = tpu.vector_load_idx %arg11[%add3A_410] : memref<33024xf32, #tpu.memory_space<vmem>>[vector<16xi32>], vector<16xf32>,
        %mul3A_411 = arith.constant 16 : i32
        %mul3A_412 = arith.muli %add3A_387, %mul3A_411 : i32
        %swap3A_413 = arith.constant 1 : i32
        %swap3A_414 = arith.constant 0 : i32
        %swap3A_415 = arith.index_cast %swap3A_413 : i32 to index
        %swap3A_416 = arith.index_cast %swap3A_414 : i32 to index
        %swap3A_417 = arith.index_cast %mul3A_412 : i32 to index
        %swap3A_418 = tpu.vector_load %arg12[%swap3A_415, %swap3A_416, %swap3A_417] {strides = array<i32>} : memref<2x32x128xf32, #tpu.memory_space<vmem>>, vector<16xf32>,
        tpu.vector_store %arg12[%swap3A_415, %swap3A_416, %swap3A_417], %gather3A {strides = array<i32>} : memref<2x32x128xf32, #tpu.memory_space<vmem>>, vector<16xf32>,
        %add3A_419 = arith.constant 1 : i32
        %add3A_420 = vector.broadcast %add3A_419 : i32 to vector<16xi32>
        %add3A_421 = arith.addi %add3A_407, %add3A_420 : vector<16xi32>
        %gather3A_422 = tpu.vector_load_idx %arg11[%add3A_421] : memref<33024xf32, #tpu.memory_space<vmem>>[vector<16xi32>], vector<16xf32>,
        %mul3A_423 = arith.constant 16 : i32
        %mul3A_424 = arith.muli %add3A_387, %mul3A_423 : i32
        %swap3A_425 = arith.constant 1 : i32
        %swap3A_426 = arith.constant 1 : i32
        %swap3A_427 = arith.index_cast %swap3A_425 : i32 to index
        %swap3A_428 = arith.index_cast %swap3A_426 : i32 to index
        %swap3A_429 = arith.index_cast %mul3A_424 : i32 to index
        %swap3A_430 = tpu.vector_load %arg12[%swap3A_427, %swap3A_428, %swap3A_429] {strides = array<i32>} : memref<2x32x128xf32, #tpu.memory_space<vmem>>, vector<16xf32>,
        tpu.vector_store %arg12[%swap3A_427, %swap3A_428, %swap3A_429], %gather3A_422 {strides = array<i32>} : memref<2x32x128xf32, #tpu.memory_space<vmem>>, vector<16xf32>,
        %add3A_431 = arith.constant 2 : i32
        %add3A_432 = vector.broadcast %add3A_431 : i32 to vector<16xi32>
        %add3A_433 = arith.addi %add3A_407, %add3A_432 : vector<16xi32>
        %gather3A_434 = tpu.vector_load_idx %arg11[%add3A_433] : memref<33024xf32, #tpu.memory_space<vmem>>[vector<16xi32>], vector<16xf32>,
        %mul3A_435 = arith.constant 16 : i32
        %mul3A_436 = arith.muli %add3A_387, %mul3A_435 : i32
        %swap3A_437 = arith.constant 1 : i32
        %swap3A_438 = arith.constant 2 : i32
        %swap3A_439 = arith.index_cast %swap3A_437 : i32 to index
        %swap3A_440 = arith.index_cast %swap3A_438 : i32 to index
        %swap3A_441 = arith.index_cast %mul3A_436 : i32 to index
        %swap3A_442 = tpu.vector_load %arg12[%swap3A_439, %swap3A_440, %swap3A_441] {strides = array<i32>} : memref<2x32x128xf32, #tpu.memory_space<vmem>>, vector<16xf32>,
        tpu.vector_store %arg12[%swap3A_439, %swap3A_440, %swap3A_441], %gather3A_434 {strides = array<i32>} : memref<2x32x128xf32, #tpu.memory_space<vmem>>, vector<16xf32>,
        %add3A_443 = arith.constant 3 : i32
        %add3A_444 = vector.broadcast %add3A_443 : i32 to vector<16xi32>
        %add3A_445 = arith.addi %add3A_407, %add3A_444 : vector<16xi32>
        %gather3A_446 = tpu.vector_load_idx %arg11[%add3A_445] : memref<33024xf32, #tpu.memory_space<vmem>>[vector<16xi32>], vector<16xf32>,
        %mul3A_447 = arith.constant 16 : i32
        %mul3A_448 = arith.muli %add3A_387, %mul3A_447 : i32
        %swap3A_449 = arith.constant 1 : i32
        %swap3A_450 = arith.constant 3 : i32
        %swap3A_451 = arith.index_cast %swap3A_449 : i32 to index
        %swap3A_452 = arith.index_cast %swap3A_450 : i32 to index
        %swap3A_453 = arith.index_cast %mul3A_448 : i32 to index
        %swap3A_454 = tpu.vector_load %arg12[%swap3A_451, %swap3A_452, %swap3A_453] {strides = array<i32>} : memref<2x32x128xf32, #tpu.memory_space<vmem>>, vector<16xf32>,
        tpu.vector_store %arg12[%swap3A_451, %swap3A_452, %swap3A_453], %gather3A_446 {strides = array<i32>} : memref<2x32x128xf32, #tpu.memory_space<vmem>>, vector<16xf32>,
        %add3A_455 = arith.constant 4 : i32
        %add3A_456 = vector.broadcast %add3A_455 : i32 to vector<16xi32>
        %add3A_457 = arith.addi %add3A_407, %add3A_456 : vector<16xi32>
        %gather3A_458 = tpu.vector_load_idx %arg11[%add3A_457] : memref<33024xf32, #tpu.memory_space<vmem>>[vector<16xi32>], vector<16xf32>,
        %mul3A_459 = arith.constant 16 : i32
        %mul3A_460 = arith.muli %add3A_387, %mul3A_459 : i32
        %swap3A_461 = arith.constant 1 : i32
        %swap3A_462 = arith.constant 4 : i32
        %swap3A_463 = arith.index_cast %swap3A_461 : i32 to index
        %swap3A_464 = arith.index_cast %swap3A_462 : i32 to index
        %swap3A_465 = arith.index_cast %mul3A_460 : i32 to index
        %swap3A_466 = tpu.vector_load %arg12[%swap3A_463, %swap3A_464, %swap3A_465] {strides = array<i32>} : memref<2x32x128xf32, #tpu.memory_space<vmem>>, vector<16xf32>,
        tpu.vector_store %arg12[%swap3A_463, %swap3A_464, %swap3A_465], %gather3A_458 {strides = array<i32>} : memref<2x32x128xf32, #tpu.memory_space<vmem>>, vector<16xf32>,
        %add3A_467 = arith.constant 5 : i32
        %add3A_468 = vector.broadcast %add3A_467 : i32 to vector<16xi32>
        %add3A_469 = arith.addi %add3A_407, %add3A_468 : vector<16xi32>
        %gather3A_470 = tpu.vector_load_idx %arg11[%add3A_469] : memref<33024xf32, #tpu.memory_space<vmem>>[vector<16xi32>], vector<16xf32>,
        %mul3A_471 = arith.constant 16 : i32
        %mul3A_472 = arith.muli %add3A_387, %mul3A_471 : i32
        %swap3A_473 = arith.constant 1 : i32
        %swap3A_474 = arith.constant 5 : i32
        %swap3A_475 = arith.index_cast %swap3A_473 : i32 to index
        %swap3A_476 = arith.index_cast %swap3A_474 : i32 to index
        %swap3A_477 = arith.index_cast %mul3A_472 : i32 to index
        %swap3A_478 = tpu.vector_load %arg12[%swap3A_475, %swap3A_476, %swap3A_477] {strides = array<i32>} : memref<2x32x128xf32, #tpu.memory_space<vmem>>, vector<16xf32>,
        tpu.vector_store %arg12[%swap3A_475, %swap3A_476, %swap3A_477], %gather3A_470 {strides = array<i32>} : memref<2x32x128xf32, #tpu.memory_space<vmem>>, vector<16xf32>,
        %add3A_479 = arith.constant 6 : i32
        %add3A_480 = vector.broadcast %add3A_479 : i32 to vector<16xi32>
        %add3A_481 = arith.addi %add3A_407, %add3A_480 : vector<16xi32>
        %gather3A_482 = tpu.vector_load_idx %arg11[%add3A_481] : memref<33024xf32, #tpu.memory_space<vmem>>[vector<16xi32>], vector<16xf32>,
        %mul3A_483 = arith.constant 16 : i32
        %mul3A_484 = arith.muli %add3A_387, %mul3A_483 : i32
        %swap3A_485 = arith.constant 1 : i32
        %swap3A_486 = arith.constant 6 : i32
        %swap3A_487 = arith.index_cast %swap3A_485 : i32 to index
        %swap3A_488 = arith.index_cast %swap3A_486 : i32 to index
        %swap3A_489 = arith.index_cast %mul3A_484 : i32 to index
        %swap3A_490 = tpu.vector_load %arg12[%swap3A_487, %swap3A_488, %swap3A_489] {strides = array<i32>} : memref<2x32x128xf32, #tpu.memory_space<vmem>>, vector<16xf32>,
        tpu.vector_store %arg12[%swap3A_487, %swap3A_488, %swap3A_489], %gather3A_482 {strides = array<i32>} : memref<2x32x128xf32, #tpu.memory_space<vmem>>, vector<16xf32>,
        %add3A_491 = arith.constant 7 : i32
        %add3A_492 = vector.broadcast %add3A_491 : i32 to vector<16xi32>
        %add3A_493 = arith.addi %add3A_407, %add3A_492 : vector<16xi32>
        %gather3A_494 = tpu.vector_load_idx %arg11[%add3A_493] : memref<33024xf32, #tpu.memory_space<vmem>>[vector<16xi32>], vector<16xf32>,
        %mul3A_495 = arith.constant 16 : i32
        %mul3A_496 = arith.muli %add3A_387, %mul3A_495 : i32
        %swap3A_497 = arith.constant 1 : i32
        %swap3A_498 = arith.constant 7 : i32
        %swap3A_499 = arith.index_cast %swap3A_497 : i32 to index
        %swap3A_500 = arith.index_cast %swap3A_498 : i32 to index
        %swap3A_501 = arith.index_cast %mul3A_496 : i32 to index
        %swap3A_502 = tpu.vector_load %arg12[%swap3A_499, %swap3A_500, %swap3A_501] {strides = array<i32>} : memref<2x32x128xf32, #tpu.memory_space<vmem>>, vector<16xf32>,
        tpu.vector_store %arg12[%swap3A_499, %swap3A_500, %swap3A_501], %gather3A_494 {strides = array<i32>} : memref<2x32x128xf32, #tpu.memory_space<vmem>>, vector<16xf32>,
        %add3A_503 = arith.constant 8 : i32
        %add3A_504 = vector.broadcast %add3A_503 : i32 to vector<16xi32>
        %add3A_505 = arith.addi %add3A_407, %add3A_504 : vector<16xi32>
        %gather3A_506 = tpu.vector_load_idx %arg11[%add3A_505] : memref<33024xf32, #tpu.memory_space<vmem>>[vector<16xi32>], vector<16xf32>,
        %mul3A_507 = arith.constant 16 : i32
        %mul3A_508 = arith.muli %add3A_387, %mul3A_507 : i32
        %swap3A_509 = arith.constant 1 : i32
        %swap3A_510 = arith.constant 8 : i32
        %swap3A_511 = arith.index_cast %swap3A_509 : i32 to index
        %swap3A_512 = arith.index_cast %swap3A_510 : i32 to index
        %swap3A_513 = arith.index_cast %mul3A_508 : i32 to index
        %swap3A_514 = tpu.vector_load %arg12[%swap3A_511, %swap3A_512, %swap3A_513] {strides = array<i32>} : memref<2x32x128xf32, #tpu.memory_space<vmem>>, vector<16xf32>,
        tpu.vector_store %arg12[%swap3A_511, %swap3A_512, %swap3A_513], %gather3A_506 {strides = array<i32>} : memref<2x32x128xf32, #tpu.memory_space<vmem>>, vector<16xf32>,
        %add3A_515 = arith.constant 9 : i32
        %add3A_516 = vector.broadcast %add3A_515 : i32 to vector<16xi32>
        %add3A_517 = arith.addi %add3A_407, %add3A_516 : vector<16xi32>
        %gather3A_518 = tpu.vector_load_idx %arg11[%add3A_517] : memref<33024xf32, #tpu.memory_space<vmem>>[vector<16xi32>], vector<16xf32>,
        %mul3A_519 = arith.constant 16 : i32
        %mul3A_520 = arith.muli %add3A_387, %mul3A_519 : i32
        %swap3A_521 = arith.constant 1 : i32
        %swap3A_522 = arith.constant 9 : i32
        %swap3A_523 = arith.index_cast %swap3A_521 : i32 to index
        %swap3A_524 = arith.index_cast %swap3A_522 : i32 to index
        %swap3A_525 = arith.index_cast %mul3A_520 : i32 to index
        %swap3A_526 = tpu.vector_load %arg12[%swap3A_523, %swap3A_524, %swap3A_525] {strides = array<i32>} : memref<2x32x128xf32, #tpu.memory_space<vmem>>, vector<16xf32>,
        tpu.vector_store %arg12[%swap3A_523, %swap3A_524, %swap3A_525], %gather3A_518 {strides = array<i32>} : memref<2x32x128xf32, #tpu.memory_space<vmem>>, vector<16xf32>,
        %add3A_527 = arith.constant 10 : i32
        %add3A_528 = vector.broadcast %add3A_527 : i32 to vector<16xi32>
        %add3A_529 = arith.addi %add3A_407, %add3A_528 : vector<16xi32>
        %gather3A_530 = tpu.vector_load_idx %arg11[%add3A_529] : memref<33024xf32, #tpu.memory_space<vmem>>[vector<16xi32>], vector<16xf32>,
        %mul3A_531 = arith.constant 16 : i32
        %mul3A_532 = arith.muli %add3A_387, %mul3A_531 : i32
        %swap3A_533 = arith.constant 1 : i32
        %swap3A_534 = arith.constant 10 : i32
        %swap3A_535 = arith.index_cast %swap3A_533 : i32 to index
        %swap3A_536 = arith.index_cast %swap3A_534 : i32 to index
        %swap3A_537 = arith.index_cast %mul3A_532 : i32 to index
        %swap3A_538 = tpu.vector_load %arg12[%swap3A_535, %swap3A_536, %swap3A_537] {strides = array<i32>} : memref<2x32x128xf32, #tpu.memory_space<vmem>>, vector<16xf32>,
        tpu.vector_store %arg12[%swap3A_535, %swap3A_536, %swap3A_537], %gather3A_530 {strides = array<i32>} : memref<2x32x128xf32, #tpu.memory_space<vmem>>, vector<16xf32>,
        %add3A_539 = arith.constant 11 : i32
        %add3A_540 = vector.broadcast %add3A_539 : i32 to vector<16xi32>
        %add3A_541 = arith.addi %add3A_407, %add3A_540 : vector<16xi32>
        %gather3A_542 = tpu.vector_load_idx %arg11[%add3A_541] : memref<33024xf32, #tpu.memory_space<vmem>>[vector<16xi32>], vector<16xf32>,
        %mul3A_543 = arith.constant 16 : i32
        %mul3A_544 = arith.muli %add3A_387, %mul3A_543 : i32
        %swap3A_545 = arith.constant 1 : i32
        %swap3A_546 = arith.constant 11 : i32
        %swap3A_547 = arith.index_cast %swap3A_545 : i32 to index
        %swap3A_548 = arith.index_cast %swap3A_546 : i32 to index
        %swap3A_549 = arith.index_cast %mul3A_544 : i32 to index
        %swap3A_550 = tpu.vector_load %arg12[%swap3A_547, %swap3A_548, %swap3A_549] {strides = array<i32>} : memref<2x32x128xf32, #tpu.memory_space<vmem>>, vector<16xf32>,
        tpu.vector_store %arg12[%swap3A_547, %swap3A_548, %swap3A_549], %gather3A_542 {strides = array<i32>} : memref<2x32x128xf32, #tpu.memory_space<vmem>>, vector<16xf32>,
        %add3A_551 = arith.constant 12 : i32
        %add3A_552 = vector.broadcast %add3A_551 : i32 to vector<16xi32>
        %add3A_553 = arith.addi %add3A_407, %add3A_552 : vector<16xi32>
        %gather3A_554 = tpu.vector_load_idx %arg11[%add3A_553] : memref<33024xf32, #tpu.memory_space<vmem>>[vector<16xi32>], vector<16xf32>,
        %mul3A_555 = arith.constant 16 : i32
        %mul3A_556 = arith.muli %add3A_387, %mul3A_555 : i32
        %swap3A_557 = arith.constant 1 : i32
        %swap3A_558 = arith.constant 12 : i32
        %swap3A_559 = arith.index_cast %swap3A_557 : i32 to index
        %swap3A_560 = arith.index_cast %swap3A_558 : i32 to index
        %swap3A_561 = arith.index_cast %mul3A_556 : i32 to index
        %swap3A_562 = tpu.vector_load %arg12[%swap3A_559, %swap3A_560, %swap3A_561] {strides = array<i32>} : memref<2x32x128xf32, #tpu.memory_space<vmem>>, vector<16xf32>,
        tpu.vector_store %arg12[%swap3A_559, %swap3A_560, %swap3A_561], %gather3A_554 {strides = array<i32>} : memref<2x32x128xf32, #tpu.memory_space<vmem>>, vector<16xf32>,
        %add3A_563 = arith.constant 13 : i32
        %add3A_564 = vector.broadcast %add3A_563 : i32 to vector<16xi32>
        %add3A_565 = arith.addi %add3A_407, %add3A_564 : vector<16xi32>
        %gather3A_566 = tpu.vector_load_idx %arg11[%add3A_565] : memref<33024xf32, #tpu.memory_space<vmem>>[vector<16xi32>], vector<16xf32>,
        %mul3A_567 = arith.constant 16 : i32
        %mul3A_568 = arith.muli %add3A_387, %mul3A_567 : i32
        %swap3A_569 = arith.constant 1 : i32
        %swap3A_570 = arith.constant 13 : i32
        %swap3A_571 = arith.index_cast %swap3A_569 : i32 to index
        %swap3A_572 = arith.index_cast %swap3A_570 : i32 to index
        %swap3A_573 = arith.index_cast %mul3A_568 : i32 to index
        %swap3A_574 = tpu.vector_load %arg12[%swap3A_571, %swap3A_572, %swap3A_573] {strides = array<i32>} : memref<2x32x128xf32, #tpu.memory_space<vmem>>, vector<16xf32>,
        tpu.vector_store %arg12[%swap3A_571, %swap3A_572, %swap3A_573], %gather3A_566 {strides = array<i32>} : memref<2x32x128xf32, #tpu.memory_space<vmem>>, vector<16xf32>,
        %add3A_575 = arith.constant 14 : i32
        %add3A_576 = vector.broadcast %add3A_575 : i32 to vector<16xi32>
        %add3A_577 = arith.addi %add3A_407, %add3A_576 : vector<16xi32>
        %gather3A_578 = tpu.vector_load_idx %arg11[%add3A_577] : memref<33024xf32, #tpu.memory_space<vmem>>[vector<16xi32>], vector<16xf32>,
        %mul3A_579 = arith.constant 16 : i32
        %mul3A_580 = arith.muli %add3A_387, %mul3A_579 : i32
        %swap3A_581 = arith.constant 1 : i32
        %swap3A_582 = arith.constant 14 : i32
        %swap3A_583 = arith.index_cast %swap3A_581 : i32 to index
        %swap3A_584 = arith.index_cast %swap3A_582 : i32 to index
        %swap3A_585 = arith.index_cast %mul3A_580 : i32 to index
        %swap3A_586 = tpu.vector_load %arg12[%swap3A_583, %swap3A_584, %swap3A_585] {strides = array<i32>} : memref<2x32x128xf32, #tpu.memory_space<vmem>>, vector<16xf32>,
        tpu.vector_store %arg12[%swap3A_583, %swap3A_584, %swap3A_585], %gather3A_578 {strides = array<i32>} : memref<2x32x128xf32, #tpu.memory_space<vmem>>, vector<16xf32>,
        %add3A_587 = arith.constant 15 : i32
        %add3A_588 = vector.broadcast %add3A_587 : i32 to vector<16xi32>
        %add3A_589 = arith.addi %add3A_407, %add3A_588 : vector<16xi32>
        %gather3A_590 = tpu.vector_load_idx %arg11[%add3A_589] : memref<33024xf32, #tpu.memory_space<vmem>>[vector<16xi32>], vector<16xf32>,
        %mul3A_591 = arith.constant 16 : i32
        %mul3A_592 = arith.muli %add3A_387, %mul3A_591 : i32
        %swap3A_593 = arith.constant 1 : i32
        %swap3A_594 = arith.constant 15 : i32
        %swap3A_595 = arith.index_cast %swap3A_593 : i32 to index
        %swap3A_596 = arith.index_cast %swap3A_594 : i32 to index
        %swap3A_597 = arith.index_cast %mul3A_592 : i32 to index
        %swap3A_598 = tpu.vector_load %arg12[%swap3A_595, %swap3A_596, %swap3A_597] {strides = array<i32>} : memref<2x32x128xf32, #tpu.memory_space<vmem>>, vector<16xf32>,
        tpu.vector_store %arg12[%swap3A_595, %swap3A_596, %swap3A_597], %gather3A_590 {strides = array<i32>} : memref<2x32x128xf32, #tpu.memory_space<vmem>>, vector<16xf32>,
        %add3A_599 = arith.constant 16 : i32
        %add3A_600 = vector.broadcast %add3A_599 : i32 to vector<16xi32>
        %add3A_601 = arith.addi %add3A_407, %add3A_600 : vector<16xi32>
        %gather3A_602 = tpu.vector_load_idx %arg11[%add3A_601] : memref<33024xf32, #tpu.memory_space<vmem>>[vector<16xi32>], vector<16xf32>,
        %mul3A_603 = arith.constant 16 : i32
        %mul3A_604 = arith.muli %add3A_387, %mul3A_603 : i32
        %swap3A_605 = arith.constant 1 : i32
        %swap3A_606 = arith.constant 16 : i32
        %swap3A_607 = arith.index_cast %swap3A_605 : i32 to index
        %swap3A_608 = arith.index_cast %swap3A_606 : i32 to index
        %swap3A_609 = arith.index_cast %mul3A_604 : i32 to index
        %swap3A_610 = tpu.vector_load %arg12[%swap3A_607, %swap3A_608, %swap3A_609] {strides = array<i32>} : memref<2x32x128xf32, #tpu.memory_space<vmem>>, vector<16xf32>,
        tpu.vector_store %arg12[%swap3A_607, %swap3A_608, %swap3A_609], %gather3A_602 {strides = array<i32>} : memref<2x32x128xf32, #tpu.memory_space<vmem>>, vector<16xf32>,
        %add3A_611 = arith.constant 17 : i32
        %add3A_612 = vector.broadcast %add3A_611 : i32 to vector<16xi32>
        %add3A_613 = arith.addi %add3A_407, %add3A_612 : vector<16xi32>
        %gather3A_614 = tpu.vector_load_idx %arg11[%add3A_613] : memref<33024xf32, #tpu.memory_space<vmem>>[vector<16xi32>], vector<16xf32>,
        %mul3A_615 = arith.constant 16 : i32
        %mul3A_616 = arith.muli %add3A_387, %mul3A_615 : i32
        %swap3A_617 = arith.constant 1 : i32
        %swap3A_618 = arith.constant 17 : i32
        %swap3A_619 = arith.index_cast %swap3A_617 : i32 to index
        %swap3A_620 = arith.index_cast %swap3A_618 : i32 to index
        %swap3A_621 = arith.index_cast %mul3A_616 : i32 to index
        %swap3A_622 = tpu.vector_load %arg12[%swap3A_619, %swap3A_620, %swap3A_621] {strides = array<i32>} : memref<2x32x128xf32, #tpu.memory_space<vmem>>, vector<16xf32>,
        tpu.vector_store %arg12[%swap3A_619, %swap3A_620, %swap3A_621], %gather3A_614 {strides = array<i32>} : memref<2x32x128xf32, #tpu.memory_space<vmem>>, vector<16xf32>,
        %add3A_623 = arith.constant 18 : i32
        %add3A_624 = vector.broadcast %add3A_623 : i32 to vector<16xi32>
        %add3A_625 = arith.addi %add3A_407, %add3A_624 : vector<16xi32>
        %gather3A_626 = tpu.vector_load_idx %arg11[%add3A_625] : memref<33024xf32, #tpu.memory_space<vmem>>[vector<16xi32>], vector<16xf32>,
        %mul3A_627 = arith.constant 16 : i32
        %mul3A_628 = arith.muli %add3A_387, %mul3A_627 : i32
        %swap3A_629 = arith.constant 1 : i32
        %swap3A_630 = arith.constant 18 : i32
        %swap3A_631 = arith.index_cast %swap3A_629 : i32 to index
        %swap3A_632 = arith.index_cast %swap3A_630 : i32 to index
        %swap3A_633 = arith.index_cast %mul3A_628 : i32 to index
        %swap3A_634 = tpu.vector_load %arg12[%swap3A_631, %swap3A_632, %swap3A_633] {strides = array<i32>} : memref<2x32x128xf32, #tpu.memory_space<vmem>>, vector<16xf32>,
        tpu.vector_store %arg12[%swap3A_631, %swap3A_632, %swap3A_633], %gather3A_626 {strides = array<i32>} : memref<2x32x128xf32, #tpu.memory_space<vmem>>, vector<16xf32>,
        %add3A_635 = arith.constant 19 : i32
        %add3A_636 = vector.broadcast %add3A_635 : i32 to vector<16xi32>
        %add3A_637 = arith.addi %add3A_407, %add3A_636 : vector<16xi32>
        %gather3A_638 = tpu.vector_load_idx %arg11[%add3A_637] : memref<33024xf32, #tpu.memory_space<vmem>>[vector<16xi32>], vector<16xf32>,
        %mul3A_639 = arith.constant 16 : i32
        %mul3A_640 = arith.muli %add3A_387, %mul3A_639 : i32
        %swap3A_641 = arith.constant 1 : i32
        %swap3A_642 = arith.constant 19 : i32
        %swap3A_643 = arith.index_cast %swap3A_641 : i32 to index
        %swap3A_644 = arith.index_cast %swap3A_642 : i32 to index
        %swap3A_645 = arith.index_cast %mul3A_640 : i32 to index
        %swap3A_646 = tpu.vector_load %arg12[%swap3A_643, %swap3A_644, %swap3A_645] {strides = array<i32>} : memref<2x32x128xf32, #tpu.memory_space<vmem>>, vector<16xf32>,
        tpu.vector_store %arg12[%swap3A_643, %swap3A_644, %swap3A_645], %gather3A_638 {strides = array<i32>} : memref<2x32x128xf32, #tpu.memory_space<vmem>>, vector<16xf32>,
        %add3A_647 = arith.constant 20 : i32
        %add3A_648 = vector.broadcast %add3A_647 : i32 to vector<16xi32>
        %add3A_649 = arith.addi %add3A_407, %add3A_648 : vector<16xi32>
        %gather3A_650 = tpu.vector_load_idx %arg11[%add3A_649] : memref<33024xf32, #tpu.memory_space<vmem>>[vector<16xi32>], vector<16xf32>,
        %mul3A_651 = arith.constant 16 : i32
        %mul3A_652 = arith.muli %add3A_387, %mul3A_651 : i32
        %swap3A_653 = arith.constant 1 : i32
        %swap3A_654 = arith.constant 20 : i32
        %swap3A_655 = arith.index_cast %swap3A_653 : i32 to index
        %swap3A_656 = arith.index_cast %swap3A_654 : i32 to index
        %swap3A_657 = arith.index_cast %mul3A_652 : i32 to index
        %swap3A_658 = tpu.vector_load %arg12[%swap3A_655, %swap3A_656, %swap3A_657] {strides = array<i32>} : memref<2x32x128xf32, #tpu.memory_space<vmem>>, vector<16xf32>,
        tpu.vector_store %arg12[%swap3A_655, %swap3A_656, %swap3A_657], %gather3A_650 {strides = array<i32>} : memref<2x32x128xf32, #tpu.memory_space<vmem>>, vector<16xf32>,
        %add3A_659 = arith.constant 21 : i32
        %add3A_660 = vector.broadcast %add3A_659 : i32 to vector<16xi32>
        %add3A_661 = arith.addi %add3A_407, %add3A_660 : vector<16xi32>
        %gather3A_662 = tpu.vector_load_idx %arg11[%add3A_661] : memref<33024xf32, #tpu.memory_space<vmem>>[vector<16xi32>], vector<16xf32>,
        %mul3A_663 = arith.constant 16 : i32
        %mul3A_664 = arith.muli %add3A_387, %mul3A_663 : i32
        %swap3A_665 = arith.constant 1 : i32
        %swap3A_666 = arith.constant 21 : i32
        %swap3A_667 = arith.index_cast %swap3A_665 : i32 to index
        %swap3A_668 = arith.index_cast %swap3A_666 : i32 to index
        %swap3A_669 = arith.index_cast %mul3A_664 : i32 to index
        %swap3A_670 = tpu.vector_load %arg12[%swap3A_667, %swap3A_668, %swap3A_669] {strides = array<i32>} : memref<2x32x128xf32, #tpu.memory_space<vmem>>, vector<16xf32>,
        tpu.vector_store %arg12[%swap3A_667, %swap3A_668, %swap3A_669], %gather3A_662 {strides = array<i32>} : memref<2x32x128xf32, #tpu.memory_space<vmem>>, vector<16xf32>,
        %add3A_671 = arith.constant 22 : i32
        %add3A_672 = vector.broadcast %add3A_671 : i32 to vector<16xi32>
        %add3A_673 = arith.addi %add3A_407, %add3A_672 : vector<16xi32>
        %gather3A_674 = tpu.vector_load_idx %arg11[%add3A_673] : memref<33024xf32, #tpu.memory_space<vmem>>[vector<16xi32>], vector<16xf32>,
        %mul3A_675 = arith.constant 16 : i32
        %mul3A_676 = arith.muli %add3A_387, %mul3A_675 : i32
        %swap3A_677 = arith.constant 1 : i32
        %swap3A_678 = arith.constant 22 : i32
        %swap3A_679 = arith.index_cast %swap3A_677 : i32 to index
        %swap3A_680 = arith.index_cast %swap3A_678 : i32 to index
        %swap3A_681 = arith.index_cast %mul3A_676 : i32 to index
        %swap3A_682 = tpu.vector_load %arg12[%swap3A_679, %swap3A_680, %swap3A_681] {strides = array<i32>} : memref<2x32x128xf32, #tpu.memory_space<vmem>>, vector<16xf32>,
        tpu.vector_store %arg12[%swap3A_679, %swap3A_680, %swap3A_681], %gather3A_674 {strides = array<i32>} : memref<2x32x128xf32, #tpu.memory_space<vmem>>, vector<16xf32>,
        %add3A_683 = arith.constant 23 : i32
        %add3A_684 = vector.broadcast %add3A_683 : i32 to vector<16xi32>
        %add3A_685 = arith.addi %add3A_407, %add3A_684 : vector<16xi32>
        %gather3A_686 = tpu.vector_load_idx %arg11[%add3A_685] : memref<33024xf32, #tpu.memory_space<vmem>>[vector<16xi32>], vector<16xf32>,
        %mul3A_687 = arith.constant 16 : i32
        %mul3A_688 = arith.muli %add3A_387, %mul3A_687 : i32
        %swap3A_689 = arith.constant 1 : i32
        %swap3A_690 = arith.constant 23 : i32
        %swap3A_691 = arith.index_cast %swap3A_689 : i32 to index
        %swap3A_692 = arith.index_cast %swap3A_690 : i32 to index
        %swap3A_693 = arith.index_cast %mul3A_688 : i32 to index
        %swap3A_694 = tpu.vector_load %arg12[%swap3A_691, %swap3A_692, %swap3A_693] {strides = array<i32>} : memref<2x32x128xf32, #tpu.memory_space<vmem>>, vector<16xf32>,
        tpu.vector_store %arg12[%swap3A_691, %swap3A_692, %swap3A_693], %gather3A_686 {strides = array<i32>} : memref<2x32x128xf32, #tpu.memory_space<vmem>>, vector<16xf32>,
        %add3A_695 = arith.constant 24 : i32
        %add3A_696 = vector.broadcast %add3A_695 : i32 to vector<16xi32>
        %add3A_697 = arith.addi %add3A_407, %add3A_696 : vector<16xi32>
        %gather3A_698 = tpu.vector_load_idx %arg11[%add3A_697] : memref<33024xf32, #tpu.memory_space<vmem>>[vector<16xi32>], vector<16xf32>,
        %mul3A_699 = arith.constant 16 : i32
        %mul3A_700 = arith.muli %add3A_387, %mul3A_699 : i32
        %swap3A_701 = arith.constant 1 : i32
        %swap3A_702 = arith.constant 24 : i32
        %swap3A_703 = arith.index_cast %swap3A_701 : i32 to index
        %swap3A_704 = arith.index_cast %swap3A_702 : i32 to index
        %swap3A_705 = arith.index_cast %mul3A_700 : i32 to index
        %swap3A_706 = tpu.vector_load %arg12[%swap3A_703, %swap3A_704, %swap3A_705] {strides = array<i32>} : memref<2x32x128xf32, #tpu.memory_space<vmem>>, vector<16xf32>,
        tpu.vector_store %arg12[%swap3A_703, %swap3A_704, %swap3A_705], %gather3A_698 {strides = array<i32>} : memref<2x32x128xf32, #tpu.memory_space<vmem>>, vector<16xf32>,
        %add3A_707 = arith.constant 25 : i32
        %add3A_708 = vector.broadcast %add3A_707 : i32 to vector<16xi32>
        %add3A_709 = arith.addi %add3A_407, %add3A_708 : vector<16xi32>
        %gather3A_710 = tpu.vector_load_idx %arg11[%add3A_709] : memref<33024xf32, #tpu.memory_space<vmem>>[vector<16xi32>], vector<16xf32>,
        %mul3A_711 = arith.constant 16 : i32
        %mul3A_712 = arith.muli %add3A_387, %mul3A_711 : i32
        %swap3A_713 = arith.constant 1 : i32
        %swap3A_714 = arith.constant 25 : i32
        %swap3A_715 = arith.index_cast %swap3A_713 : i32 to index
        %swap3A_716 = arith.index_cast %swap3A_714 : i32 to index
        %swap3A_717 = arith.index_cast %mul3A_712 : i32 to index
        %swap3A_718 = tpu.vector_load %arg12[%swap3A_715, %swap3A_716, %swap3A_717] {strides = array<i32>} : memref<2x32x128xf32, #tpu.memory_space<vmem>>, vector<16xf32>,
        tpu.vector_store %arg12[%swap3A_715, %swap3A_716, %swap3A_717], %gather3A_710 {strides = array<i32>} : memref<2x32x128xf32, #tpu.memory_space<vmem>>, vector<16xf32>,
        %add3A_719 = arith.constant 26 : i32
        %add3A_720 = vector.broadcast %add3A_719 : i32 to vector<16xi32>
        %add3A_721 = arith.addi %add3A_407, %add3A_720 : vector<16xi32>
        %gather3A_722 = tpu.vector_load_idx %arg11[%add3A_721] : memref<33024xf32, #tpu.memory_space<vmem>>[vector<16xi32>], vector<16xf32>,
        %mul3A_723 = arith.constant 16 : i32
        %mul3A_724 = arith.muli %add3A_387, %mul3A_723 : i32
        %swap3A_725 = arith.constant 1 : i32
        %swap3A_726 = arith.constant 26 : i32
        %swap3A_727 = arith.index_cast %swap3A_725 : i32 to index
        %swap3A_728 = arith.index_cast %swap3A_726 : i32 to index
        %swap3A_729 = arith.index_cast %mul3A_724 : i32 to index
        %swap3A_730 = tpu.vector_load %arg12[%swap3A_727, %swap3A_728, %swap3A_729] {strides = array<i32>} : memref<2x32x128xf32, #tpu.memory_space<vmem>>, vector<16xf32>,
        tpu.vector_store %arg12[%swap3A_727, %swap3A_728, %swap3A_729], %gather3A_722 {strides = array<i32>} : memref<2x32x128xf32, #tpu.memory_space<vmem>>, vector<16xf32>,
        %add3A_731 = arith.constant 27 : i32
        %add3A_732 = vector.broadcast %add3A_731 : i32 to vector<16xi32>
        %add3A_733 = arith.addi %add3A_407, %add3A_732 : vector<16xi32>
        %gather3A_734 = tpu.vector_load_idx %arg11[%add3A_733] : memref<33024xf32, #tpu.memory_space<vmem>>[vector<16xi32>], vector<16xf32>,
        %mul3A_735 = arith.constant 16 : i32
        %mul3A_736 = arith.muli %add3A_387, %mul3A_735 : i32
        %swap3A_737 = arith.constant 1 : i32
        %swap3A_738 = arith.constant 27 : i32
        %swap3A_739 = arith.index_cast %swap3A_737 : i32 to index
        %swap3A_740 = arith.index_cast %swap3A_738 : i32 to index
        %swap3A_741 = arith.index_cast %mul3A_736 : i32 to index
        %swap3A_742 = tpu.vector_load %arg12[%swap3A_739, %swap3A_740, %swap3A_741] {strides = array<i32>} : memref<2x32x128xf32, #tpu.memory_space<vmem>>, vector<16xf32>,
        tpu.vector_store %arg12[%swap3A_739, %swap3A_740, %swap3A_741], %gather3A_734 {strides = array<i32>} : memref<2x32x128xf32, #tpu.memory_space<vmem>>, vector<16xf32>,
        %add3A_743 = arith.constant 28 : i32
        %add3A_744 = vector.broadcast %add3A_743 : i32 to vector<16xi32>
        %add3A_745 = arith.addi %add3A_407, %add3A_744 : vector<16xi32>
        %gather3A_746 = tpu.vector_load_idx %arg11[%add3A_745] : memref<33024xf32, #tpu.memory_space<vmem>>[vector<16xi32>], vector<16xf32>,
        %mul3A_747 = arith.constant 16 : i32
        %mul3A_748 = arith.muli %add3A_387, %mul3A_747 : i32
        %swap3A_749 = arith.constant 1 : i32
        %swap3A_750 = arith.constant 28 : i32
        %swap3A_751 = arith.index_cast %swap3A_749 : i32 to index
        %swap3A_752 = arith.index_cast %swap3A_750 : i32 to index
        %swap3A_753 = arith.index_cast %mul3A_748 : i32 to index
        %swap3A_754 = tpu.vector_load %arg12[%swap3A_751, %swap3A_752, %swap3A_753] {strides = array<i32>} : memref<2x32x128xf32, #tpu.memory_space<vmem>>, vector<16xf32>,
        tpu.vector_store %arg12[%swap3A_751, %swap3A_752, %swap3A_753], %gather3A_746 {strides = array<i32>} : memref<2x32x128xf32, #tpu.memory_space<vmem>>, vector<16xf32>,
        %add3A_755 = arith.constant 29 : i32
        %add3A_756 = vector.broadcast %add3A_755 : i32 to vector<16xi32>
        %add3A_757 = arith.addi %add3A_407, %add3A_756 : vector<16xi32>
        %gather3A_758 = tpu.vector_load_idx %arg11[%add3A_757] : memref<33024xf32, #tpu.memory_space<vmem>>[vector<16xi32>], vector<16xf32>,
        %mul3A_759 = arith.constant 16 : i32
        %mul3A_760 = arith.muli %add3A_387, %mul3A_759 : i32
        %swap3A_761 = arith.constant 1 : i32
        %swap3A_762 = arith.constant 29 : i32
        %swap3A_763 = arith.index_cast %swap3A_761 : i32 to index
        %swap3A_764 = arith.index_cast %swap3A_762 : i32 to index
        %swap3A_765 = arith.index_cast %mul3A_760 : i32 to index
        %swap3A_766 = tpu.vector_load %arg12[%swap3A_763, %swap3A_764, %swap3A_765] {strides = array<i32>} : memref<2x32x128xf32, #tpu.memory_space<vmem>>, vector<16xf32>,
        tpu.vector_store %arg12[%swap3A_763, %swap3A_764, %swap3A_765], %gather3A_758 {strides = array<i32>} : memref<2x32x128xf32, #tpu.memory_space<vmem>>, vector<16xf32>,
        %add3A_767 = arith.constant 30 : i32
        %add3A_768 = vector.broadcast %add3A_767 : i32 to vector<16xi32>
        %add3A_769 = arith.addi %add3A_407, %add3A_768 : vector<16xi32>
        %gather3A_770 = tpu.vector_load_idx %arg11[%add3A_769] : memref<33024xf32, #tpu.memory_space<vmem>>[vector<16xi32>], vector<16xf32>,
        %mul3A_771 = arith.constant 16 : i32
        %mul3A_772 = arith.muli %add3A_387, %mul3A_771 : i32
        %swap3A_773 = arith.constant 1 : i32
        %swap3A_774 = arith.constant 30 : i32
        %swap3A_775 = arith.index_cast %swap3A_773 : i32 to index
        %swap3A_776 = arith.index_cast %swap3A_774 : i32 to index
        %swap3A_777 = arith.index_cast %mul3A_772 : i32 to index
        %swap3A_778 = tpu.vector_load %arg12[%swap3A_775, %swap3A_776, %swap3A_777] {strides = array<i32>} : memref<2x32x128xf32, #tpu.memory_space<vmem>>, vector<16xf32>,
        tpu.vector_store %arg12[%swap3A_775, %swap3A_776, %swap3A_777], %gather3A_770 {strides = array<i32>} : memref<2x32x128xf32, #tpu.memory_space<vmem>>, vector<16xf32>,
        %add3A_779 = arith.constant 31 : i32
        %add3A_780 = vector.broadcast %add3A_779 : i32 to vector<16xi32>
        %add3A_781 = arith.addi %add3A_407, %add3A_780 : vector<16xi32>
        %gather3A_782 = tpu.vector_load_idx %arg11[%add3A_781] : memref<33024xf32, #tpu.memory_space<vmem>>[vector<16xi32>], vector<16xf32>,
        %mul3A_783 = arith.constant 16 : i32
        %mul3A_784 = arith.muli %add3A_387, %mul3A_783 : i32
        %swap3A_785 = arith.constant 1 : i32
        %swap3A_786 = arith.constant 31 : i32
        %swap3A_787 = arith.index_cast %swap3A_785 : i32 to index
        %swap3A_788 = arith.index_cast %swap3A_786 : i32 to index
        %swap3A_789 = arith.index_cast %mul3A_784 : i32 to index
        %swap3A_790 = tpu.vector_load %arg12[%swap3A_787, %swap3A_788, %swap3A_789] {strides = array<i32>} : memref<2x32x128xf32, #tpu.memory_space<vmem>>, vector<16xf32>,
        tpu.vector_store %arg12[%swap3A_787, %swap3A_788, %swap3A_789], %gather3A_782 {strides = array<i32>} : memref<2x32x128xf32, #tpu.memory_space<vmem>>, vector<16xf32>,
      }
      %scan3A_334 = arith.constant 8 : i32
      %add3A_335 = arith.constant 2 : i32
      %add3A_336 = arith.addi %add3A_317, %add3A_335 : i32
      %lt3A = arith.constant 100 : i32
      %lt3A_337 = arith.cmpi slt, %add3A_336, %lt3A : i32
      %convert_element_type3A_338 = arith.extui %lt3A_337 : i1 to i32
      %cond3A_339 = arith.constant 0 : i32
      %cond3A_340 = arith.cmpi ne, %convert_element_type3A_338, %cond3A_339 : i32
      scf.if %cond3A_340 {
        %add3A_383 = arith.constant 2 : i32
        %add3A_384 = arith.addi %add3A_317, %add3A_383 : i32
        %mul3A_385 = arith.constant 2 : i32
        %mul3A_386 = arith.muli %add3A_384, %mul3A_385 : i32
        "tpu.region"() ({
          %run_scoped3A = tpu.sem_alloc : memref<!tpu.dma_semaphore, #tpu.memory_space<semaphore_mem>>
          %dma_start3A_534 = tpu.memref_slice %arg2[%mul3A_386, %mul3A_2] : memref<200x4096xi32, #tpu.memory_space<hbm>> -> memref<2x128xi32, #tpu.memory_space<hbm>>
          %dma_start3A_535 = tpu.memref_slice %arg2[%mul3A_386, %mul3A_2] : memref<200x4096xi32, #tpu.memory_space<hbm>> -> memref<2x128xi32, #tpu.memory_space<hbm>>
          tpu.enqueue_dma source(%dma_start3A_535 : memref<2x128xi32, #tpu.memory_space<hbm>>) target(%arg5 : memref<2x128xi32, #tpu.memory_space<vmem>>) target_semaphore(%run_scoped3A : memref<!tpu.dma_semaphore, #tpu.memory_space<semaphore_mem>>)
          %dma_wait3A_536 = tpu.memref_slice %arg2[%mul3A_386, %mul3A_2] : memref<200x4096xi32, #tpu.memory_space<hbm>> -> memref<2x128xi32, #tpu.memory_space<hbm>>
          %dma_wait3A_537 = tpu.memref_slice %arg2[%mul3A_386, %mul3A_2] : memref<200x4096xi32, #tpu.memory_space<hbm>> -> memref<2x128xi32, #tpu.memory_space<hbm>>
          tpu.wait_dma2 semaphore(%run_scoped3A : memref<!tpu.dma_semaphore, #tpu.memory_space<semaphore_mem>>) src(%dma_wait3A_537 : memref<2x128xi32, #tpu.memory_space<hbm>>) dst(%arg5 : memref<2x128xi32, #tpu.memory_space<vmem>>)
          tpu.yield
        }) : () -> ()
        %get3A_387 = arith.constant 0 : i32
        %get3A_388 = arith.index_cast %get3A_387 : i32 to index
        %get3A_389 = arith.constant 0 : index
        %get3A_390 = tpu.vector_load %arg5[%get3A_388, %get3A_389] {strides = array<i32>} : memref<2x128xi32, #tpu.memory_space<vmem>>, vector<16xi32>,
        %shift_right_logical3A_391 = arith.constant 2 : i32
        %shift_right_logical3A_392 = vector.broadcast %shift_right_logical3A_391 : i32 to vector<16xi32>
        %shift_right_logical3A_393 = arith.shrui %get3A_390, %shift_right_logical3A_392 : vector<16xi32>
        %swap3A_394 = arith.constant 0 : index
        %swap3A_395 = tpu.vector_load %arg7[%swap3A_394] {strides = array<i32>} : memref<256xi32, #tpu.memory_space<vmem>>, vector<16xi32>,
        tpu.vector_store %arg7[%swap3A_394], %shift_right_logical3A_393 {strides = array<i32>} : memref<256xi32, #tpu.memory_space<vmem>>, vector<16xi32>,
        %get3A_396 = arith.constant 0 : i32
        %get3A_397 = arith.index_cast %get3A_396 : i32 to index
        %get3A_398 = arith.constant 16 : index
        %get3A_399 = tpu.vector_load %arg5[%get3A_397, %get3A_398] {strides = array<i32>} : memref<2x128xi32, #tpu.memory_space<vmem>>, vector<16xi32>,
        %shift_right_logical3A_400 = arith.constant 2 : i32
        %shift_right_logical3A_401 = vector.broadcast %shift_right_logical3A_400 : i32 to vector<16xi32>
        %shift_right_logical3A_402 = arith.shrui %get3A_399, %shift_right_logical3A_401 : vector<16xi32>
        %swap3A_403 = arith.constant 16 : index
        %swap3A_404 = tpu.vector_load %arg7[%swap3A_403] {strides = array<i32>} : memref<256xi32, #tpu.memory_space<vmem>>, vector<16xi32>,
        tpu.vector_store %arg7[%swap3A_403], %shift_right_logical3A_402 {strides = array<i32>} : memref<256xi32, #tpu.memory_space<vmem>>, vector<16xi32>,
        %get3A_405 = arith.constant 0 : i32
        %get3A_406 = arith.index_cast %get3A_405 : i32 to index
        %get3A_407 = arith.constant 32 : index
        %get3A_408 = tpu.vector_load %arg5[%get3A_406, %get3A_407] {strides = array<i32>} : memref<2x128xi32, #tpu.memory_space<vmem>>, vector<16xi32>,
        %shift_right_logical3A_409 = arith.constant 2 : i32
        %shift_right_logical3A_410 = vector.broadcast %shift_right_logical3A_409 : i32 to vector<16xi32>
        %shift_right_logical3A_411 = arith.shrui %get3A_408, %shift_right_logical3A_410 : vector<16xi32>
        %swap3A_412 = arith.constant 32 : index
        %swap3A_413 = tpu.vector_load %arg7[%swap3A_412] {strides = array<i32>} : memref<256xi32, #tpu.memory_space<vmem>>, vector<16xi32>,
        tpu.vector_store %arg7[%swap3A_412], %shift_right_logical3A_411 {strides = array<i32>} : memref<256xi32, #tpu.memory_space<vmem>>, vector<16xi32>,
        %get3A_414 = arith.constant 0 : i32
        %get3A_415 = arith.index_cast %get3A_414 : i32 to index
        %get3A_416 = arith.constant 48 : index
        %get3A_417 = tpu.vector_load %arg5[%get3A_415, %get3A_416] {strides = array<i32>} : memref<2x128xi32, #tpu.memory_space<vmem>>, vector<16xi32>,
        %shift_right_logical3A_418 = arith.constant 2 : i32
        %shift_right_logical3A_419 = vector.broadcast %shift_right_logical3A_418 : i32 to vector<16xi32>
        %shift_right_logical3A_420 = arith.shrui %get3A_417, %shift_right_logical3A_419 : vector<16xi32>
        %swap3A_421 = arith.constant 48 : index
        %swap3A_422 = tpu.vector_load %arg7[%swap3A_421] {strides = array<i32>} : memref<256xi32, #tpu.memory_space<vmem>>, vector<16xi32>,
        tpu.vector_store %arg7[%swap3A_421], %shift_right_logical3A_420 {strides = array<i32>} : memref<256xi32, #tpu.memory_space<vmem>>, vector<16xi32>,
        %get3A_423 = arith.constant 0 : i32
        %get3A_424 = arith.index_cast %get3A_423 : i32 to index
        %get3A_425 = arith.constant 64 : index
        %get3A_426 = tpu.vector_load %arg5[%get3A_424, %get3A_425] {strides = array<i32>} : memref<2x128xi32, #tpu.memory_space<vmem>>, vector<16xi32>,
        %shift_right_logical3A_427 = arith.constant 2 : i32
        %shift_right_logical3A_428 = vector.broadcast %shift_right_logical3A_427 : i32 to vector<16xi32>
        %shift_right_logical3A_429 = arith.shrui %get3A_426, %shift_right_logical3A_428 : vector<16xi32>
        %swap3A_430 = arith.constant 64 : index
        %swap3A_431 = tpu.vector_load %arg7[%swap3A_430] {strides = array<i32>} : memref<256xi32, #tpu.memory_space<vmem>>, vector<16xi32>,
        tpu.vector_store %arg7[%swap3A_430], %shift_right_logical3A_429 {strides = array<i32>} : memref<256xi32, #tpu.memory_space<vmem>>, vector<16xi32>,
        %get3A_432 = arith.constant 0 : i32
        %get3A_433 = arith.index_cast %get3A_432 : i32 to index
        %get3A_434 = arith.constant 80 : index
        %get3A_435 = tpu.vector_load %arg5[%get3A_433, %get3A_434] {strides = array<i32>} : memref<2x128xi32, #tpu.memory_space<vmem>>, vector<16xi32>,
        %shift_right_logical3A_436 = arith.constant 2 : i32
        %shift_right_logical3A_437 = vector.broadcast %shift_right_logical3A_436 : i32 to vector<16xi32>
        %shift_right_logical3A_438 = arith.shrui %get3A_435, %shift_right_logical3A_437 : vector<16xi32>
        %swap3A_439 = arith.constant 80 : index
        %swap3A_440 = tpu.vector_load %arg7[%swap3A_439] {strides = array<i32>} : memref<256xi32, #tpu.memory_space<vmem>>, vector<16xi32>,
        tpu.vector_store %arg7[%swap3A_439], %shift_right_logical3A_438 {strides = array<i32>} : memref<256xi32, #tpu.memory_space<vmem>>, vector<16xi32>,
        %get3A_441 = arith.constant 0 : i32
        %get3A_442 = arith.index_cast %get3A_441 : i32 to index
        %get3A_443 = arith.constant 96 : index
        %get3A_444 = tpu.vector_load %arg5[%get3A_442, %get3A_443] {strides = array<i32>} : memref<2x128xi32, #tpu.memory_space<vmem>>, vector<16xi32>,
        %shift_right_logical3A_445 = arith.constant 2 : i32
        %shift_right_logical3A_446 = vector.broadcast %shift_right_logical3A_445 : i32 to vector<16xi32>
        %shift_right_logical3A_447 = arith.shrui %get3A_444, %shift_right_logical3A_446 : vector<16xi32>
        %swap3A_448 = arith.constant 96 : index
        %swap3A_449 = tpu.vector_load %arg7[%swap3A_448] {strides = array<i32>} : memref<256xi32, #tpu.memory_space<vmem>>, vector<16xi32>,
        tpu.vector_store %arg7[%swap3A_448], %shift_right_logical3A_447 {strides = array<i32>} : memref<256xi32, #tpu.memory_space<vmem>>, vector<16xi32>,
        %get3A_450 = arith.constant 0 : i32
        %get3A_451 = arith.index_cast %get3A_450 : i32 to index
        %get3A_452 = arith.constant 112 : index
        %get3A_453 = tpu.vector_load %arg5[%get3A_451, %get3A_452] {strides = array<i32>} : memref<2x128xi32, #tpu.memory_space<vmem>>, vector<16xi32>,
        %shift_right_logical3A_454 = arith.constant 2 : i32
        %shift_right_logical3A_455 = vector.broadcast %shift_right_logical3A_454 : i32 to vector<16xi32>
        %shift_right_logical3A_456 = arith.shrui %get3A_453, %shift_right_logical3A_455 : vector<16xi32>
        %swap3A_457 = arith.constant 112 : index
        %swap3A_458 = tpu.vector_load %arg7[%swap3A_457] {strides = array<i32>} : memref<256xi32, #tpu.memory_space<vmem>>, vector<16xi32>,
        tpu.vector_store %arg7[%swap3A_457], %shift_right_logical3A_456 {strides = array<i32>} : memref<256xi32, #tpu.memory_space<vmem>>, vector<16xi32>,
        %get3A_459 = arith.constant 1 : i32
        %get3A_460 = arith.index_cast %get3A_459 : i32 to index
        %get3A_461 = arith.constant 0 : index
        %get3A_462 = tpu.vector_load %arg5[%get3A_460, %get3A_461] {strides = array<i32>} : memref<2x128xi32, #tpu.memory_space<vmem>>, vector<16xi32>,
        %shift_right_logical3A_463 = arith.constant 2 : i32
        %shift_right_logical3A_464 = vector.broadcast %shift_right_logical3A_463 : i32 to vector<16xi32>
        %shift_right_logical3A_465 = arith.shrui %get3A_462, %shift_right_logical3A_464 : vector<16xi32>
        %swap3A_466 = arith.constant 128 : index
        %swap3A_467 = tpu.vector_load %arg7[%swap3A_466] {strides = array<i32>} : memref<256xi32, #tpu.memory_space<vmem>>, vector<16xi32>,
        tpu.vector_store %arg7[%swap3A_466], %shift_right_logical3A_465 {strides = array<i32>} : memref<256xi32, #tpu.memory_space<vmem>>, vector<16xi32>,
        %get3A_468 = arith.constant 1 : i32
        %get3A_469 = arith.index_cast %get3A_468 : i32 to index
        %get3A_470 = arith.constant 16 : index
        %get3A_471 = tpu.vector_load %arg5[%get3A_469, %get3A_470] {strides = array<i32>} : memref<2x128xi32, #tpu.memory_space<vmem>>, vector<16xi32>,
        %shift_right_logical3A_472 = arith.constant 2 : i32
        %shift_right_logical3A_473 = vector.broadcast %shift_right_logical3A_472 : i32 to vector<16xi32>
        %shift_right_logical3A_474 = arith.shrui %get3A_471, %shift_right_logical3A_473 : vector<16xi32>
        %swap3A_475 = arith.constant 144 : index
        %swap3A_476 = tpu.vector_load %arg7[%swap3A_475] {strides = array<i32>} : memref<256xi32, #tpu.memory_space<vmem>>, vector<16xi32>,
        tpu.vector_store %arg7[%swap3A_475], %shift_right_logical3A_474 {strides = array<i32>} : memref<256xi32, #tpu.memory_space<vmem>>, vector<16xi32>,
        %get3A_477 = arith.constant 1 : i32
        %get3A_478 = arith.index_cast %get3A_477 : i32 to index
        %get3A_479 = arith.constant 32 : index
        %get3A_480 = tpu.vector_load %arg5[%get3A_478, %get3A_479] {strides = array<i32>} : memref<2x128xi32, #tpu.memory_space<vmem>>, vector<16xi32>,
        %shift_right_logical3A_481 = arith.constant 2 : i32
        %shift_right_logical3A_482 = vector.broadcast %shift_right_logical3A_481 : i32 to vector<16xi32>
        %shift_right_logical3A_483 = arith.shrui %get3A_480, %shift_right_logical3A_482 : vector<16xi32>
        %swap3A_484 = arith.constant 160 : index
        %swap3A_485 = tpu.vector_load %arg7[%swap3A_484] {strides = array<i32>} : memref<256xi32, #tpu.memory_space<vmem>>, vector<16xi32>,
        tpu.vector_store %arg7[%swap3A_484], %shift_right_logical3A_483 {strides = array<i32>} : memref<256xi32, #tpu.memory_space<vmem>>, vector<16xi32>,
        %get3A_486 = arith.constant 1 : i32
        %get3A_487 = arith.index_cast %get3A_486 : i32 to index
        %get3A_488 = arith.constant 48 : index
        %get3A_489 = tpu.vector_load %arg5[%get3A_487, %get3A_488] {strides = array<i32>} : memref<2x128xi32, #tpu.memory_space<vmem>>, vector<16xi32>,
        %shift_right_logical3A_490 = arith.constant 2 : i32
        %shift_right_logical3A_491 = vector.broadcast %shift_right_logical3A_490 : i32 to vector<16xi32>
        %shift_right_logical3A_492 = arith.shrui %get3A_489, %shift_right_logical3A_491 : vector<16xi32>
        %swap3A_493 = arith.constant 176 : index
        %swap3A_494 = tpu.vector_load %arg7[%swap3A_493] {strides = array<i32>} : memref<256xi32, #tpu.memory_space<vmem>>, vector<16xi32>,
        tpu.vector_store %arg7[%swap3A_493], %shift_right_logical3A_492 {strides = array<i32>} : memref<256xi32, #tpu.memory_space<vmem>>, vector<16xi32>,
        %get3A_495 = arith.constant 1 : i32
        %get3A_496 = arith.index_cast %get3A_495 : i32 to index
        %get3A_497 = arith.constant 64 : index
        %get3A_498 = tpu.vector_load %arg5[%get3A_496, %get3A_497] {strides = array<i32>} : memref<2x128xi32, #tpu.memory_space<vmem>>, vector<16xi32>,
        %shift_right_logical3A_499 = arith.constant 2 : i32
        %shift_right_logical3A_500 = vector.broadcast %shift_right_logical3A_499 : i32 to vector<16xi32>
        %shift_right_logical3A_501 = arith.shrui %get3A_498, %shift_right_logical3A_500 : vector<16xi32>
        %swap3A_502 = arith.constant 192 : index
        %swap3A_503 = tpu.vector_load %arg7[%swap3A_502] {strides = array<i32>} : memref<256xi32, #tpu.memory_space<vmem>>, vector<16xi32>,
        tpu.vector_store %arg7[%swap3A_502], %shift_right_logical3A_501 {strides = array<i32>} : memref<256xi32, #tpu.memory_space<vmem>>, vector<16xi32>,
        %get3A_504 = arith.constant 1 : i32
        %get3A_505 = arith.index_cast %get3A_504 : i32 to index
        %get3A_506 = arith.constant 80 : index
        %get3A_507 = tpu.vector_load %arg5[%get3A_505, %get3A_506] {strides = array<i32>} : memref<2x128xi32, #tpu.memory_space<vmem>>, vector<16xi32>,
        %shift_right_logical3A_508 = arith.constant 2 : i32
        %shift_right_logical3A_509 = vector.broadcast %shift_right_logical3A_508 : i32 to vector<16xi32>
        %shift_right_logical3A_510 = arith.shrui %get3A_507, %shift_right_logical3A_509 : vector<16xi32>
        %swap3A_511 = arith.constant 208 : index
        %swap3A_512 = tpu.vector_load %arg7[%swap3A_511] {strides = array<i32>} : memref<256xi32, #tpu.memory_space<vmem>>, vector<16xi32>,
        tpu.vector_store %arg7[%swap3A_511], %shift_right_logical3A_510 {strides = array<i32>} : memref<256xi32, #tpu.memory_space<vmem>>, vector<16xi32>,
        %get3A_513 = arith.constant 1 : i32
        %get3A_514 = arith.index_cast %get3A_513 : i32 to index
        %get3A_515 = arith.constant 96 : index
        %get3A_516 = tpu.vector_load %arg5[%get3A_514, %get3A_515] {strides = array<i32>} : memref<2x128xi32, #tpu.memory_space<vmem>>, vector<16xi32>,
        %shift_right_logical3A_517 = arith.constant 2 : i32
        %shift_right_logical3A_518 = vector.broadcast %shift_right_logical3A_517 : i32 to vector<16xi32>
        %shift_right_logical3A_519 = arith.shrui %get3A_516, %shift_right_logical3A_518 : vector<16xi32>
        %swap3A_520 = arith.constant 224 : index
        %swap3A_521 = tpu.vector_load %arg7[%swap3A_520] {strides = array<i32>} : memref<256xi32, #tpu.memory_space<vmem>>, vector<16xi32>,
        tpu.vector_store %arg7[%swap3A_520], %shift_right_logical3A_519 {strides = array<i32>} : memref<256xi32, #tpu.memory_space<vmem>>, vector<16xi32>,
        %get3A_522 = arith.constant 1 : i32
        %get3A_523 = arith.index_cast %get3A_522 : i32 to index
        %get3A_524 = arith.constant 112 : index
        %get3A_525 = tpu.vector_load %arg5[%get3A_523, %get3A_524] {strides = array<i32>} : memref<2x128xi32, #tpu.memory_space<vmem>>, vector<16xi32>,
        %shift_right_logical3A_526 = arith.constant 2 : i32
        %shift_right_logical3A_527 = vector.broadcast %shift_right_logical3A_526 : i32 to vector<16xi32>
        %shift_right_logical3A_528 = arith.shrui %get3A_525, %shift_right_logical3A_527 : vector<16xi32>
        %swap3A_529 = arith.constant 240 : index
        %swap3A_530 = tpu.vector_load %arg7[%swap3A_529] {strides = array<i32>} : memref<256xi32, #tpu.memory_space<vmem>>, vector<16xi32>,
        tpu.vector_store %arg7[%swap3A_529], %shift_right_logical3A_528 {strides = array<i32>} : memref<256xi32, #tpu.memory_space<vmem>>, vector<16xi32>,
        %dma_start3A_531 = arith.constant 0 : i32
        %dma_start3A_532 = arith.constant 0 : i32
        %dma_start3A_533 = tpu.memref_slice %arg3[%dma_start3A_531, %dma_start3A_532] : memref<250000x128xf32, #tpu.memory_space<hbm>> -> memref<250000x128xf32, #tpu.memory_space<hbm>>
        tpu.enqueue_indirect_dma source(%dma_start3A_533 : memref<250000x128xf32, #tpu.memory_space<hbm>>) target(%arg9 : memref<256x128xf32, #tpu.memory_space<vmem>>) offsets(%arg7 : memref<256xi32, #tpu.memory_space<vmem>>) semaphore(%arg14 : memref<!tpu.dma_semaphore, #tpu.memory_space<semaphore_mem>>)
      } else {
      }
      %mul3A_341 = arith.constant 2 : i32
      %mul3A_342 = arith.muli %add3A_317, %mul3A_341 : i32
      %dma_start3A_343 = arith.constant 0 : i32
      %dma_start3A_344 = tpu.memref_slice %arg4[%mul3A_342, %dma_start3A_343, %mul3A_2] : memref<200x32x4096xf32, #tpu.memory_space<hbm>> -> memref<2x32x128xf32, #tpu.memory_space<hbm>>
      %dma_start3A_345 = arith.constant 0 : i32
      %dma_start3A_346 = tpu.memref_slice %arg4[%mul3A_342, %dma_start3A_345, %mul3A_2] : memref<200x32x4096xf32, #tpu.memory_space<hbm>> -> memref<2x32x128xf32, #tpu.memory_space<hbm>>
      tpu.enqueue_dma source(%arg12 : memref<2x32x128xf32, #tpu.memory_space<vmem>>) target(%dma_start3A_346 : memref<2x32x128xf32, #tpu.memory_space<hbm>>) target_semaphore(%arg16 : memref<!tpu.dma_semaphore, #tpu.memory_space<semaphore_mem>>)
      %add3A_347 = arith.constant 1 : i32
      %add3A_348 = arith.addi %add3A_315, %add3A_347 : i32
      %dma_wait3A_349 = arith.constant 0 : i32
      %dma_wait3A_350 = arith.constant 0 : i32
      %dma_wait3A_351 = tpu.memref_slice %arg3[%dma_wait3A_349, %dma_wait3A_350] : memref<250000x128xf32, #tpu.memory_space<hbm>> -> memref<250000x128xf32, #tpu.memory_space<hbm>>
      tpu.wait_indirect_dma semaphore(%arg15 : memref<!tpu.dma_semaphore, #tpu.memory_space<semaphore_mem>>) src(%dma_wait3A_351 : memref<250000x128xf32, #tpu.memory_space<hbm>>) dst(%arg10 : memref<256x128xf32, #tpu.memory_space<vmem>>)
      %ge3A_352 = arith.constant 2 : i32
      %ge3A_353 = arith.cmpi sge, %add3A_348, %ge3A_352 : i32
      %convert_element_type3A_354 = arith.extui %ge3A_353 : i1 to i32
      %cond3A_355 = arith.constant 0 : i32
      %cond3A_356 = arith.cmpi ne, %convert_element_type3A_354, %cond3A_355 : i32
      scf.if %cond3A_356 {
        %dma_wait3A_383 = arith.constant 0 : i32
        %dma_wait3A_384 = arith.constant 0 : i32
        %dma_wait3A_385 = tpu.memref_slice %arg4[%dma_wait3A_383, %dma_wait3A_384, %mul3A_2] : memref<200x32x4096xf32, #tpu.memory_space<hbm>> -> memref<2x32x128xf32, #tpu.memory_space<hbm>>
        %dma_wait3A_386 = arith.constant 0 : i32
        %dma_wait3A_387 = arith.constant 0 : i32
        %dma_wait3A_388 = tpu.memref_slice %arg4[%dma_wait3A_386, %dma_wait3A_387, %mul3A_2] : memref<200x32x4096xf32, #tpu.memory_space<hbm>> -> memref<2x32x128xf32, #tpu.memory_space<hbm>>
        tpu.wait_dma2 semaphore(%arg17 : memref<!tpu.dma_semaphore, #tpu.memory_space<semaphore_mem>>) src(%arg13 : memref<2x32x128xf32, #tpu.memory_space<vmem>>) dst(%dma_wait3A_388 : memref<2x32x128xf32, #tpu.memory_space<hbm>>)
      } else {
      }
      %parallel_loop3A_357 = arith.constant 0 : i32
      %parallel_loop3A_358 = arith.constant 256 : i32
      %parallel_loop3A_359 = arith.constant 1 : i32
      scf.for %parallel_loop3A_383 = %parallel_loop3A_357 to %parallel_loop3A_358 step %parallel_loop3A_359  : i32 {
        %parallel_loop3A_384 = arith.index_cast %parallel_loop3A_383 : i32 to index
        %parallel_loop3A_385 = arith.constant 0 : index
        %parallel_loop3A_386 = tpu.vector_load %arg10[%parallel_loop3A_384, %parallel_loop3A_385] {strides = array<i32>} : memref<256x128xf32, #tpu.memory_space<vmem>>, vector<16xf32>,
        %parallel_loop3A_387 = arith.constant 129 : i32
        %parallel_loop3A_388 = arith.muli %parallel_loop3A_383, %parallel_loop3A_387 : i32
        %parallel_loop3A_389 = arith.constant 0 : i32
        %parallel_loop3A_390 = arith.addi %parallel_loop3A_388, %parallel_loop3A_389 : i32
        %parallel_loop3A_391 = arith.index_cast %parallel_loop3A_390 : i32 to index
        %parallel_loop3A_392 = tpu.vector_load %arg11[%parallel_loop3A_391] {strides = array<i32>} : memref<33024xf32, #tpu.memory_space<vmem>>, vector<16xf32>,
        tpu.vector_store %arg11[%parallel_loop3A_391], %parallel_loop3A_386 {strides = array<i32>} : memref<33024xf32, #tpu.memory_space<vmem>>, vector<16xf32>,
        %parallel_loop3A_393 = arith.index_cast %parallel_loop3A_383 : i32 to index
        %parallel_loop3A_394 = arith.constant 16 : index
        %parallel_loop3A_395 = tpu.vector_load %arg10[%parallel_loop3A_393, %parallel_loop3A_394] {strides = array<i32>} : memref<256x128xf32, #tpu.memory_space<vmem>>, vector<16xf32>,
        %parallel_loop3A_396 = arith.constant 129 : i32
        %parallel_loop3A_397 = arith.muli %parallel_loop3A_383, %parallel_loop3A_396 : i32
        %parallel_loop3A_398 = arith.constant 16 : i32
        %parallel_loop3A_399 = arith.addi %parallel_loop3A_397, %parallel_loop3A_398 : i32
        %parallel_loop3A_400 = arith.index_cast %parallel_loop3A_399 : i32 to index
        %parallel_loop3A_401 = tpu.vector_load %arg11[%parallel_loop3A_400] {strides = array<i32>} : memref<33024xf32, #tpu.memory_space<vmem>>, vector<16xf32>,
        tpu.vector_store %arg11[%parallel_loop3A_400], %parallel_loop3A_395 {strides = array<i32>} : memref<33024xf32, #tpu.memory_space<vmem>>, vector<16xf32>,
        %parallel_loop3A_402 = arith.index_cast %parallel_loop3A_383 : i32 to index
        %parallel_loop3A_403 = arith.constant 32 : index
        %parallel_loop3A_404 = tpu.vector_load %arg10[%parallel_loop3A_402, %parallel_loop3A_403] {strides = array<i32>} : memref<256x128xf32, #tpu.memory_space<vmem>>, vector<16xf32>,
        %parallel_loop3A_405 = arith.constant 129 : i32
        %parallel_loop3A_406 = arith.muli %parallel_loop3A_383, %parallel_loop3A_405 : i32
        %parallel_loop3A_407 = arith.constant 32 : i32
        %parallel_loop3A_408 = arith.addi %parallel_loop3A_406, %parallel_loop3A_407 : i32
        %parallel_loop3A_409 = arith.index_cast %parallel_loop3A_408 : i32 to index
        %parallel_loop3A_410 = tpu.vector_load %arg11[%parallel_loop3A_409] {strides = array<i32>} : memref<33024xf32, #tpu.memory_space<vmem>>, vector<16xf32>,
        tpu.vector_store %arg11[%parallel_loop3A_409], %parallel_loop3A_404 {strides = array<i32>} : memref<33024xf32, #tpu.memory_space<vmem>>, vector<16xf32>,
        %parallel_loop3A_411 = arith.index_cast %parallel_loop3A_383 : i32 to index
        %parallel_loop3A_412 = arith.constant 48 : index
        %parallel_loop3A_413 = tpu.vector_load %arg10[%parallel_loop3A_411, %parallel_loop3A_412] {strides = array<i32>} : memref<256x128xf32, #tpu.memory_space<vmem>>, vector<16xf32>,
        %parallel_loop3A_414 = arith.constant 129 : i32
        %parallel_loop3A_415 = arith.muli %parallel_loop3A_383, %parallel_loop3A_414 : i32
        %parallel_loop3A_416 = arith.constant 48 : i32
        %parallel_loop3A_417 = arith.addi %parallel_loop3A_415, %parallel_loop3A_416 : i32
        %parallel_loop3A_418 = arith.index_cast %parallel_loop3A_417 : i32 to index
        %parallel_loop3A_419 = tpu.vector_load %arg11[%parallel_loop3A_418] {strides = array<i32>} : memref<33024xf32, #tpu.memory_space<vmem>>, vector<16xf32>,
        tpu.vector_store %arg11[%parallel_loop3A_418], %parallel_loop3A_413 {strides = array<i32>} : memref<33024xf32, #tpu.memory_space<vmem>>, vector<16xf32>,
        %parallel_loop3A_420 = arith.index_cast %parallel_loop3A_383 : i32 to index
        %parallel_loop3A_421 = arith.constant 64 : index
        %parallel_loop3A_422 = tpu.vector_load %arg10[%parallel_loop3A_420, %parallel_loop3A_421] {strides = array<i32>} : memref<256x128xf32, #tpu.memory_space<vmem>>, vector<16xf32>,
        %parallel_loop3A_423 = arith.constant 129 : i32
        %parallel_loop3A_424 = arith.muli %parallel_loop3A_383, %parallel_loop3A_423 : i32
        %parallel_loop3A_425 = arith.constant 64 : i32
        %parallel_loop3A_426 = arith.addi %parallel_loop3A_424, %parallel_loop3A_425 : i32
        %parallel_loop3A_427 = arith.index_cast %parallel_loop3A_426 : i32 to index
        %parallel_loop3A_428 = tpu.vector_load %arg11[%parallel_loop3A_427] {strides = array<i32>} : memref<33024xf32, #tpu.memory_space<vmem>>, vector<16xf32>,
        tpu.vector_store %arg11[%parallel_loop3A_427], %parallel_loop3A_422 {strides = array<i32>} : memref<33024xf32, #tpu.memory_space<vmem>>, vector<16xf32>,
        %parallel_loop3A_429 = arith.index_cast %parallel_loop3A_383 : i32 to index
        %parallel_loop3A_430 = arith.constant 80 : index
        %parallel_loop3A_431 = tpu.vector_load %arg10[%parallel_loop3A_429, %parallel_loop3A_430] {strides = array<i32>} : memref<256x128xf32, #tpu.memory_space<vmem>>, vector<16xf32>,
        %parallel_loop3A_432 = arith.constant 129 : i32
        %parallel_loop3A_433 = arith.muli %parallel_loop3A_383, %parallel_loop3A_432 : i32
        %parallel_loop3A_434 = arith.constant 80 : i32
        %parallel_loop3A_435 = arith.addi %parallel_loop3A_433, %parallel_loop3A_434 : i32
        %parallel_loop3A_436 = arith.index_cast %parallel_loop3A_435 : i32 to index
        %parallel_loop3A_437 = tpu.vector_load %arg11[%parallel_loop3A_436] {strides = array<i32>} : memref<33024xf32, #tpu.memory_space<vmem>>, vector<16xf32>,
        tpu.vector_store %arg11[%parallel_loop3A_436], %parallel_loop3A_431 {strides = array<i32>} : memref<33024xf32, #tpu.memory_space<vmem>>, vector<16xf32>,
        %parallel_loop3A_438 = arith.index_cast %parallel_loop3A_383 : i32 to index
        %parallel_loop3A_439 = arith.constant 96 : index
        %parallel_loop3A_440 = tpu.vector_load %arg10[%parallel_loop3A_438, %parallel_loop3A_439] {strides = array<i32>} : memref<256x128xf32, #tpu.memory_space<vmem>>, vector<16xf32>,
        %parallel_loop3A_441 = arith.constant 129 : i32
        %parallel_loop3A_442 = arith.muli %parallel_loop3A_383, %parallel_loop3A_441 : i32
        %parallel_loop3A_443 = arith.constant 96 : i32
        %parallel_loop3A_444 = arith.addi %parallel_loop3A_442, %parallel_loop3A_443 : i32
        %parallel_loop3A_445 = arith.index_cast %parallel_loop3A_444 : i32 to index
        %parallel_loop3A_446 = tpu.vector_load %arg11[%parallel_loop3A_445] {strides = array<i32>} : memref<33024xf32, #tpu.memory_space<vmem>>, vector<16xf32>,
        tpu.vector_store %arg11[%parallel_loop3A_445], %parallel_loop3A_440 {strides = array<i32>} : memref<33024xf32, #tpu.memory_space<vmem>>, vector<16xf32>,
        %parallel_loop3A_447 = arith.index_cast %parallel_loop3A_383 : i32 to index
        %parallel_loop3A_448 = arith.constant 112 : index
        %parallel_loop3A_449 = tpu.vector_load %arg10[%parallel_loop3A_447, %parallel_loop3A_448] {strides = array<i32>} : memref<256x128xf32, #tpu.memory_space<vmem>>, vector<16xf32>,
        %parallel_loop3A_450 = arith.constant 129 : i32
        %parallel_loop3A_451 = arith.muli %parallel_loop3A_383, %parallel_loop3A_450 : i32
        %parallel_loop3A_452 = arith.constant 112 : i32
        %parallel_loop3A_453 = arith.addi %parallel_loop3A_451, %parallel_loop3A_452 : i32
        %parallel_loop3A_454 = arith.index_cast %parallel_loop3A_453 : i32 to index
        %parallel_loop3A_455 = tpu.vector_load %arg11[%parallel_loop3A_454] {strides = array<i32>} : memref<33024xf32, #tpu.memory_space<vmem>>, vector<16xf32>,
        tpu.vector_store %arg11[%parallel_loop3A_454], %parallel_loop3A_449 {strides = array<i32>} : memref<33024xf32, #tpu.memory_space<vmem>>, vector<16xf32>,
      } {sc.loop_unroll_factor = 2 : i64, sc.parallel_access}
      %scan3A_360 = arith.constant 0 : i32
      %scan3A_361 = arith.constant 8 : i32
      %scan3A_362 = arith.addi %scan3A_360, %scan3A_361 : i32
      %scan3A_363 = arith.constant 1 : i32
      scf.for %scan3A_383 = %scan3A_360 to %scan3A_362 step %scan3A_363  : i32 {
        %mul3A_384 = arith.constant 1 : i32
        %mul3A_385 = arith.muli %scan3A_383, %mul3A_384 : i32
        %add3A_386 = arith.constant 0 : i32
        %add3A_387 = arith.addi %add3A_386, %mul3A_385 : i32
        %mul3A_388 = arith.constant 16 : i32
        %mul3A_389 = arith.muli %add3A_387, %mul3A_388 : i32
        %get3A_390 = arith.constant 0 : i32
        %get3A_391 = arith.index_cast %get3A_390 : i32 to index
        %get3A_392 = arith.index_cast %mul3A_389 : i32 to index
        %get3A_393 = tpu.vector_load %arg6[%get3A_391, %get3A_392] {strides = array<i32>} : memref<2x128xi32, #tpu.memory_space<vmem>>, vector<16xi32>,
        %and3A = arith.constant 3 : i32
        %and3A_394 = vector.broadcast %and3A : i32 to vector<16xi32>
        %and3A_395 = arith.andi %get3A_393, %and3A_394 : vector<16xi32>
        %mul3A_396 = arith.constant 32 : i32
        %mul3A_397 = vector.broadcast %mul3A_396 : i32 to vector<16xi32>
        %mul3A_398 = arith.muli %and3A_395, %mul3A_397 : vector<16xi32>
        %mul3A_399 = arith.constant 16 : i32
        %mul3A_400 = arith.muli %add3A_387, %mul3A_399 : i32
        %add3A_401 = arith.constant 0 : i32
        %add3A_402 = arith.addi %add3A_401, %mul3A_400 : i32
        %mul3A_403 = arith.constant 129 : i32
        %mul3A_404 = arith.muli %add3A_402, %mul3A_403 : i32
        %add3A_405 = vector.broadcast %mul3A_404 : i32 to vector<16xi32>
        %add3A_406 = arith.addi %add3A_405, %mul3A_5 : vector<16xi32>
        %add3A_407 = arith.addi %add3A_406, %mul3A_398 : vector<16xi32>
        %add3A_408 = arith.constant 0 : i32
        %add3A_409 = vector.broadcast %add3A_408 : i32 to vector<16xi32>
        %add3A_410 = arith.addi %add3A_407, %add3A_409 : vector<16xi32>
        %gather3A = tpu.vector_load_idx %arg11[%add3A_410] : memref<33024xf32, #tpu.memory_space<vmem>>[vector<16xi32>], vector<16xf32>,
        %mul3A_411 = arith.constant 16 : i32
        %mul3A_412 = arith.muli %add3A_387, %mul3A_411 : i32
        %swap3A_413 = arith.constant 0 : i32
        %swap3A_414 = arith.constant 0 : i32
        %swap3A_415 = arith.index_cast %swap3A_413 : i32 to index
        %swap3A_416 = arith.index_cast %swap3A_414 : i32 to index
        %swap3A_417 = arith.index_cast %mul3A_412 : i32 to index
        %swap3A_418 = tpu.vector_load %arg13[%swap3A_415, %swap3A_416, %swap3A_417] {strides = array<i32>} : memref<2x32x128xf32, #tpu.memory_space<vmem>>, vector<16xf32>,
        tpu.vector_store %arg13[%swap3A_415, %swap3A_416, %swap3A_417], %gather3A {strides = array<i32>} : memref<2x32x128xf32, #tpu.memory_space<vmem>>, vector<16xf32>,
        %add3A_419 = arith.constant 1 : i32
        %add3A_420 = vector.broadcast %add3A_419 : i32 to vector<16xi32>
        %add3A_421 = arith.addi %add3A_407, %add3A_420 : vector<16xi32>
        %gather3A_422 = tpu.vector_load_idx %arg11[%add3A_421] : memref<33024xf32, #tpu.memory_space<vmem>>[vector<16xi32>], vector<16xf32>,
        %mul3A_423 = arith.constant 16 : i32
        %mul3A_424 = arith.muli %add3A_387, %mul3A_423 : i32
        %swap3A_425 = arith.constant 0 : i32
        %swap3A_426 = arith.constant 1 : i32
        %swap3A_427 = arith.index_cast %swap3A_425 : i32 to index
        %swap3A_428 = arith.index_cast %swap3A_426 : i32 to index
        %swap3A_429 = arith.index_cast %mul3A_424 : i32 to index
        %swap3A_430 = tpu.vector_load %arg13[%swap3A_427, %swap3A_428, %swap3A_429] {strides = array<i32>} : memref<2x32x128xf32, #tpu.memory_space<vmem>>, vector<16xf32>,
        tpu.vector_store %arg13[%swap3A_427, %swap3A_428, %swap3A_429], %gather3A_422 {strides = array<i32>} : memref<2x32x128xf32, #tpu.memory_space<vmem>>, vector<16xf32>,
        %add3A_431 = arith.constant 2 : i32
        %add3A_432 = vector.broadcast %add3A_431 : i32 to vector<16xi32>
        %add3A_433 = arith.addi %add3A_407, %add3A_432 : vector<16xi32>
        %gather3A_434 = tpu.vector_load_idx %arg11[%add3A_433] : memref<33024xf32, #tpu.memory_space<vmem>>[vector<16xi32>], vector<16xf32>,
        %mul3A_435 = arith.constant 16 : i32
        %mul3A_436 = arith.muli %add3A_387, %mul3A_435 : i32
        %swap3A_437 = arith.constant 0 : i32
        %swap3A_438 = arith.constant 2 : i32
        %swap3A_439 = arith.index_cast %swap3A_437 : i32 to index
        %swap3A_440 = arith.index_cast %swap3A_438 : i32 to index
        %swap3A_441 = arith.index_cast %mul3A_436 : i32 to index
        %swap3A_442 = tpu.vector_load %arg13[%swap3A_439, %swap3A_440, %swap3A_441] {strides = array<i32>} : memref<2x32x128xf32, #tpu.memory_space<vmem>>, vector<16xf32>,
        tpu.vector_store %arg13[%swap3A_439, %swap3A_440, %swap3A_441], %gather3A_434 {strides = array<i32>} : memref<2x32x128xf32, #tpu.memory_space<vmem>>, vector<16xf32>,
        %add3A_443 = arith.constant 3 : i32
        %add3A_444 = vector.broadcast %add3A_443 : i32 to vector<16xi32>
        %add3A_445 = arith.addi %add3A_407, %add3A_444 : vector<16xi32>
        %gather3A_446 = tpu.vector_load_idx %arg11[%add3A_445] : memref<33024xf32, #tpu.memory_space<vmem>>[vector<16xi32>], vector<16xf32>,
        %mul3A_447 = arith.constant 16 : i32
        %mul3A_448 = arith.muli %add3A_387, %mul3A_447 : i32
        %swap3A_449 = arith.constant 0 : i32
        %swap3A_450 = arith.constant 3 : i32
        %swap3A_451 = arith.index_cast %swap3A_449 : i32 to index
        %swap3A_452 = arith.index_cast %swap3A_450 : i32 to index
        %swap3A_453 = arith.index_cast %mul3A_448 : i32 to index
        %swap3A_454 = tpu.vector_load %arg13[%swap3A_451, %swap3A_452, %swap3A_453] {strides = array<i32>} : memref<2x32x128xf32, #tpu.memory_space<vmem>>, vector<16xf32>,
        tpu.vector_store %arg13[%swap3A_451, %swap3A_452, %swap3A_453], %gather3A_446 {strides = array<i32>} : memref<2x32x128xf32, #tpu.memory_space<vmem>>, vector<16xf32>,
        %add3A_455 = arith.constant 4 : i32
        %add3A_456 = vector.broadcast %add3A_455 : i32 to vector<16xi32>
        %add3A_457 = arith.addi %add3A_407, %add3A_456 : vector<16xi32>
        %gather3A_458 = tpu.vector_load_idx %arg11[%add3A_457] : memref<33024xf32, #tpu.memory_space<vmem>>[vector<16xi32>], vector<16xf32>,
        %mul3A_459 = arith.constant 16 : i32
        %mul3A_460 = arith.muli %add3A_387, %mul3A_459 : i32
        %swap3A_461 = arith.constant 0 : i32
        %swap3A_462 = arith.constant 4 : i32
        %swap3A_463 = arith.index_cast %swap3A_461 : i32 to index
        %swap3A_464 = arith.index_cast %swap3A_462 : i32 to index
        %swap3A_465 = arith.index_cast %mul3A_460 : i32 to index
        %swap3A_466 = tpu.vector_load %arg13[%swap3A_463, %swap3A_464, %swap3A_465] {strides = array<i32>} : memref<2x32x128xf32, #tpu.memory_space<vmem>>, vector<16xf32>,
        tpu.vector_store %arg13[%swap3A_463, %swap3A_464, %swap3A_465], %gather3A_458 {strides = array<i32>} : memref<2x32x128xf32, #tpu.memory_space<vmem>>, vector<16xf32>,
        %add3A_467 = arith.constant 5 : i32
        %add3A_468 = vector.broadcast %add3A_467 : i32 to vector<16xi32>
        %add3A_469 = arith.addi %add3A_407, %add3A_468 : vector<16xi32>
        %gather3A_470 = tpu.vector_load_idx %arg11[%add3A_469] : memref<33024xf32, #tpu.memory_space<vmem>>[vector<16xi32>], vector<16xf32>,
        %mul3A_471 = arith.constant 16 : i32
        %mul3A_472 = arith.muli %add3A_387, %mul3A_471 : i32
        %swap3A_473 = arith.constant 0 : i32
        %swap3A_474 = arith.constant 5 : i32
        %swap3A_475 = arith.index_cast %swap3A_473 : i32 to index
        %swap3A_476 = arith.index_cast %swap3A_474 : i32 to index
        %swap3A_477 = arith.index_cast %mul3A_472 : i32 to index
        %swap3A_478 = tpu.vector_load %arg13[%swap3A_475, %swap3A_476, %swap3A_477] {strides = array<i32>} : memref<2x32x128xf32, #tpu.memory_space<vmem>>, vector<16xf32>,
        tpu.vector_store %arg13[%swap3A_475, %swap3A_476, %swap3A_477], %gather3A_470 {strides = array<i32>} : memref<2x32x128xf32, #tpu.memory_space<vmem>>, vector<16xf32>,
        %add3A_479 = arith.constant 6 : i32
        %add3A_480 = vector.broadcast %add3A_479 : i32 to vector<16xi32>
        %add3A_481 = arith.addi %add3A_407, %add3A_480 : vector<16xi32>
        %gather3A_482 = tpu.vector_load_idx %arg11[%add3A_481] : memref<33024xf32, #tpu.memory_space<vmem>>[vector<16xi32>], vector<16xf32>,
        %mul3A_483 = arith.constant 16 : i32
        %mul3A_484 = arith.muli %add3A_387, %mul3A_483 : i32
        %swap3A_485 = arith.constant 0 : i32
        %swap3A_486 = arith.constant 6 : i32
        %swap3A_487 = arith.index_cast %swap3A_485 : i32 to index
        %swap3A_488 = arith.index_cast %swap3A_486 : i32 to index
        %swap3A_489 = arith.index_cast %mul3A_484 : i32 to index
        %swap3A_490 = tpu.vector_load %arg13[%swap3A_487, %swap3A_488, %swap3A_489] {strides = array<i32>} : memref<2x32x128xf32, #tpu.memory_space<vmem>>, vector<16xf32>,
        tpu.vector_store %arg13[%swap3A_487, %swap3A_488, %swap3A_489], %gather3A_482 {strides = array<i32>} : memref<2x32x128xf32, #tpu.memory_space<vmem>>, vector<16xf32>,
        %add3A_491 = arith.constant 7 : i32
        %add3A_492 = vector.broadcast %add3A_491 : i32 to vector<16xi32>
        %add3A_493 = arith.addi %add3A_407, %add3A_492 : vector<16xi32>
        %gather3A_494 = tpu.vector_load_idx %arg11[%add3A_493] : memref<33024xf32, #tpu.memory_space<vmem>>[vector<16xi32>], vector<16xf32>,
        %mul3A_495 = arith.constant 16 : i32
        %mul3A_496 = arith.muli %add3A_387, %mul3A_495 : i32
        %swap3A_497 = arith.constant 0 : i32
        %swap3A_498 = arith.constant 7 : i32
        %swap3A_499 = arith.index_cast %swap3A_497 : i32 to index
        %swap3A_500 = arith.index_cast %swap3A_498 : i32 to index
        %swap3A_501 = arith.index_cast %mul3A_496 : i32 to index
        %swap3A_502 = tpu.vector_load %arg13[%swap3A_499, %swap3A_500, %swap3A_501] {strides = array<i32>} : memref<2x32x128xf32, #tpu.memory_space<vmem>>, vector<16xf32>,
        tpu.vector_store %arg13[%swap3A_499, %swap3A_500, %swap3A_501], %gather3A_494 {strides = array<i32>} : memref<2x32x128xf32, #tpu.memory_space<vmem>>, vector<16xf32>,
        %add3A_503 = arith.constant 8 : i32
        %add3A_504 = vector.broadcast %add3A_503 : i32 to vector<16xi32>
        %add3A_505 = arith.addi %add3A_407, %add3A_504 : vector<16xi32>
        %gather3A_506 = tpu.vector_load_idx %arg11[%add3A_505] : memref<33024xf32, #tpu.memory_space<vmem>>[vector<16xi32>], vector<16xf32>,
        %mul3A_507 = arith.constant 16 : i32
        %mul3A_508 = arith.muli %add3A_387, %mul3A_507 : i32
        %swap3A_509 = arith.constant 0 : i32
        %swap3A_510 = arith.constant 8 : i32
        %swap3A_511 = arith.index_cast %swap3A_509 : i32 to index
        %swap3A_512 = arith.index_cast %swap3A_510 : i32 to index
        %swap3A_513 = arith.index_cast %mul3A_508 : i32 to index
        %swap3A_514 = tpu.vector_load %arg13[%swap3A_511, %swap3A_512, %swap3A_513] {strides = array<i32>} : memref<2x32x128xf32, #tpu.memory_space<vmem>>, vector<16xf32>,
        tpu.vector_store %arg13[%swap3A_511, %swap3A_512, %swap3A_513], %gather3A_506 {strides = array<i32>} : memref<2x32x128xf32, #tpu.memory_space<vmem>>, vector<16xf32>,
        %add3A_515 = arith.constant 9 : i32
        %add3A_516 = vector.broadcast %add3A_515 : i32 to vector<16xi32>
        %add3A_517 = arith.addi %add3A_407, %add3A_516 : vector<16xi32>
        %gather3A_518 = tpu.vector_load_idx %arg11[%add3A_517] : memref<33024xf32, #tpu.memory_space<vmem>>[vector<16xi32>], vector<16xf32>,
        %mul3A_519 = arith.constant 16 : i32
        %mul3A_520 = arith.muli %add3A_387, %mul3A_519 : i32
        %swap3A_521 = arith.constant 0 : i32
        %swap3A_522 = arith.constant 9 : i32
        %swap3A_523 = arith.index_cast %swap3A_521 : i32 to index
        %swap3A_524 = arith.index_cast %swap3A_522 : i32 to index
        %swap3A_525 = arith.index_cast %mul3A_520 : i32 to index
        %swap3A_526 = tpu.vector_load %arg13[%swap3A_523, %swap3A_524, %swap3A_525] {strides = array<i32>} : memref<2x32x128xf32, #tpu.memory_space<vmem>>, vector<16xf32>,
        tpu.vector_store %arg13[%swap3A_523, %swap3A_524, %swap3A_525], %gather3A_518 {strides = array<i32>} : memref<2x32x128xf32, #tpu.memory_space<vmem>>, vector<16xf32>,
        %add3A_527 = arith.constant 10 : i32
        %add3A_528 = vector.broadcast %add3A_527 : i32 to vector<16xi32>
        %add3A_529 = arith.addi %add3A_407, %add3A_528 : vector<16xi32>
        %gather3A_530 = tpu.vector_load_idx %arg11[%add3A_529] : memref<33024xf32, #tpu.memory_space<vmem>>[vector<16xi32>], vector<16xf32>,
        %mul3A_531 = arith.constant 16 : i32
        %mul3A_532 = arith.muli %add3A_387, %mul3A_531 : i32
        %swap3A_533 = arith.constant 0 : i32
        %swap3A_534 = arith.constant 10 : i32
        %swap3A_535 = arith.index_cast %swap3A_533 : i32 to index
        %swap3A_536 = arith.index_cast %swap3A_534 : i32 to index
        %swap3A_537 = arith.index_cast %mul3A_532 : i32 to index
        %swap3A_538 = tpu.vector_load %arg13[%swap3A_535, %swap3A_536, %swap3A_537] {strides = array<i32>} : memref<2x32x128xf32, #tpu.memory_space<vmem>>, vector<16xf32>,
        tpu.vector_store %arg13[%swap3A_535, %swap3A_536, %swap3A_537], %gather3A_530 {strides = array<i32>} : memref<2x32x128xf32, #tpu.memory_space<vmem>>, vector<16xf32>,
        %add3A_539 = arith.constant 11 : i32
        %add3A_540 = vector.broadcast %add3A_539 : i32 to vector<16xi32>
        %add3A_541 = arith.addi %add3A_407, %add3A_540 : vector<16xi32>
        %gather3A_542 = tpu.vector_load_idx %arg11[%add3A_541] : memref<33024xf32, #tpu.memory_space<vmem>>[vector<16xi32>], vector<16xf32>,
        %mul3A_543 = arith.constant 16 : i32
        %mul3A_544 = arith.muli %add3A_387, %mul3A_543 : i32
        %swap3A_545 = arith.constant 0 : i32
        %swap3A_546 = arith.constant 11 : i32
        %swap3A_547 = arith.index_cast %swap3A_545 : i32 to index
        %swap3A_548 = arith.index_cast %swap3A_546 : i32 to index
        %swap3A_549 = arith.index_cast %mul3A_544 : i32 to index
        %swap3A_550 = tpu.vector_load %arg13[%swap3A_547, %swap3A_548, %swap3A_549] {strides = array<i32>} : memref<2x32x128xf32, #tpu.memory_space<vmem>>, vector<16xf32>,
        tpu.vector_store %arg13[%swap3A_547, %swap3A_548, %swap3A_549], %gather3A_542 {strides = array<i32>} : memref<2x32x128xf32, #tpu.memory_space<vmem>>, vector<16xf32>,
        %add3A_551 = arith.constant 12 : i32
        %add3A_552 = vector.broadcast %add3A_551 : i32 to vector<16xi32>
        %add3A_553 = arith.addi %add3A_407, %add3A_552 : vector<16xi32>
        %gather3A_554 = tpu.vector_load_idx %arg11[%add3A_553] : memref<33024xf32, #tpu.memory_space<vmem>>[vector<16xi32>], vector<16xf32>,
        %mul3A_555 = arith.constant 16 : i32
        %mul3A_556 = arith.muli %add3A_387, %mul3A_555 : i32
        %swap3A_557 = arith.constant 0 : i32
        %swap3A_558 = arith.constant 12 : i32
        %swap3A_559 = arith.index_cast %swap3A_557 : i32 to index
        %swap3A_560 = arith.index_cast %swap3A_558 : i32 to index
        %swap3A_561 = arith.index_cast %mul3A_556 : i32 to index
        %swap3A_562 = tpu.vector_load %arg13[%swap3A_559, %swap3A_560, %swap3A_561] {strides = array<i32>} : memref<2x32x128xf32, #tpu.memory_space<vmem>>, vector<16xf32>,
        tpu.vector_store %arg13[%swap3A_559, %swap3A_560, %swap3A_561], %gather3A_554 {strides = array<i32>} : memref<2x32x128xf32, #tpu.memory_space<vmem>>, vector<16xf32>,
        %add3A_563 = arith.constant 13 : i32
        %add3A_564 = vector.broadcast %add3A_563 : i32 to vector<16xi32>
        %add3A_565 = arith.addi %add3A_407, %add3A_564 : vector<16xi32>
        %gather3A_566 = tpu.vector_load_idx %arg11[%add3A_565] : memref<33024xf32, #tpu.memory_space<vmem>>[vector<16xi32>], vector<16xf32>,
        %mul3A_567 = arith.constant 16 : i32
        %mul3A_568 = arith.muli %add3A_387, %mul3A_567 : i32
        %swap3A_569 = arith.constant 0 : i32
        %swap3A_570 = arith.constant 13 : i32
        %swap3A_571 = arith.index_cast %swap3A_569 : i32 to index
        %swap3A_572 = arith.index_cast %swap3A_570 : i32 to index
        %swap3A_573 = arith.index_cast %mul3A_568 : i32 to index
        %swap3A_574 = tpu.vector_load %arg13[%swap3A_571, %swap3A_572, %swap3A_573] {strides = array<i32>} : memref<2x32x128xf32, #tpu.memory_space<vmem>>, vector<16xf32>,
        tpu.vector_store %arg13[%swap3A_571, %swap3A_572, %swap3A_573], %gather3A_566 {strides = array<i32>} : memref<2x32x128xf32, #tpu.memory_space<vmem>>, vector<16xf32>,
        %add3A_575 = arith.constant 14 : i32
        %add3A_576 = vector.broadcast %add3A_575 : i32 to vector<16xi32>
        %add3A_577 = arith.addi %add3A_407, %add3A_576 : vector<16xi32>
        %gather3A_578 = tpu.vector_load_idx %arg11[%add3A_577] : memref<33024xf32, #tpu.memory_space<vmem>>[vector<16xi32>], vector<16xf32>,
        %mul3A_579 = arith.constant 16 : i32
        %mul3A_580 = arith.muli %add3A_387, %mul3A_579 : i32
        %swap3A_581 = arith.constant 0 : i32
        %swap3A_582 = arith.constant 14 : i32
        %swap3A_583 = arith.index_cast %swap3A_581 : i32 to index
        %swap3A_584 = arith.index_cast %swap3A_582 : i32 to index
        %swap3A_585 = arith.index_cast %mul3A_580 : i32 to index
        %swap3A_586 = tpu.vector_load %arg13[%swap3A_583, %swap3A_584, %swap3A_585] {strides = array<i32>} : memref<2x32x128xf32, #tpu.memory_space<vmem>>, vector<16xf32>,
        tpu.vector_store %arg13[%swap3A_583, %swap3A_584, %swap3A_585], %gather3A_578 {strides = array<i32>} : memref<2x32x128xf32, #tpu.memory_space<vmem>>, vector<16xf32>,
        %add3A_587 = arith.constant 15 : i32
        %add3A_588 = vector.broadcast %add3A_587 : i32 to vector<16xi32>
        %add3A_589 = arith.addi %add3A_407, %add3A_588 : vector<16xi32>
        %gather3A_590 = tpu.vector_load_idx %arg11[%add3A_589] : memref<33024xf32, #tpu.memory_space<vmem>>[vector<16xi32>], vector<16xf32>,
        %mul3A_591 = arith.constant 16 : i32
        %mul3A_592 = arith.muli %add3A_387, %mul3A_591 : i32
        %swap3A_593 = arith.constant 0 : i32
        %swap3A_594 = arith.constant 15 : i32
        %swap3A_595 = arith.index_cast %swap3A_593 : i32 to index
        %swap3A_596 = arith.index_cast %swap3A_594 : i32 to index
        %swap3A_597 = arith.index_cast %mul3A_592 : i32 to index
        %swap3A_598 = tpu.vector_load %arg13[%swap3A_595, %swap3A_596, %swap3A_597] {strides = array<i32>} : memref<2x32x128xf32, #tpu.memory_space<vmem>>, vector<16xf32>,
        tpu.vector_store %arg13[%swap3A_595, %swap3A_596, %swap3A_597], %gather3A_590 {strides = array<i32>} : memref<2x32x128xf32, #tpu.memory_space<vmem>>, vector<16xf32>,
        %add3A_599 = arith.constant 16 : i32
        %add3A_600 = vector.broadcast %add3A_599 : i32 to vector<16xi32>
        %add3A_601 = arith.addi %add3A_407, %add3A_600 : vector<16xi32>
        %gather3A_602 = tpu.vector_load_idx %arg11[%add3A_601] : memref<33024xf32, #tpu.memory_space<vmem>>[vector<16xi32>], vector<16xf32>,
        %mul3A_603 = arith.constant 16 : i32
        %mul3A_604 = arith.muli %add3A_387, %mul3A_603 : i32
        %swap3A_605 = arith.constant 0 : i32
        %swap3A_606 = arith.constant 16 : i32
        %swap3A_607 = arith.index_cast %swap3A_605 : i32 to index
        %swap3A_608 = arith.index_cast %swap3A_606 : i32 to index
        %swap3A_609 = arith.index_cast %mul3A_604 : i32 to index
        %swap3A_610 = tpu.vector_load %arg13[%swap3A_607, %swap3A_608, %swap3A_609] {strides = array<i32>} : memref<2x32x128xf32, #tpu.memory_space<vmem>>, vector<16xf32>,
        tpu.vector_store %arg13[%swap3A_607, %swap3A_608, %swap3A_609], %gather3A_602 {strides = array<i32>} : memref<2x32x128xf32, #tpu.memory_space<vmem>>, vector<16xf32>,
        %add3A_611 = arith.constant 17 : i32
        %add3A_612 = vector.broadcast %add3A_611 : i32 to vector<16xi32>
        %add3A_613 = arith.addi %add3A_407, %add3A_612 : vector<16xi32>
        %gather3A_614 = tpu.vector_load_idx %arg11[%add3A_613] : memref<33024xf32, #tpu.memory_space<vmem>>[vector<16xi32>], vector<16xf32>,
        %mul3A_615 = arith.constant 16 : i32
        %mul3A_616 = arith.muli %add3A_387, %mul3A_615 : i32
        %swap3A_617 = arith.constant 0 : i32
        %swap3A_618 = arith.constant 17 : i32
        %swap3A_619 = arith.index_cast %swap3A_617 : i32 to index
        %swap3A_620 = arith.index_cast %swap3A_618 : i32 to index
        %swap3A_621 = arith.index_cast %mul3A_616 : i32 to index
        %swap3A_622 = tpu.vector_load %arg13[%swap3A_619, %swap3A_620, %swap3A_621] {strides = array<i32>} : memref<2x32x128xf32, #tpu.memory_space<vmem>>, vector<16xf32>,
        tpu.vector_store %arg13[%swap3A_619, %swap3A_620, %swap3A_621], %gather3A_614 {strides = array<i32>} : memref<2x32x128xf32, #tpu.memory_space<vmem>>, vector<16xf32>,
        %add3A_623 = arith.constant 18 : i32
        %add3A_624 = vector.broadcast %add3A_623 : i32 to vector<16xi32>
        %add3A_625 = arith.addi %add3A_407, %add3A_624 : vector<16xi32>
        %gather3A_626 = tpu.vector_load_idx %arg11[%add3A_625] : memref<33024xf32, #tpu.memory_space<vmem>>[vector<16xi32>], vector<16xf32>,
        %mul3A_627 = arith.constant 16 : i32
        %mul3A_628 = arith.muli %add3A_387, %mul3A_627 : i32
        %swap3A_629 = arith.constant 0 : i32
        %swap3A_630 = arith.constant 18 : i32
        %swap3A_631 = arith.index_cast %swap3A_629 : i32 to index
        %swap3A_632 = arith.index_cast %swap3A_630 : i32 to index
        %swap3A_633 = arith.index_cast %mul3A_628 : i32 to index
        %swap3A_634 = tpu.vector_load %arg13[%swap3A_631, %swap3A_632, %swap3A_633] {strides = array<i32>} : memref<2x32x128xf32, #tpu.memory_space<vmem>>, vector<16xf32>,
        tpu.vector_store %arg13[%swap3A_631, %swap3A_632, %swap3A_633], %gather3A_626 {strides = array<i32>} : memref<2x32x128xf32, #tpu.memory_space<vmem>>, vector<16xf32>,
        %add3A_635 = arith.constant 19 : i32
        %add3A_636 = vector.broadcast %add3A_635 : i32 to vector<16xi32>
        %add3A_637 = arith.addi %add3A_407, %add3A_636 : vector<16xi32>
        %gather3A_638 = tpu.vector_load_idx %arg11[%add3A_637] : memref<33024xf32, #tpu.memory_space<vmem>>[vector<16xi32>], vector<16xf32>,
        %mul3A_639 = arith.constant 16 : i32
        %mul3A_640 = arith.muli %add3A_387, %mul3A_639 : i32
        %swap3A_641 = arith.constant 0 : i32
        %swap3A_642 = arith.constant 19 : i32
        %swap3A_643 = arith.index_cast %swap3A_641 : i32 to index
        %swap3A_644 = arith.index_cast %swap3A_642 : i32 to index
        %swap3A_645 = arith.index_cast %mul3A_640 : i32 to index
        %swap3A_646 = tpu.vector_load %arg13[%swap3A_643, %swap3A_644, %swap3A_645] {strides = array<i32>} : memref<2x32x128xf32, #tpu.memory_space<vmem>>, vector<16xf32>,
        tpu.vector_store %arg13[%swap3A_643, %swap3A_644, %swap3A_645], %gather3A_638 {strides = array<i32>} : memref<2x32x128xf32, #tpu.memory_space<vmem>>, vector<16xf32>,
        %add3A_647 = arith.constant 20 : i32
        %add3A_648 = vector.broadcast %add3A_647 : i32 to vector<16xi32>
        %add3A_649 = arith.addi %add3A_407, %add3A_648 : vector<16xi32>
        %gather3A_650 = tpu.vector_load_idx %arg11[%add3A_649] : memref<33024xf32, #tpu.memory_space<vmem>>[vector<16xi32>], vector<16xf32>,
        %mul3A_651 = arith.constant 16 : i32
        %mul3A_652 = arith.muli %add3A_387, %mul3A_651 : i32
        %swap3A_653 = arith.constant 0 : i32
        %swap3A_654 = arith.constant 20 : i32
        %swap3A_655 = arith.index_cast %swap3A_653 : i32 to index
        %swap3A_656 = arith.index_cast %swap3A_654 : i32 to index
        %swap3A_657 = arith.index_cast %mul3A_652 : i32 to index
        %swap3A_658 = tpu.vector_load %arg13[%swap3A_655, %swap3A_656, %swap3A_657] {strides = array<i32>} : memref<2x32x128xf32, #tpu.memory_space<vmem>>, vector<16xf32>,
        tpu.vector_store %arg13[%swap3A_655, %swap3A_656, %swap3A_657], %gather3A_650 {strides = array<i32>} : memref<2x32x128xf32, #tpu.memory_space<vmem>>, vector<16xf32>,
        %add3A_659 = arith.constant 21 : i32
        %add3A_660 = vector.broadcast %add3A_659 : i32 to vector<16xi32>
        %add3A_661 = arith.addi %add3A_407, %add3A_660 : vector<16xi32>
        %gather3A_662 = tpu.vector_load_idx %arg11[%add3A_661] : memref<33024xf32, #tpu.memory_space<vmem>>[vector<16xi32>], vector<16xf32>,
        %mul3A_663 = arith.constant 16 : i32
        %mul3A_664 = arith.muli %add3A_387, %mul3A_663 : i32
        %swap3A_665 = arith.constant 0 : i32
        %swap3A_666 = arith.constant 21 : i32
        %swap3A_667 = arith.index_cast %swap3A_665 : i32 to index
        %swap3A_668 = arith.index_cast %swap3A_666 : i32 to index
        %swap3A_669 = arith.index_cast %mul3A_664 : i32 to index
        %swap3A_670 = tpu.vector_load %arg13[%swap3A_667, %swap3A_668, %swap3A_669] {strides = array<i32>} : memref<2x32x128xf32, #tpu.memory_space<vmem>>, vector<16xf32>,
        tpu.vector_store %arg13[%swap3A_667, %swap3A_668, %swap3A_669], %gather3A_662 {strides = array<i32>} : memref<2x32x128xf32, #tpu.memory_space<vmem>>, vector<16xf32>,
        %add3A_671 = arith.constant 22 : i32
        %add3A_672 = vector.broadcast %add3A_671 : i32 to vector<16xi32>
        %add3A_673 = arith.addi %add3A_407, %add3A_672 : vector<16xi32>
        %gather3A_674 = tpu.vector_load_idx %arg11[%add3A_673] : memref<33024xf32, #tpu.memory_space<vmem>>[vector<16xi32>], vector<16xf32>,
        %mul3A_675 = arith.constant 16 : i32
        %mul3A_676 = arith.muli %add3A_387, %mul3A_675 : i32
        %swap3A_677 = arith.constant 0 : i32
        %swap3A_678 = arith.constant 22 : i32
        %swap3A_679 = arith.index_cast %swap3A_677 : i32 to index
        %swap3A_680 = arith.index_cast %swap3A_678 : i32 to index
        %swap3A_681 = arith.index_cast %mul3A_676 : i32 to index
        %swap3A_682 = tpu.vector_load %arg13[%swap3A_679, %swap3A_680, %swap3A_681] {strides = array<i32>} : memref<2x32x128xf32, #tpu.memory_space<vmem>>, vector<16xf32>,
        tpu.vector_store %arg13[%swap3A_679, %swap3A_680, %swap3A_681], %gather3A_674 {strides = array<i32>} : memref<2x32x128xf32, #tpu.memory_space<vmem>>, vector<16xf32>,
        %add3A_683 = arith.constant 23 : i32
        %add3A_684 = vector.broadcast %add3A_683 : i32 to vector<16xi32>
        %add3A_685 = arith.addi %add3A_407, %add3A_684 : vector<16xi32>
        %gather3A_686 = tpu.vector_load_idx %arg11[%add3A_685] : memref<33024xf32, #tpu.memory_space<vmem>>[vector<16xi32>], vector<16xf32>,
        %mul3A_687 = arith.constant 16 : i32
        %mul3A_688 = arith.muli %add3A_387, %mul3A_687 : i32
        %swap3A_689 = arith.constant 0 : i32
        %swap3A_690 = arith.constant 23 : i32
        %swap3A_691 = arith.index_cast %swap3A_689 : i32 to index
        %swap3A_692 = arith.index_cast %swap3A_690 : i32 to index
        %swap3A_693 = arith.index_cast %mul3A_688 : i32 to index
        %swap3A_694 = tpu.vector_load %arg13[%swap3A_691, %swap3A_692, %swap3A_693] {strides = array<i32>} : memref<2x32x128xf32, #tpu.memory_space<vmem>>, vector<16xf32>,
        tpu.vector_store %arg13[%swap3A_691, %swap3A_692, %swap3A_693], %gather3A_686 {strides = array<i32>} : memref<2x32x128xf32, #tpu.memory_space<vmem>>, vector<16xf32>,
        %add3A_695 = arith.constant 24 : i32
        %add3A_696 = vector.broadcast %add3A_695 : i32 to vector<16xi32>
        %add3A_697 = arith.addi %add3A_407, %add3A_696 : vector<16xi32>
        %gather3A_698 = tpu.vector_load_idx %arg11[%add3A_697] : memref<33024xf32, #tpu.memory_space<vmem>>[vector<16xi32>], vector<16xf32>,
        %mul3A_699 = arith.constant 16 : i32
        %mul3A_700 = arith.muli %add3A_387, %mul3A_699 : i32
        %swap3A_701 = arith.constant 0 : i32
        %swap3A_702 = arith.constant 24 : i32
        %swap3A_703 = arith.index_cast %swap3A_701 : i32 to index
        %swap3A_704 = arith.index_cast %swap3A_702 : i32 to index
        %swap3A_705 = arith.index_cast %mul3A_700 : i32 to index
        %swap3A_706 = tpu.vector_load %arg13[%swap3A_703, %swap3A_704, %swap3A_705] {strides = array<i32>} : memref<2x32x128xf32, #tpu.memory_space<vmem>>, vector<16xf32>,
        tpu.vector_store %arg13[%swap3A_703, %swap3A_704, %swap3A_705], %gather3A_698 {strides = array<i32>} : memref<2x32x128xf32, #tpu.memory_space<vmem>>, vector<16xf32>,
        %add3A_707 = arith.constant 25 : i32
        %add3A_708 = vector.broadcast %add3A_707 : i32 to vector<16xi32>
        %add3A_709 = arith.addi %add3A_407, %add3A_708 : vector<16xi32>
        %gather3A_710 = tpu.vector_load_idx %arg11[%add3A_709] : memref<33024xf32, #tpu.memory_space<vmem>>[vector<16xi32>], vector<16xf32>,
        %mul3A_711 = arith.constant 16 : i32
        %mul3A_712 = arith.muli %add3A_387, %mul3A_711 : i32
        %swap3A_713 = arith.constant 0 : i32
        %swap3A_714 = arith.constant 25 : i32
        %swap3A_715 = arith.index_cast %swap3A_713 : i32 to index
        %swap3A_716 = arith.index_cast %swap3A_714 : i32 to index
        %swap3A_717 = arith.index_cast %mul3A_712 : i32 to index
        %swap3A_718 = tpu.vector_load %arg13[%swap3A_715, %swap3A_716, %swap3A_717] {strides = array<i32>} : memref<2x32x128xf32, #tpu.memory_space<vmem>>, vector<16xf32>,
        tpu.vector_store %arg13[%swap3A_715, %swap3A_716, %swap3A_717], %gather3A_710 {strides = array<i32>} : memref<2x32x128xf32, #tpu.memory_space<vmem>>, vector<16xf32>,
        %add3A_719 = arith.constant 26 : i32
        %add3A_720 = vector.broadcast %add3A_719 : i32 to vector<16xi32>
        %add3A_721 = arith.addi %add3A_407, %add3A_720 : vector<16xi32>
        %gather3A_722 = tpu.vector_load_idx %arg11[%add3A_721] : memref<33024xf32, #tpu.memory_space<vmem>>[vector<16xi32>], vector<16xf32>,
        %mul3A_723 = arith.constant 16 : i32
        %mul3A_724 = arith.muli %add3A_387, %mul3A_723 : i32
        %swap3A_725 = arith.constant 0 : i32
        %swap3A_726 = arith.constant 26 : i32
        %swap3A_727 = arith.index_cast %swap3A_725 : i32 to index
        %swap3A_728 = arith.index_cast %swap3A_726 : i32 to index
        %swap3A_729 = arith.index_cast %mul3A_724 : i32 to index
        %swap3A_730 = tpu.vector_load %arg13[%swap3A_727, %swap3A_728, %swap3A_729] {strides = array<i32>} : memref<2x32x128xf32, #tpu.memory_space<vmem>>, vector<16xf32>,
        tpu.vector_store %arg13[%swap3A_727, %swap3A_728, %swap3A_729], %gather3A_722 {strides = array<i32>} : memref<2x32x128xf32, #tpu.memory_space<vmem>>, vector<16xf32>,
        %add3A_731 = arith.constant 27 : i32
        %add3A_732 = vector.broadcast %add3A_731 : i32 to vector<16xi32>
        %add3A_733 = arith.addi %add3A_407, %add3A_732 : vector<16xi32>
        %gather3A_734 = tpu.vector_load_idx %arg11[%add3A_733] : memref<33024xf32, #tpu.memory_space<vmem>>[vector<16xi32>], vector<16xf32>,
        %mul3A_735 = arith.constant 16 : i32
        %mul3A_736 = arith.muli %add3A_387, %mul3A_735 : i32
        %swap3A_737 = arith.constant 0 : i32
        %swap3A_738 = arith.constant 27 : i32
        %swap3A_739 = arith.index_cast %swap3A_737 : i32 to index
        %swap3A_740 = arith.index_cast %swap3A_738 : i32 to index
        %swap3A_741 = arith.index_cast %mul3A_736 : i32 to index
        %swap3A_742 = tpu.vector_load %arg13[%swap3A_739, %swap3A_740, %swap3A_741] {strides = array<i32>} : memref<2x32x128xf32, #tpu.memory_space<vmem>>, vector<16xf32>,
        tpu.vector_store %arg13[%swap3A_739, %swap3A_740, %swap3A_741], %gather3A_734 {strides = array<i32>} : memref<2x32x128xf32, #tpu.memory_space<vmem>>, vector<16xf32>,
        %add3A_743 = arith.constant 28 : i32
        %add3A_744 = vector.broadcast %add3A_743 : i32 to vector<16xi32>
        %add3A_745 = arith.addi %add3A_407, %add3A_744 : vector<16xi32>
        %gather3A_746 = tpu.vector_load_idx %arg11[%add3A_745] : memref<33024xf32, #tpu.memory_space<vmem>>[vector<16xi32>], vector<16xf32>,
        %mul3A_747 = arith.constant 16 : i32
        %mul3A_748 = arith.muli %add3A_387, %mul3A_747 : i32
        %swap3A_749 = arith.constant 0 : i32
        %swap3A_750 = arith.constant 28 : i32
        %swap3A_751 = arith.index_cast %swap3A_749 : i32 to index
        %swap3A_752 = arith.index_cast %swap3A_750 : i32 to index
        %swap3A_753 = arith.index_cast %mul3A_748 : i32 to index
        %swap3A_754 = tpu.vector_load %arg13[%swap3A_751, %swap3A_752, %swap3A_753] {strides = array<i32>} : memref<2x32x128xf32, #tpu.memory_space<vmem>>, vector<16xf32>,
        tpu.vector_store %arg13[%swap3A_751, %swap3A_752, %swap3A_753], %gather3A_746 {strides = array<i32>} : memref<2x32x128xf32, #tpu.memory_space<vmem>>, vector<16xf32>,
        %add3A_755 = arith.constant 29 : i32
        %add3A_756 = vector.broadcast %add3A_755 : i32 to vector<16xi32>
        %add3A_757 = arith.addi %add3A_407, %add3A_756 : vector<16xi32>
        %gather3A_758 = tpu.vector_load_idx %arg11[%add3A_757] : memref<33024xf32, #tpu.memory_space<vmem>>[vector<16xi32>], vector<16xf32>,
        %mul3A_759 = arith.constant 16 : i32
        %mul3A_760 = arith.muli %add3A_387, %mul3A_759 : i32
        %swap3A_761 = arith.constant 0 : i32
        %swap3A_762 = arith.constant 29 : i32
        %swap3A_763 = arith.index_cast %swap3A_761 : i32 to index
        %swap3A_764 = arith.index_cast %swap3A_762 : i32 to index
        %swap3A_765 = arith.index_cast %mul3A_760 : i32 to index
        %swap3A_766 = tpu.vector_load %arg13[%swap3A_763, %swap3A_764, %swap3A_765] {strides = array<i32>} : memref<2x32x128xf32, #tpu.memory_space<vmem>>, vector<16xf32>,
        tpu.vector_store %arg13[%swap3A_763, %swap3A_764, %swap3A_765], %gather3A_758 {strides = array<i32>} : memref<2x32x128xf32, #tpu.memory_space<vmem>>, vector<16xf32>,
        %add3A_767 = arith.constant 30 : i32
        %add3A_768 = vector.broadcast %add3A_767 : i32 to vector<16xi32>
        %add3A_769 = arith.addi %add3A_407, %add3A_768 : vector<16xi32>
        %gather3A_770 = tpu.vector_load_idx %arg11[%add3A_769] : memref<33024xf32, #tpu.memory_space<vmem>>[vector<16xi32>], vector<16xf32>,
        %mul3A_771 = arith.constant 16 : i32
        %mul3A_772 = arith.muli %add3A_387, %mul3A_771 : i32
        %swap3A_773 = arith.constant 0 : i32
        %swap3A_774 = arith.constant 30 : i32
        %swap3A_775 = arith.index_cast %swap3A_773 : i32 to index
        %swap3A_776 = arith.index_cast %swap3A_774 : i32 to index
        %swap3A_777 = arith.index_cast %mul3A_772 : i32 to index
        %swap3A_778 = tpu.vector_load %arg13[%swap3A_775, %swap3A_776, %swap3A_777] {strides = array<i32>} : memref<2x32x128xf32, #tpu.memory_space<vmem>>, vector<16xf32>,
        tpu.vector_store %arg13[%swap3A_775, %swap3A_776, %swap3A_777], %gather3A_770 {strides = array<i32>} : memref<2x32x128xf32, #tpu.memory_space<vmem>>, vector<16xf32>,
        %add3A_779 = arith.constant 31 : i32
        %add3A_780 = vector.broadcast %add3A_779 : i32 to vector<16xi32>
        %add3A_781 = arith.addi %add3A_407, %add3A_780 : vector<16xi32>
        %gather3A_782 = tpu.vector_load_idx %arg11[%add3A_781] : memref<33024xf32, #tpu.memory_space<vmem>>[vector<16xi32>], vector<16xf32>,
        %mul3A_783 = arith.constant 16 : i32
        %mul3A_784 = arith.muli %add3A_387, %mul3A_783 : i32
        %swap3A_785 = arith.constant 0 : i32
        %swap3A_786 = arith.constant 31 : i32
        %swap3A_787 = arith.index_cast %swap3A_785 : i32 to index
        %swap3A_788 = arith.index_cast %swap3A_786 : i32 to index
        %swap3A_789 = arith.index_cast %mul3A_784 : i32 to index
        %swap3A_790 = tpu.vector_load %arg13[%swap3A_787, %swap3A_788, %swap3A_789] {strides = array<i32>} : memref<2x32x128xf32, #tpu.memory_space<vmem>>, vector<16xf32>,
        tpu.vector_store %arg13[%swap3A_787, %swap3A_788, %swap3A_789], %gather3A_782 {strides = array<i32>} : memref<2x32x128xf32, #tpu.memory_space<vmem>>, vector<16xf32>,
      }
      %scan3A_364 = arith.constant 8 : i32
      %scan3A_365 = arith.constant 0 : i32
      %scan3A_366 = arith.constant 8 : i32
      %scan3A_367 = arith.addi %scan3A_365, %scan3A_366 : i32
      %scan3A_368 = arith.constant 1 : i32
      scf.for %scan3A_383 = %scan3A_365 to %scan3A_367 step %scan3A_368  : i32 {
        %mul3A_384 = arith.constant 1 : i32
        %mul3A_385 = arith.muli %scan3A_383, %mul3A_384 : i32
        %add3A_386 = arith.constant 0 : i32
        %add3A_387 = arith.addi %add3A_386, %mul3A_385 : i32
        %mul3A_388 = arith.constant 16 : i32
        %mul3A_389 = arith.muli %add3A_387, %mul3A_388 : i32
        %get3A_390 = arith.constant 1 : i32
        %get3A_391 = arith.index_cast %get3A_390 : i32 to index
        %get3A_392 = arith.index_cast %mul3A_389 : i32 to index
        %get3A_393 = tpu.vector_load %arg6[%get3A_391, %get3A_392] {strides = array<i32>} : memref<2x128xi32, #tpu.memory_space<vmem>>, vector<16xi32>,
        %and3A = arith.constant 3 : i32
        %and3A_394 = vector.broadcast %and3A : i32 to vector<16xi32>
        %and3A_395 = arith.andi %get3A_393, %and3A_394 : vector<16xi32>
        %mul3A_396 = arith.constant 32 : i32
        %mul3A_397 = vector.broadcast %mul3A_396 : i32 to vector<16xi32>
        %mul3A_398 = arith.muli %and3A_395, %mul3A_397 : vector<16xi32>
        %mul3A_399 = arith.constant 16 : i32
        %mul3A_400 = arith.muli %add3A_387, %mul3A_399 : i32
        %add3A_401 = arith.constant 128 : i32
        %add3A_402 = arith.addi %add3A_401, %mul3A_400 : i32
        %mul3A_403 = arith.constant 129 : i32
        %mul3A_404 = arith.muli %add3A_402, %mul3A_403 : i32
        %add3A_405 = vector.broadcast %mul3A_404 : i32 to vector<16xi32>
        %add3A_406 = arith.addi %add3A_405, %mul3A_5 : vector<16xi32>
        %add3A_407 = arith.addi %add3A_406, %mul3A_398 : vector<16xi32>
        %add3A_408 = arith.constant 0 : i32
        %add3A_409 = vector.broadcast %add3A_408 : i32 to vector<16xi32>
        %add3A_410 = arith.addi %add3A_407, %add3A_409 : vector<16xi32>
        %gather3A = tpu.vector_load_idx %arg11[%add3A_410] : memref<33024xf32, #tpu.memory_space<vmem>>[vector<16xi32>], vector<16xf32>,
        %mul3A_411 = arith.constant 16 : i32
        %mul3A_412 = arith.muli %add3A_387, %mul3A_411 : i32
        %swap3A_413 = arith.constant 1 : i32
        %swap3A_414 = arith.constant 0 : i32
        %swap3A_415 = arith.index_cast %swap3A_413 : i32 to index
        %swap3A_416 = arith.index_cast %swap3A_414 : i32 to index
        %swap3A_417 = arith.index_cast %mul3A_412 : i32 to index
        %swap3A_418 = tpu.vector_load %arg13[%swap3A_415, %swap3A_416, %swap3A_417] {strides = array<i32>} : memref<2x32x128xf32, #tpu.memory_space<vmem>>, vector<16xf32>,
        tpu.vector_store %arg13[%swap3A_415, %swap3A_416, %swap3A_417], %gather3A {strides = array<i32>} : memref<2x32x128xf32, #tpu.memory_space<vmem>>, vector<16xf32>,
        %add3A_419 = arith.constant 1 : i32
        %add3A_420 = vector.broadcast %add3A_419 : i32 to vector<16xi32>
        %add3A_421 = arith.addi %add3A_407, %add3A_420 : vector<16xi32>
        %gather3A_422 = tpu.vector_load_idx %arg11[%add3A_421] : memref<33024xf32, #tpu.memory_space<vmem>>[vector<16xi32>], vector<16xf32>,
        %mul3A_423 = arith.constant 16 : i32
        %mul3A_424 = arith.muli %add3A_387, %mul3A_423 : i32
        %swap3A_425 = arith.constant 1 : i32
        %swap3A_426 = arith.constant 1 : i32
        %swap3A_427 = arith.index_cast %swap3A_425 : i32 to index
        %swap3A_428 = arith.index_cast %swap3A_426 : i32 to index
        %swap3A_429 = arith.index_cast %mul3A_424 : i32 to index
        %swap3A_430 = tpu.vector_load %arg13[%swap3A_427, %swap3A_428, %swap3A_429] {strides = array<i32>} : memref<2x32x128xf32, #tpu.memory_space<vmem>>, vector<16xf32>,
        tpu.vector_store %arg13[%swap3A_427, %swap3A_428, %swap3A_429], %gather3A_422 {strides = array<i32>} : memref<2x32x128xf32, #tpu.memory_space<vmem>>, vector<16xf32>,
        %add3A_431 = arith.constant 2 : i32
        %add3A_432 = vector.broadcast %add3A_431 : i32 to vector<16xi32>
        %add3A_433 = arith.addi %add3A_407, %add3A_432 : vector<16xi32>
        %gather3A_434 = tpu.vector_load_idx %arg11[%add3A_433] : memref<33024xf32, #tpu.memory_space<vmem>>[vector<16xi32>], vector<16xf32>,
        %mul3A_435 = arith.constant 16 : i32
        %mul3A_436 = arith.muli %add3A_387, %mul3A_435 : i32
        %swap3A_437 = arith.constant 1 : i32
        %swap3A_438 = arith.constant 2 : i32
        %swap3A_439 = arith.index_cast %swap3A_437 : i32 to index
        %swap3A_440 = arith.index_cast %swap3A_438 : i32 to index
        %swap3A_441 = arith.index_cast %mul3A_436 : i32 to index
        %swap3A_442 = tpu.vector_load %arg13[%swap3A_439, %swap3A_440, %swap3A_441] {strides = array<i32>} : memref<2x32x128xf32, #tpu.memory_space<vmem>>, vector<16xf32>,
        tpu.vector_store %arg13[%swap3A_439, %swap3A_440, %swap3A_441], %gather3A_434 {strides = array<i32>} : memref<2x32x128xf32, #tpu.memory_space<vmem>>, vector<16xf32>,
        %add3A_443 = arith.constant 3 : i32
        %add3A_444 = vector.broadcast %add3A_443 : i32 to vector<16xi32>
        %add3A_445 = arith.addi %add3A_407, %add3A_444 : vector<16xi32>
        %gather3A_446 = tpu.vector_load_idx %arg11[%add3A_445] : memref<33024xf32, #tpu.memory_space<vmem>>[vector<16xi32>], vector<16xf32>,
        %mul3A_447 = arith.constant 16 : i32
        %mul3A_448 = arith.muli %add3A_387, %mul3A_447 : i32
        %swap3A_449 = arith.constant 1 : i32
        %swap3A_450 = arith.constant 3 : i32
        %swap3A_451 = arith.index_cast %swap3A_449 : i32 to index
        %swap3A_452 = arith.index_cast %swap3A_450 : i32 to index
        %swap3A_453 = arith.index_cast %mul3A_448 : i32 to index
        %swap3A_454 = tpu.vector_load %arg13[%swap3A_451, %swap3A_452, %swap3A_453] {strides = array<i32>} : memref<2x32x128xf32, #tpu.memory_space<vmem>>, vector<16xf32>,
        tpu.vector_store %arg13[%swap3A_451, %swap3A_452, %swap3A_453], %gather3A_446 {strides = array<i32>} : memref<2x32x128xf32, #tpu.memory_space<vmem>>, vector<16xf32>,
        %add3A_455 = arith.constant 4 : i32
        %add3A_456 = vector.broadcast %add3A_455 : i32 to vector<16xi32>
        %add3A_457 = arith.addi %add3A_407, %add3A_456 : vector<16xi32>
        %gather3A_458 = tpu.vector_load_idx %arg11[%add3A_457] : memref<33024xf32, #tpu.memory_space<vmem>>[vector<16xi32>], vector<16xf32>,
        %mul3A_459 = arith.constant 16 : i32
        %mul3A_460 = arith.muli %add3A_387, %mul3A_459 : i32
        %swap3A_461 = arith.constant 1 : i32
        %swap3A_462 = arith.constant 4 : i32
        %swap3A_463 = arith.index_cast %swap3A_461 : i32 to index
        %swap3A_464 = arith.index_cast %swap3A_462 : i32 to index
        %swap3A_465 = arith.index_cast %mul3A_460 : i32 to index
        %swap3A_466 = tpu.vector_load %arg13[%swap3A_463, %swap3A_464, %swap3A_465] {strides = array<i32>} : memref<2x32x128xf32, #tpu.memory_space<vmem>>, vector<16xf32>,
        tpu.vector_store %arg13[%swap3A_463, %swap3A_464, %swap3A_465], %gather3A_458 {strides = array<i32>} : memref<2x32x128xf32, #tpu.memory_space<vmem>>, vector<16xf32>,
        %add3A_467 = arith.constant 5 : i32
        %add3A_468 = vector.broadcast %add3A_467 : i32 to vector<16xi32>
        %add3A_469 = arith.addi %add3A_407, %add3A_468 : vector<16xi32>
        %gather3A_470 = tpu.vector_load_idx %arg11[%add3A_469] : memref<33024xf32, #tpu.memory_space<vmem>>[vector<16xi32>], vector<16xf32>,
        %mul3A_471 = arith.constant 16 : i32
        %mul3A_472 = arith.muli %add3A_387, %mul3A_471 : i32
        %swap3A_473 = arith.constant 1 : i32
        %swap3A_474 = arith.constant 5 : i32
        %swap3A_475 = arith.index_cast %swap3A_473 : i32 to index
        %swap3A_476 = arith.index_cast %swap3A_474 : i32 to index
        %swap3A_477 = arith.index_cast %mul3A_472 : i32 to index
        %swap3A_478 = tpu.vector_load %arg13[%swap3A_475, %swap3A_476, %swap3A_477] {strides = array<i32>} : memref<2x32x128xf32, #tpu.memory_space<vmem>>, vector<16xf32>,
        tpu.vector_store %arg13[%swap3A_475, %swap3A_476, %swap3A_477], %gather3A_470 {strides = array<i32>} : memref<2x32x128xf32, #tpu.memory_space<vmem>>, vector<16xf32>,
        %add3A_479 = arith.constant 6 : i32
        %add3A_480 = vector.broadcast %add3A_479 : i32 to vector<16xi32>
        %add3A_481 = arith.addi %add3A_407, %add3A_480 : vector<16xi32>
        %gather3A_482 = tpu.vector_load_idx %arg11[%add3A_481] : memref<33024xf32, #tpu.memory_space<vmem>>[vector<16xi32>], vector<16xf32>,
        %mul3A_483 = arith.constant 16 : i32
        %mul3A_484 = arith.muli %add3A_387, %mul3A_483 : i32
        %swap3A_485 = arith.constant 1 : i32
        %swap3A_486 = arith.constant 6 : i32
        %swap3A_487 = arith.index_cast %swap3A_485 : i32 to index
        %swap3A_488 = arith.index_cast %swap3A_486 : i32 to index
        %swap3A_489 = arith.index_cast %mul3A_484 : i32 to index
        %swap3A_490 = tpu.vector_load %arg13[%swap3A_487, %swap3A_488, %swap3A_489] {strides = array<i32>} : memref<2x32x128xf32, #tpu.memory_space<vmem>>, vector<16xf32>,
        tpu.vector_store %arg13[%swap3A_487, %swap3A_488, %swap3A_489], %gather3A_482 {strides = array<i32>} : memref<2x32x128xf32, #tpu.memory_space<vmem>>, vector<16xf32>,
        %add3A_491 = arith.constant 7 : i32
        %add3A_492 = vector.broadcast %add3A_491 : i32 to vector<16xi32>
        %add3A_493 = arith.addi %add3A_407, %add3A_492 : vector<16xi32>
        %gather3A_494 = tpu.vector_load_idx %arg11[%add3A_493] : memref<33024xf32, #tpu.memory_space<vmem>>[vector<16xi32>], vector<16xf32>,
        %mul3A_495 = arith.constant 16 : i32
        %mul3A_496 = arith.muli %add3A_387, %mul3A_495 : i32
        %swap3A_497 = arith.constant 1 : i32
        %swap3A_498 = arith.constant 7 : i32
        %swap3A_499 = arith.index_cast %swap3A_497 : i32 to index
        %swap3A_500 = arith.index_cast %swap3A_498 : i32 to index
        %swap3A_501 = arith.index_cast %mul3A_496 : i32 to index
        %swap3A_502 = tpu.vector_load %arg13[%swap3A_499, %swap3A_500, %swap3A_501] {strides = array<i32>} : memref<2x32x128xf32, #tpu.memory_space<vmem>>, vector<16xf32>,
        tpu.vector_store %arg13[%swap3A_499, %swap3A_500, %swap3A_501], %gather3A_494 {strides = array<i32>} : memref<2x32x128xf32, #tpu.memory_space<vmem>>, vector<16xf32>,
        %add3A_503 = arith.constant 8 : i32
        %add3A_504 = vector.broadcast %add3A_503 : i32 to vector<16xi32>
        %add3A_505 = arith.addi %add3A_407, %add3A_504 : vector<16xi32>
        %gather3A_506 = tpu.vector_load_idx %arg11[%add3A_505] : memref<33024xf32, #tpu.memory_space<vmem>>[vector<16xi32>], vector<16xf32>,
        %mul3A_507 = arith.constant 16 : i32
        %mul3A_508 = arith.muli %add3A_387, %mul3A_507 : i32
        %swap3A_509 = arith.constant 1 : i32
        %swap3A_510 = arith.constant 8 : i32
        %swap3A_511 = arith.index_cast %swap3A_509 : i32 to index
        %swap3A_512 = arith.index_cast %swap3A_510 : i32 to index
        %swap3A_513 = arith.index_cast %mul3A_508 : i32 to index
        %swap3A_514 = tpu.vector_load %arg13[%swap3A_511, %swap3A_512, %swap3A_513] {strides = array<i32>} : memref<2x32x128xf32, #tpu.memory_space<vmem>>, vector<16xf32>,
        tpu.vector_store %arg13[%swap3A_511, %swap3A_512, %swap3A_513], %gather3A_506 {strides = array<i32>} : memref<2x32x128xf32, #tpu.memory_space<vmem>>, vector<16xf32>,
        %add3A_515 = arith.constant 9 : i32
        %add3A_516 = vector.broadcast %add3A_515 : i32 to vector<16xi32>
        %add3A_517 = arith.addi %add3A_407, %add3A_516 : vector<16xi32>
        %gather3A_518 = tpu.vector_load_idx %arg11[%add3A_517] : memref<33024xf32, #tpu.memory_space<vmem>>[vector<16xi32>], vector<16xf32>,
        %mul3A_519 = arith.constant 16 : i32
        %mul3A_520 = arith.muli %add3A_387, %mul3A_519 : i32
        %swap3A_521 = arith.constant 1 : i32
        %swap3A_522 = arith.constant 9 : i32
        %swap3A_523 = arith.index_cast %swap3A_521 : i32 to index
        %swap3A_524 = arith.index_cast %swap3A_522 : i32 to index
        %swap3A_525 = arith.index_cast %mul3A_520 : i32 to index
        %swap3A_526 = tpu.vector_load %arg13[%swap3A_523, %swap3A_524, %swap3A_525] {strides = array<i32>} : memref<2x32x128xf32, #tpu.memory_space<vmem>>, vector<16xf32>,
        tpu.vector_store %arg13[%swap3A_523, %swap3A_524, %swap3A_525], %gather3A_518 {strides = array<i32>} : memref<2x32x128xf32, #tpu.memory_space<vmem>>, vector<16xf32>,
        %add3A_527 = arith.constant 10 : i32
        %add3A_528 = vector.broadcast %add3A_527 : i32 to vector<16xi32>
        %add3A_529 = arith.addi %add3A_407, %add3A_528 : vector<16xi32>
        %gather3A_530 = tpu.vector_load_idx %arg11[%add3A_529] : memref<33024xf32, #tpu.memory_space<vmem>>[vector<16xi32>], vector<16xf32>,
        %mul3A_531 = arith.constant 16 : i32
        %mul3A_532 = arith.muli %add3A_387, %mul3A_531 : i32
        %swap3A_533 = arith.constant 1 : i32
        %swap3A_534 = arith.constant 10 : i32
        %swap3A_535 = arith.index_cast %swap3A_533 : i32 to index
        %swap3A_536 = arith.index_cast %swap3A_534 : i32 to index
        %swap3A_537 = arith.index_cast %mul3A_532 : i32 to index
        %swap3A_538 = tpu.vector_load %arg13[%swap3A_535, %swap3A_536, %swap3A_537] {strides = array<i32>} : memref<2x32x128xf32, #tpu.memory_space<vmem>>, vector<16xf32>,
        tpu.vector_store %arg13[%swap3A_535, %swap3A_536, %swap3A_537], %gather3A_530 {strides = array<i32>} : memref<2x32x128xf32, #tpu.memory_space<vmem>>, vector<16xf32>,
        %add3A_539 = arith.constant 11 : i32
        %add3A_540 = vector.broadcast %add3A_539 : i32 to vector<16xi32>
        %add3A_541 = arith.addi %add3A_407, %add3A_540 : vector<16xi32>
        %gather3A_542 = tpu.vector_load_idx %arg11[%add3A_541] : memref<33024xf32, #tpu.memory_space<vmem>>[vector<16xi32>], vector<16xf32>,
        %mul3A_543 = arith.constant 16 : i32
        %mul3A_544 = arith.muli %add3A_387, %mul3A_543 : i32
        %swap3A_545 = arith.constant 1 : i32
        %swap3A_546 = arith.constant 11 : i32
        %swap3A_547 = arith.index_cast %swap3A_545 : i32 to index
        %swap3A_548 = arith.index_cast %swap3A_546 : i32 to index
        %swap3A_549 = arith.index_cast %mul3A_544 : i32 to index
        %swap3A_550 = tpu.vector_load %arg13[%swap3A_547, %swap3A_548, %swap3A_549] {strides = array<i32>} : memref<2x32x128xf32, #tpu.memory_space<vmem>>, vector<16xf32>,
        tpu.vector_store %arg13[%swap3A_547, %swap3A_548, %swap3A_549], %gather3A_542 {strides = array<i32>} : memref<2x32x128xf32, #tpu.memory_space<vmem>>, vector<16xf32>,
        %add3A_551 = arith.constant 12 : i32
        %add3A_552 = vector.broadcast %add3A_551 : i32 to vector<16xi32>
        %add3A_553 = arith.addi %add3A_407, %add3A_552 : vector<16xi32>
        %gather3A_554 = tpu.vector_load_idx %arg11[%add3A_553] : memref<33024xf32, #tpu.memory_space<vmem>>[vector<16xi32>], vector<16xf32>,
        %mul3A_555 = arith.constant 16 : i32
        %mul3A_556 = arith.muli %add3A_387, %mul3A_555 : i32
        %swap3A_557 = arith.constant 1 : i32
        %swap3A_558 = arith.constant 12 : i32
        %swap3A_559 = arith.index_cast %swap3A_557 : i32 to index
        %swap3A_560 = arith.index_cast %swap3A_558 : i32 to index
        %swap3A_561 = arith.index_cast %mul3A_556 : i32 to index
        %swap3A_562 = tpu.vector_load %arg13[%swap3A_559, %swap3A_560, %swap3A_561] {strides = array<i32>} : memref<2x32x128xf32, #tpu.memory_space<vmem>>, vector<16xf32>,
        tpu.vector_store %arg13[%swap3A_559, %swap3A_560, %swap3A_561], %gather3A_554 {strides = array<i32>} : memref<2x32x128xf32, #tpu.memory_space<vmem>>, vector<16xf32>,
        %add3A_563 = arith.constant 13 : i32
        %add3A_564 = vector.broadcast %add3A_563 : i32 to vector<16xi32>
        %add3A_565 = arith.addi %add3A_407, %add3A_564 : vector<16xi32>
        %gather3A_566 = tpu.vector_load_idx %arg11[%add3A_565] : memref<33024xf32, #tpu.memory_space<vmem>>[vector<16xi32>], vector<16xf32>,
        %mul3A_567 = arith.constant 16 : i32
        %mul3A_568 = arith.muli %add3A_387, %mul3A_567 : i32
        %swap3A_569 = arith.constant 1 : i32
        %swap3A_570 = arith.constant 13 : i32
        %swap3A_571 = arith.index_cast %swap3A_569 : i32 to index
        %swap3A_572 = arith.index_cast %swap3A_570 : i32 to index
        %swap3A_573 = arith.index_cast %mul3A_568 : i32 to index
        %swap3A_574 = tpu.vector_load %arg13[%swap3A_571, %swap3A_572, %swap3A_573] {strides = array<i32>} : memref<2x32x128xf32, #tpu.memory_space<vmem>>, vector<16xf32>,
        tpu.vector_store %arg13[%swap3A_571, %swap3A_572, %swap3A_573], %gather3A_566 {strides = array<i32>} : memref<2x32x128xf32, #tpu.memory_space<vmem>>, vector<16xf32>,
        %add3A_575 = arith.constant 14 : i32
        %add3A_576 = vector.broadcast %add3A_575 : i32 to vector<16xi32>
        %add3A_577 = arith.addi %add3A_407, %add3A_576 : vector<16xi32>
        %gather3A_578 = tpu.vector_load_idx %arg11[%add3A_577] : memref<33024xf32, #tpu.memory_space<vmem>>[vector<16xi32>], vector<16xf32>,
        %mul3A_579 = arith.constant 16 : i32
        %mul3A_580 = arith.muli %add3A_387, %mul3A_579 : i32
        %swap3A_581 = arith.constant 1 : i32
        %swap3A_582 = arith.constant 14 : i32
        %swap3A_583 = arith.index_cast %swap3A_581 : i32 to index
        %swap3A_584 = arith.index_cast %swap3A_582 : i32 to index
        %swap3A_585 = arith.index_cast %mul3A_580 : i32 to index
        %swap3A_586 = tpu.vector_load %arg13[%swap3A_583, %swap3A_584, %swap3A_585] {strides = array<i32>} : memref<2x32x128xf32, #tpu.memory_space<vmem>>, vector<16xf32>,
        tpu.vector_store %arg13[%swap3A_583, %swap3A_584, %swap3A_585], %gather3A_578 {strides = array<i32>} : memref<2x32x128xf32, #tpu.memory_space<vmem>>, vector<16xf32>,
        %add3A_587 = arith.constant 15 : i32
        %add3A_588 = vector.broadcast %add3A_587 : i32 to vector<16xi32>
        %add3A_589 = arith.addi %add3A_407, %add3A_588 : vector<16xi32>
        %gather3A_590 = tpu.vector_load_idx %arg11[%add3A_589] : memref<33024xf32, #tpu.memory_space<vmem>>[vector<16xi32>], vector<16xf32>,
        %mul3A_591 = arith.constant 16 : i32
        %mul3A_592 = arith.muli %add3A_387, %mul3A_591 : i32
        %swap3A_593 = arith.constant 1 : i32
        %swap3A_594 = arith.constant 15 : i32
        %swap3A_595 = arith.index_cast %swap3A_593 : i32 to index
        %swap3A_596 = arith.index_cast %swap3A_594 : i32 to index
        %swap3A_597 = arith.index_cast %mul3A_592 : i32 to index
        %swap3A_598 = tpu.vector_load %arg13[%swap3A_595, %swap3A_596, %swap3A_597] {strides = array<i32>} : memref<2x32x128xf32, #tpu.memory_space<vmem>>, vector<16xf32>,
        tpu.vector_store %arg13[%swap3A_595, %swap3A_596, %swap3A_597], %gather3A_590 {strides = array<i32>} : memref<2x32x128xf32, #tpu.memory_space<vmem>>, vector<16xf32>,
        %add3A_599 = arith.constant 16 : i32
        %add3A_600 = vector.broadcast %add3A_599 : i32 to vector<16xi32>
        %add3A_601 = arith.addi %add3A_407, %add3A_600 : vector<16xi32>
        %gather3A_602 = tpu.vector_load_idx %arg11[%add3A_601] : memref<33024xf32, #tpu.memory_space<vmem>>[vector<16xi32>], vector<16xf32>,
        %mul3A_603 = arith.constant 16 : i32
        %mul3A_604 = arith.muli %add3A_387, %mul3A_603 : i32
        %swap3A_605 = arith.constant 1 : i32
        %swap3A_606 = arith.constant 16 : i32
        %swap3A_607 = arith.index_cast %swap3A_605 : i32 to index
        %swap3A_608 = arith.index_cast %swap3A_606 : i32 to index
        %swap3A_609 = arith.index_cast %mul3A_604 : i32 to index
        %swap3A_610 = tpu.vector_load %arg13[%swap3A_607, %swap3A_608, %swap3A_609] {strides = array<i32>} : memref<2x32x128xf32, #tpu.memory_space<vmem>>, vector<16xf32>,
        tpu.vector_store %arg13[%swap3A_607, %swap3A_608, %swap3A_609], %gather3A_602 {strides = array<i32>} : memref<2x32x128xf32, #tpu.memory_space<vmem>>, vector<16xf32>,
        %add3A_611 = arith.constant 17 : i32
        %add3A_612 = vector.broadcast %add3A_611 : i32 to vector<16xi32>
        %add3A_613 = arith.addi %add3A_407, %add3A_612 : vector<16xi32>
        %gather3A_614 = tpu.vector_load_idx %arg11[%add3A_613] : memref<33024xf32, #tpu.memory_space<vmem>>[vector<16xi32>], vector<16xf32>,
        %mul3A_615 = arith.constant 16 : i32
        %mul3A_616 = arith.muli %add3A_387, %mul3A_615 : i32
        %swap3A_617 = arith.constant 1 : i32
        %swap3A_618 = arith.constant 17 : i32
        %swap3A_619 = arith.index_cast %swap3A_617 : i32 to index
        %swap3A_620 = arith.index_cast %swap3A_618 : i32 to index
        %swap3A_621 = arith.index_cast %mul3A_616 : i32 to index
        %swap3A_622 = tpu.vector_load %arg13[%swap3A_619, %swap3A_620, %swap3A_621] {strides = array<i32>} : memref<2x32x128xf32, #tpu.memory_space<vmem>>, vector<16xf32>,
        tpu.vector_store %arg13[%swap3A_619, %swap3A_620, %swap3A_621], %gather3A_614 {strides = array<i32>} : memref<2x32x128xf32, #tpu.memory_space<vmem>>, vector<16xf32>,
        %add3A_623 = arith.constant 18 : i32
        %add3A_624 = vector.broadcast %add3A_623 : i32 to vector<16xi32>
        %add3A_625 = arith.addi %add3A_407, %add3A_624 : vector<16xi32>
        %gather3A_626 = tpu.vector_load_idx %arg11[%add3A_625] : memref<33024xf32, #tpu.memory_space<vmem>>[vector<16xi32>], vector<16xf32>,
        %mul3A_627 = arith.constant 16 : i32
        %mul3A_628 = arith.muli %add3A_387, %mul3A_627 : i32
        %swap3A_629 = arith.constant 1 : i32
        %swap3A_630 = arith.constant 18 : i32
        %swap3A_631 = arith.index_cast %swap3A_629 : i32 to index
        %swap3A_632 = arith.index_cast %swap3A_630 : i32 to index
        %swap3A_633 = arith.index_cast %mul3A_628 : i32 to index
        %swap3A_634 = tpu.vector_load %arg13[%swap3A_631, %swap3A_632, %swap3A_633] {strides = array<i32>} : memref<2x32x128xf32, #tpu.memory_space<vmem>>, vector<16xf32>,
        tpu.vector_store %arg13[%swap3A_631, %swap3A_632, %swap3A_633], %gather3A_626 {strides = array<i32>} : memref<2x32x128xf32, #tpu.memory_space<vmem>>, vector<16xf32>,
        %add3A_635 = arith.constant 19 : i32
        %add3A_636 = vector.broadcast %add3A_635 : i32 to vector<16xi32>
        %add3A_637 = arith.addi %add3A_407, %add3A_636 : vector<16xi32>
        %gather3A_638 = tpu.vector_load_idx %arg11[%add3A_637] : memref<33024xf32, #tpu.memory_space<vmem>>[vector<16xi32>], vector<16xf32>,
        %mul3A_639 = arith.constant 16 : i32
        %mul3A_640 = arith.muli %add3A_387, %mul3A_639 : i32
        %swap3A_641 = arith.constant 1 : i32
        %swap3A_642 = arith.constant 19 : i32
        %swap3A_643 = arith.index_cast %swap3A_641 : i32 to index
        %swap3A_644 = arith.index_cast %swap3A_642 : i32 to index
        %swap3A_645 = arith.index_cast %mul3A_640 : i32 to index
        %swap3A_646 = tpu.vector_load %arg13[%swap3A_643, %swap3A_644, %swap3A_645] {strides = array<i32>} : memref<2x32x128xf32, #tpu.memory_space<vmem>>, vector<16xf32>,
        tpu.vector_store %arg13[%swap3A_643, %swap3A_644, %swap3A_645], %gather3A_638 {strides = array<i32>} : memref<2x32x128xf32, #tpu.memory_space<vmem>>, vector<16xf32>,
        %add3A_647 = arith.constant 20 : i32
        %add3A_648 = vector.broadcast %add3A_647 : i32 to vector<16xi32>
        %add3A_649 = arith.addi %add3A_407, %add3A_648 : vector<16xi32>
        %gather3A_650 = tpu.vector_load_idx %arg11[%add3A_649] : memref<33024xf32, #tpu.memory_space<vmem>>[vector<16xi32>], vector<16xf32>,
        %mul3A_651 = arith.constant 16 : i32
        %mul3A_652 = arith.muli %add3A_387, %mul3A_651 : i32
        %swap3A_653 = arith.constant 1 : i32
        %swap3A_654 = arith.constant 20 : i32
        %swap3A_655 = arith.index_cast %swap3A_653 : i32 to index
        %swap3A_656 = arith.index_cast %swap3A_654 : i32 to index
        %swap3A_657 = arith.index_cast %mul3A_652 : i32 to index
        %swap3A_658 = tpu.vector_load %arg13[%swap3A_655, %swap3A_656, %swap3A_657] {strides = array<i32>} : memref<2x32x128xf32, #tpu.memory_space<vmem>>, vector<16xf32>,
        tpu.vector_store %arg13[%swap3A_655, %swap3A_656, %swap3A_657], %gather3A_650 {strides = array<i32>} : memref<2x32x128xf32, #tpu.memory_space<vmem>>, vector<16xf32>,
        %add3A_659 = arith.constant 21 : i32
        %add3A_660 = vector.broadcast %add3A_659 : i32 to vector<16xi32>
        %add3A_661 = arith.addi %add3A_407, %add3A_660 : vector<16xi32>
        %gather3A_662 = tpu.vector_load_idx %arg11[%add3A_661] : memref<33024xf32, #tpu.memory_space<vmem>>[vector<16xi32>], vector<16xf32>,
        %mul3A_663 = arith.constant 16 : i32
        %mul3A_664 = arith.muli %add3A_387, %mul3A_663 : i32
        %swap3A_665 = arith.constant 1 : i32
        %swap3A_666 = arith.constant 21 : i32
        %swap3A_667 = arith.index_cast %swap3A_665 : i32 to index
        %swap3A_668 = arith.index_cast %swap3A_666 : i32 to index
        %swap3A_669 = arith.index_cast %mul3A_664 : i32 to index
        %swap3A_670 = tpu.vector_load %arg13[%swap3A_667, %swap3A_668, %swap3A_669] {strides = array<i32>} : memref<2x32x128xf32, #tpu.memory_space<vmem>>, vector<16xf32>,
        tpu.vector_store %arg13[%swap3A_667, %swap3A_668, %swap3A_669], %gather3A_662 {strides = array<i32>} : memref<2x32x128xf32, #tpu.memory_space<vmem>>, vector<16xf32>,
        %add3A_671 = arith.constant 22 : i32
        %add3A_672 = vector.broadcast %add3A_671 : i32 to vector<16xi32>
        %add3A_673 = arith.addi %add3A_407, %add3A_672 : vector<16xi32>
        %gather3A_674 = tpu.vector_load_idx %arg11[%add3A_673] : memref<33024xf32, #tpu.memory_space<vmem>>[vector<16xi32>], vector<16xf32>,
        %mul3A_675 = arith.constant 16 : i32
        %mul3A_676 = arith.muli %add3A_387, %mul3A_675 : i32
        %swap3A_677 = arith.constant 1 : i32
        %swap3A_678 = arith.constant 22 : i32
        %swap3A_679 = arith.index_cast %swap3A_677 : i32 to index
        %swap3A_680 = arith.index_cast %swap3A_678 : i32 to index
        %swap3A_681 = arith.index_cast %mul3A_676 : i32 to index
        %swap3A_682 = tpu.vector_load %arg13[%swap3A_679, %swap3A_680, %swap3A_681] {strides = array<i32>} : memref<2x32x128xf32, #tpu.memory_space<vmem>>, vector<16xf32>,
        tpu.vector_store %arg13[%swap3A_679, %swap3A_680, %swap3A_681], %gather3A_674 {strides = array<i32>} : memref<2x32x128xf32, #tpu.memory_space<vmem>>, vector<16xf32>,
        %add3A_683 = arith.constant 23 : i32
        %add3A_684 = vector.broadcast %add3A_683 : i32 to vector<16xi32>
        %add3A_685 = arith.addi %add3A_407, %add3A_684 : vector<16xi32>
        %gather3A_686 = tpu.vector_load_idx %arg11[%add3A_685] : memref<33024xf32, #tpu.memory_space<vmem>>[vector<16xi32>], vector<16xf32>,
        %mul3A_687 = arith.constant 16 : i32
        %mul3A_688 = arith.muli %add3A_387, %mul3A_687 : i32
        %swap3A_689 = arith.constant 1 : i32
        %swap3A_690 = arith.constant 23 : i32
        %swap3A_691 = arith.index_cast %swap3A_689 : i32 to index
        %swap3A_692 = arith.index_cast %swap3A_690 : i32 to index
        %swap3A_693 = arith.index_cast %mul3A_688 : i32 to index
        %swap3A_694 = tpu.vector_load %arg13[%swap3A_691, %swap3A_692, %swap3A_693] {strides = array<i32>} : memref<2x32x128xf32, #tpu.memory_space<vmem>>, vector<16xf32>,
        tpu.vector_store %arg13[%swap3A_691, %swap3A_692, %swap3A_693], %gather3A_686 {strides = array<i32>} : memref<2x32x128xf32, #tpu.memory_space<vmem>>, vector<16xf32>,
        %add3A_695 = arith.constant 24 : i32
        %add3A_696 = vector.broadcast %add3A_695 : i32 to vector<16xi32>
        %add3A_697 = arith.addi %add3A_407, %add3A_696 : vector<16xi32>
        %gather3A_698 = tpu.vector_load_idx %arg11[%add3A_697] : memref<33024xf32, #tpu.memory_space<vmem>>[vector<16xi32>], vector<16xf32>,
        %mul3A_699 = arith.constant 16 : i32
        %mul3A_700 = arith.muli %add3A_387, %mul3A_699 : i32
        %swap3A_701 = arith.constant 1 : i32
        %swap3A_702 = arith.constant 24 : i32
        %swap3A_703 = arith.index_cast %swap3A_701 : i32 to index
        %swap3A_704 = arith.index_cast %swap3A_702 : i32 to index
        %swap3A_705 = arith.index_cast %mul3A_700 : i32 to index
        %swap3A_706 = tpu.vector_load %arg13[%swap3A_703, %swap3A_704, %swap3A_705] {strides = array<i32>} : memref<2x32x128xf32, #tpu.memory_space<vmem>>, vector<16xf32>,
        tpu.vector_store %arg13[%swap3A_703, %swap3A_704, %swap3A_705], %gather3A_698 {strides = array<i32>} : memref<2x32x128xf32, #tpu.memory_space<vmem>>, vector<16xf32>,
        %add3A_707 = arith.constant 25 : i32
        %add3A_708 = vector.broadcast %add3A_707 : i32 to vector<16xi32>
        %add3A_709 = arith.addi %add3A_407, %add3A_708 : vector<16xi32>
        %gather3A_710 = tpu.vector_load_idx %arg11[%add3A_709] : memref<33024xf32, #tpu.memory_space<vmem>>[vector<16xi32>], vector<16xf32>,
        %mul3A_711 = arith.constant 16 : i32
        %mul3A_712 = arith.muli %add3A_387, %mul3A_711 : i32
        %swap3A_713 = arith.constant 1 : i32
        %swap3A_714 = arith.constant 25 : i32
        %swap3A_715 = arith.index_cast %swap3A_713 : i32 to index
        %swap3A_716 = arith.index_cast %swap3A_714 : i32 to index
        %swap3A_717 = arith.index_cast %mul3A_712 : i32 to index
        %swap3A_718 = tpu.vector_load %arg13[%swap3A_715, %swap3A_716, %swap3A_717] {strides = array<i32>} : memref<2x32x128xf32, #tpu.memory_space<vmem>>, vector<16xf32>,
        tpu.vector_store %arg13[%swap3A_715, %swap3A_716, %swap3A_717], %gather3A_710 {strides = array<i32>} : memref<2x32x128xf32, #tpu.memory_space<vmem>>, vector<16xf32>,
        %add3A_719 = arith.constant 26 : i32
        %add3A_720 = vector.broadcast %add3A_719 : i32 to vector<16xi32>
        %add3A_721 = arith.addi %add3A_407, %add3A_720 : vector<16xi32>
        %gather3A_722 = tpu.vector_load_idx %arg11[%add3A_721] : memref<33024xf32, #tpu.memory_space<vmem>>[vector<16xi32>], vector<16xf32>,
        %mul3A_723 = arith.constant 16 : i32
        %mul3A_724 = arith.muli %add3A_387, %mul3A_723 : i32
        %swap3A_725 = arith.constant 1 : i32
        %swap3A_726 = arith.constant 26 : i32
        %swap3A_727 = arith.index_cast %swap3A_725 : i32 to index
        %swap3A_728 = arith.index_cast %swap3A_726 : i32 to index
        %swap3A_729 = arith.index_cast %mul3A_724 : i32 to index
        %swap3A_730 = tpu.vector_load %arg13[%swap3A_727, %swap3A_728, %swap3A_729] {strides = array<i32>} : memref<2x32x128xf32, #tpu.memory_space<vmem>>, vector<16xf32>,
        tpu.vector_store %arg13[%swap3A_727, %swap3A_728, %swap3A_729], %gather3A_722 {strides = array<i32>} : memref<2x32x128xf32, #tpu.memory_space<vmem>>, vector<16xf32>,
        %add3A_731 = arith.constant 27 : i32
        %add3A_732 = vector.broadcast %add3A_731 : i32 to vector<16xi32>
        %add3A_733 = arith.addi %add3A_407, %add3A_732 : vector<16xi32>
        %gather3A_734 = tpu.vector_load_idx %arg11[%add3A_733] : memref<33024xf32, #tpu.memory_space<vmem>>[vector<16xi32>], vector<16xf32>,
        %mul3A_735 = arith.constant 16 : i32
        %mul3A_736 = arith.muli %add3A_387, %mul3A_735 : i32
        %swap3A_737 = arith.constant 1 : i32
        %swap3A_738 = arith.constant 27 : i32
        %swap3A_739 = arith.index_cast %swap3A_737 : i32 to index
        %swap3A_740 = arith.index_cast %swap3A_738 : i32 to index
        %swap3A_741 = arith.index_cast %mul3A_736 : i32 to index
        %swap3A_742 = tpu.vector_load %arg13[%swap3A_739, %swap3A_740, %swap3A_741] {strides = array<i32>} : memref<2x32x128xf32, #tpu.memory_space<vmem>>, vector<16xf32>,
        tpu.vector_store %arg13[%swap3A_739, %swap3A_740, %swap3A_741], %gather3A_734 {strides = array<i32>} : memref<2x32x128xf32, #tpu.memory_space<vmem>>, vector<16xf32>,
        %add3A_743 = arith.constant 28 : i32
        %add3A_744 = vector.broadcast %add3A_743 : i32 to vector<16xi32>
        %add3A_745 = arith.addi %add3A_407, %add3A_744 : vector<16xi32>
        %gather3A_746 = tpu.vector_load_idx %arg11[%add3A_745] : memref<33024xf32, #tpu.memory_space<vmem>>[vector<16xi32>], vector<16xf32>,
        %mul3A_747 = arith.constant 16 : i32
        %mul3A_748 = arith.muli %add3A_387, %mul3A_747 : i32
        %swap3A_749 = arith.constant 1 : i32
        %swap3A_750 = arith.constant 28 : i32
        %swap3A_751 = arith.index_cast %swap3A_749 : i32 to index
        %swap3A_752 = arith.index_cast %swap3A_750 : i32 to index
        %swap3A_753 = arith.index_cast %mul3A_748 : i32 to index
        %swap3A_754 = tpu.vector_load %arg13[%swap3A_751, %swap3A_752, %swap3A_753] {strides = array<i32>} : memref<2x32x128xf32, #tpu.memory_space<vmem>>, vector<16xf32>,
        tpu.vector_store %arg13[%swap3A_751, %swap3A_752, %swap3A_753], %gather3A_746 {strides = array<i32>} : memref<2x32x128xf32, #tpu.memory_space<vmem>>, vector<16xf32>,
        %add3A_755 = arith.constant 29 : i32
        %add3A_756 = vector.broadcast %add3A_755 : i32 to vector<16xi32>
        %add3A_757 = arith.addi %add3A_407, %add3A_756 : vector<16xi32>
        %gather3A_758 = tpu.vector_load_idx %arg11[%add3A_757] : memref<33024xf32, #tpu.memory_space<vmem>>[vector<16xi32>], vector<16xf32>,
        %mul3A_759 = arith.constant 16 : i32
        %mul3A_760 = arith.muli %add3A_387, %mul3A_759 : i32
        %swap3A_761 = arith.constant 1 : i32
        %swap3A_762 = arith.constant 29 : i32
        %swap3A_763 = arith.index_cast %swap3A_761 : i32 to index
        %swap3A_764 = arith.index_cast %swap3A_762 : i32 to index
        %swap3A_765 = arith.index_cast %mul3A_760 : i32 to index
        %swap3A_766 = tpu.vector_load %arg13[%swap3A_763, %swap3A_764, %swap3A_765] {strides = array<i32>} : memref<2x32x128xf32, #tpu.memory_space<vmem>>, vector<16xf32>,
        tpu.vector_store %arg13[%swap3A_763, %swap3A_764, %swap3A_765], %gather3A_758 {strides = array<i32>} : memref<2x32x128xf32, #tpu.memory_space<vmem>>, vector<16xf32>,
        %add3A_767 = arith.constant 30 : i32
        %add3A_768 = vector.broadcast %add3A_767 : i32 to vector<16xi32>
        %add3A_769 = arith.addi %add3A_407, %add3A_768 : vector<16xi32>
        %gather3A_770 = tpu.vector_load_idx %arg11[%add3A_769] : memref<33024xf32, #tpu.memory_space<vmem>>[vector<16xi32>], vector<16xf32>,
        %mul3A_771 = arith.constant 16 : i32
        %mul3A_772 = arith.muli %add3A_387, %mul3A_771 : i32
        %swap3A_773 = arith.constant 1 : i32
        %swap3A_774 = arith.constant 30 : i32
        %swap3A_775 = arith.index_cast %swap3A_773 : i32 to index
        %swap3A_776 = arith.index_cast %swap3A_774 : i32 to index
        %swap3A_777 = arith.index_cast %mul3A_772 : i32 to index
        %swap3A_778 = tpu.vector_load %arg13[%swap3A_775, %swap3A_776, %swap3A_777] {strides = array<i32>} : memref<2x32x128xf32, #tpu.memory_space<vmem>>, vector<16xf32>,
        tpu.vector_store %arg13[%swap3A_775, %swap3A_776, %swap3A_777], %gather3A_770 {strides = array<i32>} : memref<2x32x128xf32, #tpu.memory_space<vmem>>, vector<16xf32>,
        %add3A_779 = arith.constant 31 : i32
        %add3A_780 = vector.broadcast %add3A_779 : i32 to vector<16xi32>
        %add3A_781 = arith.addi %add3A_407, %add3A_780 : vector<16xi32>
        %gather3A_782 = tpu.vector_load_idx %arg11[%add3A_781] : memref<33024xf32, #tpu.memory_space<vmem>>[vector<16xi32>], vector<16xf32>,
        %mul3A_783 = arith.constant 16 : i32
        %mul3A_784 = arith.muli %add3A_387, %mul3A_783 : i32
        %swap3A_785 = arith.constant 1 : i32
        %swap3A_786 = arith.constant 31 : i32
        %swap3A_787 = arith.index_cast %swap3A_785 : i32 to index
        %swap3A_788 = arith.index_cast %swap3A_786 : i32 to index
        %swap3A_789 = arith.index_cast %mul3A_784 : i32 to index
        %swap3A_790 = tpu.vector_load %arg13[%swap3A_787, %swap3A_788, %swap3A_789] {strides = array<i32>} : memref<2x32x128xf32, #tpu.memory_space<vmem>>, vector<16xf32>,
        tpu.vector_store %arg13[%swap3A_787, %swap3A_788, %swap3A_789], %gather3A_782 {strides = array<i32>} : memref<2x32x128xf32, #tpu.memory_space<vmem>>, vector<16xf32>,
      }
      %scan3A_369 = arith.constant 8 : i32
      %add3A_370 = arith.constant 2 : i32
      %add3A_371 = arith.addi %add3A_348, %add3A_370 : i32
      %lt3A_372 = arith.constant 100 : i32
      %lt3A_373 = arith.cmpi slt, %add3A_371, %lt3A_372 : i32
      %convert_element_type3A_374 = arith.extui %lt3A_373 : i1 to i32
      %cond3A_375 = arith.constant 0 : i32
      %cond3A_376 = arith.cmpi ne, %convert_element_type3A_374, %cond3A_375 : i32
      scf.if %cond3A_376 {
        %add3A_383 = arith.constant 2 : i32
        %add3A_384 = arith.addi %add3A_348, %add3A_383 : i32
        %mul3A_385 = arith.constant 2 : i32
        %mul3A_386 = arith.muli %add3A_384, %mul3A_385 : i32
        "tpu.region"() ({
          %run_scoped3A = tpu.sem_alloc : memref<!tpu.dma_semaphore, #tpu.memory_space<semaphore_mem>>
          %dma_start3A_534 = tpu.memref_slice %arg2[%mul3A_386, %mul3A_2] : memref<200x4096xi32, #tpu.memory_space<hbm>> -> memref<2x128xi32, #tpu.memory_space<hbm>>
          %dma_start3A_535 = tpu.memref_slice %arg2[%mul3A_386, %mul3A_2] : memref<200x4096xi32, #tpu.memory_space<hbm>> -> memref<2x128xi32, #tpu.memory_space<hbm>>
          tpu.enqueue_dma source(%dma_start3A_535 : memref<2x128xi32, #tpu.memory_space<hbm>>) target(%arg6 : memref<2x128xi32, #tpu.memory_space<vmem>>) target_semaphore(%run_scoped3A : memref<!tpu.dma_semaphore, #tpu.memory_space<semaphore_mem>>)
          %dma_wait3A_536 = tpu.memref_slice %arg2[%mul3A_386, %mul3A_2] : memref<200x4096xi32, #tpu.memory_space<hbm>> -> memref<2x128xi32, #tpu.memory_space<hbm>>
          %dma_wait3A_537 = tpu.memref_slice %arg2[%mul3A_386, %mul3A_2] : memref<200x4096xi32, #tpu.memory_space<hbm>> -> memref<2x128xi32, #tpu.memory_space<hbm>>
          tpu.wait_dma2 semaphore(%run_scoped3A : memref<!tpu.dma_semaphore, #tpu.memory_space<semaphore_mem>>) src(%dma_wait3A_537 : memref<2x128xi32, #tpu.memory_space<hbm>>) dst(%arg6 : memref<2x128xi32, #tpu.memory_space<vmem>>)
          tpu.yield
        }) : () -> ()
        %get3A_387 = arith.constant 0 : i32
        %get3A_388 = arith.index_cast %get3A_387 : i32 to index
        %get3A_389 = arith.constant 0 : index
        %get3A_390 = tpu.vector_load %arg6[%get3A_388, %get3A_389] {strides = array<i32>} : memref<2x128xi32, #tpu.memory_space<vmem>>, vector<16xi32>,
        %shift_right_logical3A_391 = arith.constant 2 : i32
        %shift_right_logical3A_392 = vector.broadcast %shift_right_logical3A_391 : i32 to vector<16xi32>
        %shift_right_logical3A_393 = arith.shrui %get3A_390, %shift_right_logical3A_392 : vector<16xi32>
        %swap3A_394 = arith.constant 0 : index
        %swap3A_395 = tpu.vector_load %arg8[%swap3A_394] {strides = array<i32>} : memref<256xi32, #tpu.memory_space<vmem>>, vector<16xi32>,
        tpu.vector_store %arg8[%swap3A_394], %shift_right_logical3A_393 {strides = array<i32>} : memref<256xi32, #tpu.memory_space<vmem>>, vector<16xi32>,
        %get3A_396 = arith.constant 0 : i32
        %get3A_397 = arith.index_cast %get3A_396 : i32 to index
        %get3A_398 = arith.constant 16 : index
        %get3A_399 = tpu.vector_load %arg6[%get3A_397, %get3A_398] {strides = array<i32>} : memref<2x128xi32, #tpu.memory_space<vmem>>, vector<16xi32>,
        %shift_right_logical3A_400 = arith.constant 2 : i32
        %shift_right_logical3A_401 = vector.broadcast %shift_right_logical3A_400 : i32 to vector<16xi32>
        %shift_right_logical3A_402 = arith.shrui %get3A_399, %shift_right_logical3A_401 : vector<16xi32>
        %swap3A_403 = arith.constant 16 : index
        %swap3A_404 = tpu.vector_load %arg8[%swap3A_403] {strides = array<i32>} : memref<256xi32, #tpu.memory_space<vmem>>, vector<16xi32>,
        tpu.vector_store %arg8[%swap3A_403], %shift_right_logical3A_402 {strides = array<i32>} : memref<256xi32, #tpu.memory_space<vmem>>, vector<16xi32>,
        %get3A_405 = arith.constant 0 : i32
        %get3A_406 = arith.index_cast %get3A_405 : i32 to index
        %get3A_407 = arith.constant 32 : index
        %get3A_408 = tpu.vector_load %arg6[%get3A_406, %get3A_407] {strides = array<i32>} : memref<2x128xi32, #tpu.memory_space<vmem>>, vector<16xi32>,
        %shift_right_logical3A_409 = arith.constant 2 : i32
        %shift_right_logical3A_410 = vector.broadcast %shift_right_logical3A_409 : i32 to vector<16xi32>
        %shift_right_logical3A_411 = arith.shrui %get3A_408, %shift_right_logical3A_410 : vector<16xi32>
        %swap3A_412 = arith.constant 32 : index
        %swap3A_413 = tpu.vector_load %arg8[%swap3A_412] {strides = array<i32>} : memref<256xi32, #tpu.memory_space<vmem>>, vector<16xi32>,
        tpu.vector_store %arg8[%swap3A_412], %shift_right_logical3A_411 {strides = array<i32>} : memref<256xi32, #tpu.memory_space<vmem>>, vector<16xi32>,
        %get3A_414 = arith.constant 0 : i32
        %get3A_415 = arith.index_cast %get3A_414 : i32 to index
        %get3A_416 = arith.constant 48 : index
        %get3A_417 = tpu.vector_load %arg6[%get3A_415, %get3A_416] {strides = array<i32>} : memref<2x128xi32, #tpu.memory_space<vmem>>, vector<16xi32>,
        %shift_right_logical3A_418 = arith.constant 2 : i32
        %shift_right_logical3A_419 = vector.broadcast %shift_right_logical3A_418 : i32 to vector<16xi32>
        %shift_right_logical3A_420 = arith.shrui %get3A_417, %shift_right_logical3A_419 : vector<16xi32>
        %swap3A_421 = arith.constant 48 : index
        %swap3A_422 = tpu.vector_load %arg8[%swap3A_421] {strides = array<i32>} : memref<256xi32, #tpu.memory_space<vmem>>, vector<16xi32>,
        tpu.vector_store %arg8[%swap3A_421], %shift_right_logical3A_420 {strides = array<i32>} : memref<256xi32, #tpu.memory_space<vmem>>, vector<16xi32>,
        %get3A_423 = arith.constant 0 : i32
        %get3A_424 = arith.index_cast %get3A_423 : i32 to index
        %get3A_425 = arith.constant 64 : index
        %get3A_426 = tpu.vector_load %arg6[%get3A_424, %get3A_425] {strides = array<i32>} : memref<2x128xi32, #tpu.memory_space<vmem>>, vector<16xi32>,
        %shift_right_logical3A_427 = arith.constant 2 : i32
        %shift_right_logical3A_428 = vector.broadcast %shift_right_logical3A_427 : i32 to vector<16xi32>
        %shift_right_logical3A_429 = arith.shrui %get3A_426, %shift_right_logical3A_428 : vector<16xi32>
        %swap3A_430 = arith.constant 64 : index
        %swap3A_431 = tpu.vector_load %arg8[%swap3A_430] {strides = array<i32>} : memref<256xi32, #tpu.memory_space<vmem>>, vector<16xi32>,
        tpu.vector_store %arg8[%swap3A_430], %shift_right_logical3A_429 {strides = array<i32>} : memref<256xi32, #tpu.memory_space<vmem>>, vector<16xi32>,
        %get3A_432 = arith.constant 0 : i32
        %get3A_433 = arith.index_cast %get3A_432 : i32 to index
        %get3A_434 = arith.constant 80 : index
        %get3A_435 = tpu.vector_load %arg6[%get3A_433, %get3A_434] {strides = array<i32>} : memref<2x128xi32, #tpu.memory_space<vmem>>, vector<16xi32>,
        %shift_right_logical3A_436 = arith.constant 2 : i32
        %shift_right_logical3A_437 = vector.broadcast %shift_right_logical3A_436 : i32 to vector<16xi32>
        %shift_right_logical3A_438 = arith.shrui %get3A_435, %shift_right_logical3A_437 : vector<16xi32>
        %swap3A_439 = arith.constant 80 : index
        %swap3A_440 = tpu.vector_load %arg8[%swap3A_439] {strides = array<i32>} : memref<256xi32, #tpu.memory_space<vmem>>, vector<16xi32>,
        tpu.vector_store %arg8[%swap3A_439], %shift_right_logical3A_438 {strides = array<i32>} : memref<256xi32, #tpu.memory_space<vmem>>, vector<16xi32>,
        %get3A_441 = arith.constant 0 : i32
        %get3A_442 = arith.index_cast %get3A_441 : i32 to index
        %get3A_443 = arith.constant 96 : index
        %get3A_444 = tpu.vector_load %arg6[%get3A_442, %get3A_443] {strides = array<i32>} : memref<2x128xi32, #tpu.memory_space<vmem>>, vector<16xi32>,
        %shift_right_logical3A_445 = arith.constant 2 : i32
        %shift_right_logical3A_446 = vector.broadcast %shift_right_logical3A_445 : i32 to vector<16xi32>
        %shift_right_logical3A_447 = arith.shrui %get3A_444, %shift_right_logical3A_446 : vector<16xi32>
        %swap3A_448 = arith.constant 96 : index
        %swap3A_449 = tpu.vector_load %arg8[%swap3A_448] {strides = array<i32>} : memref<256xi32, #tpu.memory_space<vmem>>, vector<16xi32>,
        tpu.vector_store %arg8[%swap3A_448], %shift_right_logical3A_447 {strides = array<i32>} : memref<256xi32, #tpu.memory_space<vmem>>, vector<16xi32>,
        %get3A_450 = arith.constant 0 : i32
        %get3A_451 = arith.index_cast %get3A_450 : i32 to index
        %get3A_452 = arith.constant 112 : index
        %get3A_453 = tpu.vector_load %arg6[%get3A_451, %get3A_452] {strides = array<i32>} : memref<2x128xi32, #tpu.memory_space<vmem>>, vector<16xi32>,
        %shift_right_logical3A_454 = arith.constant 2 : i32
        %shift_right_logical3A_455 = vector.broadcast %shift_right_logical3A_454 : i32 to vector<16xi32>
        %shift_right_logical3A_456 = arith.shrui %get3A_453, %shift_right_logical3A_455 : vector<16xi32>
        %swap3A_457 = arith.constant 112 : index
        %swap3A_458 = tpu.vector_load %arg8[%swap3A_457] {strides = array<i32>} : memref<256xi32, #tpu.memory_space<vmem>>, vector<16xi32>,
        tpu.vector_store %arg8[%swap3A_457], %shift_right_logical3A_456 {strides = array<i32>} : memref<256xi32, #tpu.memory_space<vmem>>, vector<16xi32>,
        %get3A_459 = arith.constant 1 : i32
        %get3A_460 = arith.index_cast %get3A_459 : i32 to index
        %get3A_461 = arith.constant 0 : index
        %get3A_462 = tpu.vector_load %arg6[%get3A_460, %get3A_461] {strides = array<i32>} : memref<2x128xi32, #tpu.memory_space<vmem>>, vector<16xi32>,
        %shift_right_logical3A_463 = arith.constant 2 : i32
        %shift_right_logical3A_464 = vector.broadcast %shift_right_logical3A_463 : i32 to vector<16xi32>
        %shift_right_logical3A_465 = arith.shrui %get3A_462, %shift_right_logical3A_464 : vector<16xi32>
        %swap3A_466 = arith.constant 128 : index
        %swap3A_467 = tpu.vector_load %arg8[%swap3A_466] {strides = array<i32>} : memref<256xi32, #tpu.memory_space<vmem>>, vector<16xi32>,
        tpu.vector_store %arg8[%swap3A_466], %shift_right_logical3A_465 {strides = array<i32>} : memref<256xi32, #tpu.memory_space<vmem>>, vector<16xi32>,
        %get3A_468 = arith.constant 1 : i32
        %get3A_469 = arith.index_cast %get3A_468 : i32 to index
        %get3A_470 = arith.constant 16 : index
        %get3A_471 = tpu.vector_load %arg6[%get3A_469, %get3A_470] {strides = array<i32>} : memref<2x128xi32, #tpu.memory_space<vmem>>, vector<16xi32>,
        %shift_right_logical3A_472 = arith.constant 2 : i32
        %shift_right_logical3A_473 = vector.broadcast %shift_right_logical3A_472 : i32 to vector<16xi32>
        %shift_right_logical3A_474 = arith.shrui %get3A_471, %shift_right_logical3A_473 : vector<16xi32>
        %swap3A_475 = arith.constant 144 : index
        %swap3A_476 = tpu.vector_load %arg8[%swap3A_475] {strides = array<i32>} : memref<256xi32, #tpu.memory_space<vmem>>, vector<16xi32>,
        tpu.vector_store %arg8[%swap3A_475], %shift_right_logical3A_474 {strides = array<i32>} : memref<256xi32, #tpu.memory_space<vmem>>, vector<16xi32>,
        %get3A_477 = arith.constant 1 : i32
        %get3A_478 = arith.index_cast %get3A_477 : i32 to index
        %get3A_479 = arith.constant 32 : index
        %get3A_480 = tpu.vector_load %arg6[%get3A_478, %get3A_479] {strides = array<i32>} : memref<2x128xi32, #tpu.memory_space<vmem>>, vector<16xi32>,
        %shift_right_logical3A_481 = arith.constant 2 : i32
        %shift_right_logical3A_482 = vector.broadcast %shift_right_logical3A_481 : i32 to vector<16xi32>
        %shift_right_logical3A_483 = arith.shrui %get3A_480, %shift_right_logical3A_482 : vector<16xi32>
        %swap3A_484 = arith.constant 160 : index
        %swap3A_485 = tpu.vector_load %arg8[%swap3A_484] {strides = array<i32>} : memref<256xi32, #tpu.memory_space<vmem>>, vector<16xi32>,
        tpu.vector_store %arg8[%swap3A_484], %shift_right_logical3A_483 {strides = array<i32>} : memref<256xi32, #tpu.memory_space<vmem>>, vector<16xi32>,
        %get3A_486 = arith.constant 1 : i32
        %get3A_487 = arith.index_cast %get3A_486 : i32 to index
        %get3A_488 = arith.constant 48 : index
        %get3A_489 = tpu.vector_load %arg6[%get3A_487, %get3A_488] {strides = array<i32>} : memref<2x128xi32, #tpu.memory_space<vmem>>, vector<16xi32>,
        %shift_right_logical3A_490 = arith.constant 2 : i32
        %shift_right_logical3A_491 = vector.broadcast %shift_right_logical3A_490 : i32 to vector<16xi32>
        %shift_right_logical3A_492 = arith.shrui %get3A_489, %shift_right_logical3A_491 : vector<16xi32>
        %swap3A_493 = arith.constant 176 : index
        %swap3A_494 = tpu.vector_load %arg8[%swap3A_493] {strides = array<i32>} : memref<256xi32, #tpu.memory_space<vmem>>, vector<16xi32>,
        tpu.vector_store %arg8[%swap3A_493], %shift_right_logical3A_492 {strides = array<i32>} : memref<256xi32, #tpu.memory_space<vmem>>, vector<16xi32>,
        %get3A_495 = arith.constant 1 : i32
        %get3A_496 = arith.index_cast %get3A_495 : i32 to index
        %get3A_497 = arith.constant 64 : index
        %get3A_498 = tpu.vector_load %arg6[%get3A_496, %get3A_497] {strides = array<i32>} : memref<2x128xi32, #tpu.memory_space<vmem>>, vector<16xi32>,
        %shift_right_logical3A_499 = arith.constant 2 : i32
        %shift_right_logical3A_500 = vector.broadcast %shift_right_logical3A_499 : i32 to vector<16xi32>
        %shift_right_logical3A_501 = arith.shrui %get3A_498, %shift_right_logical3A_500 : vector<16xi32>
        %swap3A_502 = arith.constant 192 : index
        %swap3A_503 = tpu.vector_load %arg8[%swap3A_502] {strides = array<i32>} : memref<256xi32, #tpu.memory_space<vmem>>, vector<16xi32>,
        tpu.vector_store %arg8[%swap3A_502], %shift_right_logical3A_501 {strides = array<i32>} : memref<256xi32, #tpu.memory_space<vmem>>, vector<16xi32>,
        %get3A_504 = arith.constant 1 : i32
        %get3A_505 = arith.index_cast %get3A_504 : i32 to index
        %get3A_506 = arith.constant 80 : index
        %get3A_507 = tpu.vector_load %arg6[%get3A_505, %get3A_506] {strides = array<i32>} : memref<2x128xi32, #tpu.memory_space<vmem>>, vector<16xi32>,
        %shift_right_logical3A_508 = arith.constant 2 : i32
        %shift_right_logical3A_509 = vector.broadcast %shift_right_logical3A_508 : i32 to vector<16xi32>
        %shift_right_logical3A_510 = arith.shrui %get3A_507, %shift_right_logical3A_509 : vector<16xi32>
        %swap3A_511 = arith.constant 208 : index
        %swap3A_512 = tpu.vector_load %arg8[%swap3A_511] {strides = array<i32>} : memref<256xi32, #tpu.memory_space<vmem>>, vector<16xi32>,
        tpu.vector_store %arg8[%swap3A_511], %shift_right_logical3A_510 {strides = array<i32>} : memref<256xi32, #tpu.memory_space<vmem>>, vector<16xi32>,
        %get3A_513 = arith.constant 1 : i32
        %get3A_514 = arith.index_cast %get3A_513 : i32 to index
        %get3A_515 = arith.constant 96 : index
        %get3A_516 = tpu.vector_load %arg6[%get3A_514, %get3A_515] {strides = array<i32>} : memref<2x128xi32, #tpu.memory_space<vmem>>, vector<16xi32>,
        %shift_right_logical3A_517 = arith.constant 2 : i32
        %shift_right_logical3A_518 = vector.broadcast %shift_right_logical3A_517 : i32 to vector<16xi32>
        %shift_right_logical3A_519 = arith.shrui %get3A_516, %shift_right_logical3A_518 : vector<16xi32>
        %swap3A_520 = arith.constant 224 : index
        %swap3A_521 = tpu.vector_load %arg8[%swap3A_520] {strides = array<i32>} : memref<256xi32, #tpu.memory_space<vmem>>, vector<16xi32>,
        tpu.vector_store %arg8[%swap3A_520], %shift_right_logical3A_519 {strides = array<i32>} : memref<256xi32, #tpu.memory_space<vmem>>, vector<16xi32>,
        %get3A_522 = arith.constant 1 : i32
        %get3A_523 = arith.index_cast %get3A_522 : i32 to index
        %get3A_524 = arith.constant 112 : index
        %get3A_525 = tpu.vector_load %arg6[%get3A_523, %get3A_524] {strides = array<i32>} : memref<2x128xi32, #tpu.memory_space<vmem>>, vector<16xi32>,
        %shift_right_logical3A_526 = arith.constant 2 : i32
        %shift_right_logical3A_527 = vector.broadcast %shift_right_logical3A_526 : i32 to vector<16xi32>
        %shift_right_logical3A_528 = arith.shrui %get3A_525, %shift_right_logical3A_527 : vector<16xi32>
        %swap3A_529 = arith.constant 240 : index
        %swap3A_530 = tpu.vector_load %arg8[%swap3A_529] {strides = array<i32>} : memref<256xi32, #tpu.memory_space<vmem>>, vector<16xi32>,
        tpu.vector_store %arg8[%swap3A_529], %shift_right_logical3A_528 {strides = array<i32>} : memref<256xi32, #tpu.memory_space<vmem>>, vector<16xi32>,
        %dma_start3A_531 = arith.constant 0 : i32
        %dma_start3A_532 = arith.constant 0 : i32
        %dma_start3A_533 = tpu.memref_slice %arg3[%dma_start3A_531, %dma_start3A_532] : memref<250000x128xf32, #tpu.memory_space<hbm>> -> memref<250000x128xf32, #tpu.memory_space<hbm>>
        tpu.enqueue_indirect_dma source(%dma_start3A_533 : memref<250000x128xf32, #tpu.memory_space<hbm>>) target(%arg10 : memref<256x128xf32, #tpu.memory_space<vmem>>) offsets(%arg8 : memref<256xi32, #tpu.memory_space<vmem>>) semaphore(%arg15 : memref<!tpu.dma_semaphore, #tpu.memory_space<semaphore_mem>>)
      } else {
      }
      %mul3A_377 = arith.constant 2 : i32
      %mul3A_378 = arith.muli %add3A_348, %mul3A_377 : i32
      %dma_start3A_379 = arith.constant 0 : i32
      %dma_start3A_380 = tpu.memref_slice %arg4[%mul3A_378, %dma_start3A_379, %mul3A_2] : memref<200x32x4096xf32, #tpu.memory_space<hbm>> -> memref<2x32x128xf32, #tpu.memory_space<hbm>>
      %dma_start3A_381 = arith.constant 0 : i32
      %dma_start3A_382 = tpu.memref_slice %arg4[%mul3A_378, %dma_start3A_381, %mul3A_2] : memref<200x32x4096xf32, #tpu.memory_space<hbm>> -> memref<2x32x128xf32, #tpu.memory_space<hbm>>
      tpu.enqueue_dma source(%arg13 : memref<2x32x128xf32, #tpu.memory_space<vmem>>) target(%dma_start3A_382 : memref<2x32x128xf32, #tpu.memory_space<hbm>>) target_semaphore(%arg17 : memref<!tpu.dma_semaphore, #tpu.memory_space<semaphore_mem>>)
    }
    %scan3A_299 = arith.constant 50 : i32
    %dma_wait3A = arith.constant 0 : i32
    %dma_wait3A_300 = arith.constant 0 : i32
    %dma_wait3A_301 = tpu.memref_slice %arg4[%dma_wait3A, %dma_wait3A_300, %mul3A_2] : memref<200x32x4096xf32, #tpu.memory_space<hbm>> -> memref<2x32x128xf32, #tpu.memory_space<hbm>>
    %dma_wait3A_302 = arith.constant 0 : i32
    %dma_wait3A_303 = arith.constant 0 : i32
    %dma_wait3A_304 = tpu.memref_slice %arg4[%dma_wait3A_302, %dma_wait3A_303, %mul3A_2] : memref<200x32x4096xf32, #tpu.memory_space<hbm>> -> memref<2x32x128xf32, #tpu.memory_space<hbm>>
    tpu.wait_dma2 semaphore(%arg16 : memref<!tpu.dma_semaphore, #tpu.memory_space<semaphore_mem>>) src(%arg12 : memref<2x32x128xf32, #tpu.memory_space<vmem>>) dst(%dma_wait3A_304 : memref<2x32x128xf32, #tpu.memory_space<hbm>>)
    %dma_wait3A_305 = arith.constant 0 : i32
    %dma_wait3A_306 = arith.constant 0 : i32
    %dma_wait3A_307 = tpu.memref_slice %arg4[%dma_wait3A_305, %dma_wait3A_306, %mul3A_2] : memref<200x32x4096xf32, #tpu.memory_space<hbm>> -> memref<2x32x128xf32, #tpu.memory_space<hbm>>
    %dma_wait3A_308 = arith.constant 0 : i32
    %dma_wait3A_309 = arith.constant 0 : i32
    %dma_wait3A_310 = tpu.memref_slice %arg4[%dma_wait3A_308, %dma_wait3A_309, %mul3A_2] : memref<200x32x4096xf32, #tpu.memory_space<hbm>> -> memref<2x32x128xf32, #tpu.memory_space<hbm>>
    tpu.wait_dma2 semaphore(%arg17 : memref<!tpu.dma_semaphore, #tpu.memory_space<semaphore_mem>>) src(%arg13 : memref<2x32x128xf32, #tpu.memory_space<vmem>>) dst(%dma_wait3A_310 : memref<2x32x128xf32, #tpu.memory_space<hbm>>)
    return
  }
}

</mosaic_0001>

<sc_bundles>
// kernel: kernel.3.cloned.1.call-start
scs
__scs_entry_jumppad:
0x0: {  	(pc) =	sbr.rel $0x88, $3  }
0x1: {  	(tag) =	ssettag $0x0;
	lr =	simm.s32 $0x1  }
0x2: {  	[smem:$0x3F9F] =	sst lr;
	_ =	strace $0xD0000000  }
0x3: {  	_ = 	snop  }
0x4: {  	_ = 	snop  }
0x5: {  	_ = 	snop  }
0x6: {  	_ = 	snop  }
0x7: {  	_ = 	snop  }
__scs_overlays_trampoline_lowered:
0x8: {  	[smem:$0x3FAE] =	sst s0  }
0x9: {  	[smem:$0x3FAF] =	sst s1  }
0xa: {  	[smem:$0x3FB0] =	sst s2  }
0xb: {  	[smem:$0x3FB1] =	sst s3  }
0xc: {  	[smem:$0x3FB2] =	sst s4  }
0xd: {  	[smem:$0x3FB3] =	sst s5  }
0xe: {  	[smem:$0x3FB4] =	sst s6  }
0xf: {  	[smem:$0x3FB5] =	sst s7  }
0x10: {  	[smem:$0x3FB6] =	sst s8  }
0x11: {  	[smem:$0x3FB7] =	sst s9;
	s0 =	simm.s32 @!p0 $0x0  }
0x12: {  	s1 =	sld [smem:$0x3F9D];
	s0 =	simm.s32 @p0 $0x1  }
0x13: {  	[smem:$0x3FB8] =	sst s0;
	s0 =	simm.s32 @!p1 $0x0  }
0x14: {  	s2 =	sld [smem:$0x3F9C];
	s0 =	simm.s32 @p1 $0x1  }
0x15: {  	[smem:$0x3FB9] =	sst s0;
	s0 =	simm.s32 @!p2 $0x0  }
0x16: {  	s3 =	sld [smem:$0x3FDB];
	s0 =	simm.s32 @p2 $0x1  }
0x17: {  	s4 =	simm.s32 $0x1BF5;
	[smem:$0x3FBB] =	sst s0  }
0x18: {  	s0 =	sld [smem:$0x3F9E];
	_ =	swait.ge [sflag:s4], $0x0  }
0x19: {  	s7 =	sld [smem:$0x3F9F]  }
0x1a: {  	s8 =	sadd.s32 $0xFFFFE003, lr  }
0x1b: {  	s9 =	sadd.s32 $0xFFFFFEF7, lr;
	s5 =	simm.s32 $0xFFFFFFFF;
	p2 =	slt.u32 s8, $0xFFFFF086  }
0x1c: {  	p1 =	slt.u32 s9, $0xF7A;
	s5 =	simm.s32 @!p2 $0x0  }
0x1d: {  	s5 =	simm.s32 @p1 $0x1;
	p0 =	seq.s32 s7, s2  }
0x1e: {  	s7 =	smul.u32 @!p0 $0xF7A, s2;
	p2 =	seq.s32 @!p0 s5, $0x0  }
0x1f: {  	s9 =	smul.u32 $0xF7A, s1;
	s8 =	simm.s32 @!p0 $0x1BF5;
	p2 =	por !p2, p0  }
0x20: {  	[sflag:s8] =	ssyncset.s32 @!p0 $0xFFFFF086;
	s6 =	sadd.s32 @!p0 s3, s7;
	s7 =	simm.s32 @!p0 $0x108  }
0x21: {  	s3 =	sadd.s32 s3, s9;
	s6 =	sadd.s32 @!p0 $0x88, s6;
	s7 =	simm.s32 @p2 $0x1082  }
0x22: {  	[simem:s7], [sflag:s8] =	dma.local @!p0 [hbm:s6], $0xF7A  }
0x23: {  	s9 =	sor.u32 $0xD0000000, s2;
	s6 =	simm.s32 $0x108;
	_ =	swait.ge @!p0 [sflag:s8], $0x0  }
0x24: {  	s3 =	sadd.s32 $0x88, s3;
	s6 =	simm.s32 @!p1 $0x1082;
	[sflag:s4] =	ssyncset.s32 $0xFFFFF086  }
0x25: {  	[simem:s6], [sflag:s4] =	dma.local [hbm:s3], $0xF7A  }
0x26: {  	[smem:$0x3F9F] =	sst s1;
	(tag) =	ssettag s2;
	_ =	strace s9  }
0x27: {  	s1 =	sld [smem:$0x3FAF]  }
0x28: {  	s2 =	sld [smem:$0x3FB0]  }
0x29: {  	s4 =	sld [smem:$0x3FB2]  }
0x2a: {  	p0 =	seq.s32 s5, $0x0;
	s5 =	sld [smem:$0x3FB3]  }
0x2b: {  	s6 =	sld [smem:$0x3FB4]  }
0x2c: {  	s7 =	sld [smem:$0x3FB5]  }
0x2d: {  	s3 =	simm.s32 $0x108;
	s8 =	sld [smem:$0x3FB6]  }
0x2e: {  	s3 =	simm.s32 @!p0 $0x1082;
	s9 =	sld [smem:$0x3FB7]  }
0x2f: {  	lr =	sadd.s32 s0, s3;
	s0 =	sld [smem:$0x3FAE]  }
0x30: {  	s3 =	sld [smem:$0x3FB1]  }
0x31: {  	[smem:$0x3FBA] =	sst s10  }
0x32: {  	s10 =	sld [smem:$0x3FB8];
	_ =	sdelay $0x3  }
0x33: {  	p0 =	seq.s32 s10, $0x1;
	s10 =	sld [smem:$0x3FBA];
	_ =	sdelay $0x3  }
0x34: {  	[smem:$0x3FBA] =	sst s10  }
0x35: {  	s10 =	sld [smem:$0x3FB9];
	_ =	sdelay $0x3  }
0x36: {  	p1 =	seq.s32 s10, $0x1;
	s10 =	sld [smem:$0x3FBA];
	_ =	sdelay $0x3  }
0x37: {  	[smem:$0x3FBA] =	sst s10  }
0x38: {  	s10 =	sld [smem:$0x3FBB]  }
0x39: {  	_ = 	snop;
	(pc) =	sbr.ind lr, $3  }
0x3a: {  	_ = 	snop  }
0x3b: {  	_ = 	snop  }
0x3c: {  	p2 =	seq.s32 s10, $0x1;
	s10 =	sld [smem:$0x3FBA]  }
0x3d: {  	_ =	shalt  }
0x3e: {  	_ =	shalt  }
0x3f: {  	_ =	shalt  }
0x40: {  	_ =	shalt  }
0x41: {  	_ =	shalt  }
0x42: {  	_ =	shalt  }
0x43: {  	_ =	shalt  }
0x44: {  	_ =	shalt  }
0x45: {  	_ =	shalt  }
0x46: {  	_ =	shalt  }
0x47: {  	_ =	shalt  }
0x48: {  	_ =	shalt  }
0x49: {  	_ =	shalt  }
0x4a: {  	_ =	shalt  }
0x4b: {  	_ =	shalt  }
0x4c: {  	_ =	shalt  }
0x4d: {  	_ =	shalt  }
0x4e: {  	_ =	shalt  }
0x4f: {  	_ =	shalt  }
0x50: {  	_ =	shalt  }
0x51: {  	_ =	shalt  }
0x52: {  	_ =	shalt  }
0x53: {  	_ =	shalt  }
0x54: {  	_ =	shalt  }
0x55: {  	_ =	shalt  }
0x56: {  	_ =	shalt  }
0x57: {  	_ =	shalt  }
0x58: {  	_ =	shalt  }
0x59: {  	_ =	shalt  }
0x5a: {  	_ =	shalt  }
0x5b: {  	_ =	shalt  }
0x5c: {  	_ =	shalt  }
0x5d: {  	_ =	shalt  }
0x5e: {  	_ =	shalt  }
0x5f: {  	_ =	shalt  }
0x60: {  	_ =	shalt  }
0x61: {  	_ =	shalt  }
0x62: {  	_ =	shalt  }
0x63: {  	_ =	shalt  }
0x64: {  	_ =	shalt  }
0x65: {  	_ =	shalt  }
0x66: {  	_ =	shalt  }
0x67: {  	_ =	shalt  }
0x68: {  	_ =	shalt  }
0x69: {  	_ =	shalt  }
0x6a: {  	_ =	shalt  }
0x6b: {  	_ =	shalt  }
0x6c: {  	_ =	shalt  }
0x6d: {  	_ =	shalt  }
0x6e: {  	_ =	shalt  }
0x6f: {  	_ =	shalt  }
0x70: {  	_ =	shalt  }
0x71: {  	_ =	shalt  }
0x72: {  	_ =	shalt  }
0x73: {  	_ =	shalt  }
0x74: {  	_ =	shalt  }
0x75: {  	_ =	shalt  }
0x76: {  	_ =	shalt  }
0x77: {  	_ =	shalt  }
0x78: {  	_ =	shalt  }
0x79: {  	_ =	shalt  }
0x7a: {  	_ =	shalt  }
0x7b: {  	_ =	shalt  }
0x7c: {  	_ =	shalt  }
0x7d: {  	_ =	shalt  }
0x7e: {  	_ =	shalt  }
0x7f: {  	_ =	shalt  }
0x80: {  	_ =	shalt  }
0x81: {  	_ =	shalt  }
0x82: {  	_ =	shalt  }
0x83: {  	_ =	shalt  }
0x84: {  	_ =	shalt  }
0x85: {  	_ =	shalt  }
0x86: {  	_ =	shalt  }
0x87: {  	_ =	shalt  }
.Lfunc_end0:
.L_simem_size_0:
called_computation_lowered:
.L_overlay_start_0:
0x88: {  	s2 =	sld [smem:$0x3FD9]  }
0x89: {  	s3 =	sld [smem:$0x3FFE];
	_ =	sdelay $0x1  }
0x8a: {  	s1 =	srdreg.scid  }
0x8b: {  	s0 =	sand.u32 $0x1, s1  }
0x8c: {  	s17 =	sshll.u32 s0, $0xA;
	s2 =	sadd.s32 s3, s2  }
0x8d: {  	s2 =	sadd.s32 s2, s17  }
0x8e: {  	[smem:$0x3FC6] =	sst s2  }
0x8f: {  	_ = 	snop  }
0x90: {  	s2 =	sld [smem:$0x3FC9]  }
0x91: {  	s18 =	sld [smem:$0x3FD0];
	(tm) =	ssettm $0x1  }
0x92: {  	s4 =	sld [smem:$0x3FFB];
	_ =	sdelay $0x3  }
0x93: {  	_ =	strace s4  }
0x94: {  	s4 =	sld [smem:$0x3FFC];
	_ =	sdelay $0x3  }
0x95: {  	_ =	strace s4  }
0x96: {  	s4 =	sld [smem:$0x3FFD];
	_ =	sdelay $0x3  }
0x97: {  	_ =	strace s4  }
0x98: {  	_ =	strace $0x8FFFFFFF  }
0x99: {  	s19 =	sld [smem:$0x3FDB];
	_ =	sdelay $0x1  }
0x9a: {  	s5 =	simm.s32 $_scs_section_size  }
0x9b: {  	s6 =	simm.s32 $_size__tile_overlayer_lowered;
	s7 =	simm.s32 $_tile_overlayer_lowered  }
0x9c: {  	s22 =	simm.s32 $0x1BFF;
	s21 =	sshll.u32 s7, $0x1;
	s4 =	sadd.s32 s5, s19  }
0x9d: {  	s8 =	simm.s32 $0x0;
	s20 =	sshll.u32 s6, $0x1;
	s6 =	sadd.s32 s21, s4  }
0x9e: {  	[timem:s8], [sflag:s22] =	dma.local [hbm:s6], s20  }
0x9f: {  	_ =	swait.ge [sflag:s22], s20  }
0xa0: {  	s5 =	ssub.s32 $0x0, s20;
	[sflag:s22] =	ssyncset.done $0x0  }
0xa1: {  	[sflag:s22] =	ssyncadd.s32 s5;
	_ =	sdelay $0x1  }
0xa2: {  	s23 =	simm.s32 $0x1B8B  }
0xa3: {  	_ =	swait.ge [sflag:s23], $0x1  }
0xa4: {  	[sflag:s23] =	ssyncset.done $0x0  }
0xa5: {  	s25 =	simm.s32 $0x1B8E;
	s24 =	sld [smem:$0x3FFE];
	[sflag:s23] =	ssyncadd.s32 $0xFFFFFFFF  }
0xa6: {  	s26 =	simm.s32 $execute0_lowered;
	[smem:$0x3FD2] =	sst s25  }
0xa7: {  	s6 =	sshll.u32 s26, $0x1;
	_ =	strace $0x80000046;
	[dreg:$0x1] =	wrdreg $0xFFFFFFFF  }
0xa8: {  	s28 =	simm.s32 $_size_execute0_lowered;
	s4 =	sadd.s32 s4, s6;
	[dreg:$0x0] =	wrdreg $0x0  }
0xa9: {  	s6 =	sshll.u32 s28, $0x1;
	[dreg:$0x2] =	wrdreg s4  }
0xaa: {  	[dreg:$0x3] =	wrdreg s6  }
0xab: {  	[dreg:$0x4] =	wrdreg $0xC0  }
0xac: {  	_ =	task [dreg:s8], $0x5FFFF  }
0xad: {  	[dreg:$0x1] =	wrdreg $0xFFFFFFFF  }
0xae: {  	[dreg:$0x0] =	wrdreg $0x60  }
0xaf: {  	[dreg:$0x2] =	wrdreg s2  }
0xb0: {  	[dreg:$0x3] =	wrdreg s24  }
0xb1: {  	[dreg:$0x4] =	wrdreg s18  }
0xb2: {  	[dreg:$0x5] =	wrdreg $0x9  }
0xb3: {  	_ =	task.clear_ibuf [dreg:s8], $0x6FFFF;
	_ =	strace $0x90000046  }
0xb4: {  	s29 =	simm.s32 $0x9;
	_ =	strace $0x80000048  }
0xb5: {  	_ =	swait.ge [sflag:s29], $0x1  }
0xb6: {  	[sflag:s29] =	ssyncadd.s32 $0xFFFFFFFF  }
0xb7: {  	_ =	strace $0x90000048  }
0xb8: {  	_ =	sfence  }
0xb9: {  	s30 =	sld [smem:$0x0];
	_ =	sdelay $0x2  }
0xba: {  	s31 =	sshll.u32 s1, $0xD;
	s1 =	sshrl.u32 s1, $0x2  }
0xbb: {  	s3 =	sand.u32 $0x4000, s31;
	s1 =	sadd.s32 s1, s30  }
0xbc: {  	s0 =	sor.u32 s3, s0;
	s1 =	sshll.u32 s1, $0x11  }
0xbd: {  	s0 =	sor.u32 s1, s0  }
0xbe: {  	s0 =	sadd.s32 $0x8F2B, s0  }
0xbf: {  	[sflag:s0] =	ssyncadd.remote.s32 $0x1  }
0xc0: {  	_ =	sfence.sel $0xFFFF  }
0xc1: {  	[dreg:$0x0] =	wrdreg $0xFFFFFFFF;
	(pc) =	sbr.abs _section_cstart, $3  }
0xc2: {  	[dreg:$0x1] =	wrdreg $0xFFFFFFFF  }
0xc3: {  	_ =	task.clear_ibuf [dreg:s8], $0x2FFFF;
	_ =	strace $0x9FFFFFFF  }
0xc4: {  	(tm) =	ssettm $0x7FFFFFFF  }
0xc5: {  	_ =	shalt  }
tec
execute0_lowered:
.L_overlay_start_1:
0x0: {  	(tag) =	ssettag $0x1  }
0x1: {  	s1 =	rddreg [dreg:$0x0]  }
0x2: {  	s0 =	rddreg [dreg:$0x1]  }
0x3: {  	s3 =	rddreg [dreg:$0x2];
	s2 =	srdreg.scid  }
0x4: {  	s5 =	stileid.u32;
	s4 =	simm.s32 $0x0;
	s11 =	simm.s32 $0x5  }
0x5: {  	s12 =	simm.s32 $0x100;
	s13 =	simm.s32 $0x200;
	s14 =	simm.s32 $0x400  }
0x6: {  	s15 =	simm.s32 $0x300;
	s16 =	simm.s32 $0x8400;
	s17 =	simm.s32 $0x1  }
0x7: {  	s18 =	simm.s32 $0x10400;
	s19 =	simm.s32 $0x8000;
	s20 =	simm.s32 $0x18500  }
0x8: {  	s21 =	simm.s32 $0x2;
	s22 =	simm.s32 $0x1A500;
	s2 =	sand.u32 $0x1, s2  }
0x9: {  	s23 =	simm.s32 $0x3;
	s5 =	sshll.u32 s5, $0xB;
	s6 =	sshll.u32 s2, $0xA  }
0xa: {  	[smem:$0x7FF] =	sst s4;
	s2 =	ssub.s32 $0x2, s2;
	s5 =	sor.u32 s6, s5  }
.Ltmp0:
0xb: {  	s7 =	sshrl.u32 s2, $0x1;
	s8 =	sshrl.u32 s5, $0x3;
	(pc) =	sbr.rel .LBB2_1-.Ltmp0, $4  }
0xc: {  	v0 =	vlaneseq.u32;
	_ =	strace $0x80000047;
	s30 =	ssub.s32 s2, s7;
	s31 =	sadd.s32 s1, s8  }
0xd: {  	v0 =	vmul.u32 $0x81, v0;
	s6 =	sadd.s32 $0xF42800, s0;
	s0 =	smax.u32 s30, $0x1;
	[dreg:$0x4] =	wrdreg s31  }
0xe: {  	s24 =	simm.s32 $0x4;
	s2 =	sadd.s32 $0x20, s31;
	[dreg:$0x6] =	wrdreg s0  }
0xf: {  	s25 =	simm.s32 $0x0;
	s9 =	sadd.s32 $0x8000, s3;
	v1 =	vadd.s32 $0x5, v0;
	[dreg:$0x5] =	wrdreg s2  }
.LBB2_19:
0x10: {  	_ =	swait.ge [sflag:s23], $0x2000  }
0x11: {  	[sflag:s23] =	ssyncset.done $0x0  }
0x12: {  	[sflag:s23] =	ssyncadd.s32 $0xFFFFE000  }
0x13: {  	_ =	swait.ge [sflag:s24], $0x2000  }
0x14: {  	s25 =	sadd.s32 $0x1, s25;
	s0 =	rddreg [dreg:$0x6]  }
0x15: {  	p0 =	sne.s32 s25, s0  }
.Ltmp1:
0x16: {  	_ = 	snop;
	(pc) =	sbr.rel @!p0 .LBB2_20-.Ltmp1, $3  }
0x17: {  	_ =	sdelay $0x1  }
0x18: {  	[sflag:s24] =	ssyncset.done $0x0  }
0x19: {  	[sflag:s24] =	ssyncadd.s32 $0xFFFFE000  }
.LBB2_1:
0x1a: {  	s0 =	rddreg [dreg:$0x4]  }
0x1b: {  	[tilespmem:s4], [sflag:$0x5] =	stream.linear.gather [hbm4b:s0+s4], $0x100, $0x38;
	[tilespmem:$0x1C500] =	vst v63  }
0x1c: {  	_ =	swait.ge [sflag:s11], $0x100  }
0x1d: {  	[sflag:s11] =	ssyncset.done $0x0  }
0x1e: {  	[sflag:s11] =	ssyncadd.s32 $0xFFFFFF00  }
0x1f: {  	v2 =	vld [tilespmem:$0x0]  }
0x20: {  	v3 =	vld [tilespmem:$0x10]  }
0x21: {  	v4 =	vld [tilespmem:$0x20]  }
0x22: {  	v5 =	vld [tilespmem:$0x30]  }
0x23: {  	v6 =	vld [tilespmem:$0x40]  }
0x24: {  	v7 =	vld [tilespmem:$0x50];
	v2 =	vshrl.u32 v2, $0x2  }
0x25: {  	[tilespmem:$0x200] =	vst v2;
	v2 =	vshrl.u32 v3, $0x2;
	v3 =	vld [tilespmem:$0x60]  }
0x26: {  	v44 =	vld [tilespmem:$0x70];
	[tilespmem:$0x210] =	vst v2;
	v2 =	vshrl.u32 v4, $0x2  }
0x27: {  	v45 =	vld [tilespmem:$0x80];
	[tilespmem:$0x220] =	vst v2;
	v2 =	vshrl.u32 v5, $0x2  }
0x28: {  	v46 =	vld [tilespmem:$0x90];
	[tilespmem:$0x230] =	vst v2;
	v2 =	vshrl.u32 v6, $0x2  }
0x29: {  	v47 =	vld [tilespmem:$0xA0];
	[tilespmem:$0x240] =	vst v2;
	v2 =	vshrl.u32 v7, $0x2  }
0x2a: {  	[tilespmem:$0x250] =	vst v2;
	v2 =	vshrl.u32 v3, $0x2;
	v3 =	vld [tilespmem:$0xB0]  }
0x2b: {  	v48 =	vld [tilespmem:$0xC0];
	[tilespmem:$0x260] =	vst v2;
	v2 =	vshrl.u32 v44, $0x2  }
0x2c: {  	v49 =	vld [tilespmem:$0xD0];
	[tilespmem:$0x270] =	vst v2;
	v2 =	vshrl.u32 v45, $0x2  }
0x2d: {  	v50 =	vld [tilespmem:$0xE0];
	[tilespmem:$0x280] =	vst v2;
	v2 =	vshrl.u32 v46, $0x2  }
0x2e: {  	v51 =	vld [tilespmem:$0xF0];
	[tilespmem:$0x290] =	vst v2;
	v2 =	vshrl.u32 v47, $0x2  }
0x2f: {  	[tilespmem:$0x2A0] =	vst v2;
	v2 =	vshrl.u32 v3, $0x2  }
0x30: {  	[tilespmem:$0x2B0] =	vst v2;
	v2 =	vshrl.u32 v48, $0x2  }
0x31: {  	[tilespmem:$0x2C0] =	vst v2;
	v2 =	vshrl.u32 v49, $0x2  }
0x32: {  	[tilespmem:$0x2D0] =	vst v2;
	v2 =	vshrl.u32 v50, $0x2  }
0x33: {  	[tilespmem:$0x2E0] =	vst v2;
	v2 =	vshrl.u32 v51, $0x2  }
0x34: {  	[tilespmem:$0x2F0] =	vst v2  }
0x35: {  	[tilespmem:s14], [sflag:$0x1] =	stream.indirect.gather [hbm4b:s6+s12], $0x80, s13, s12, $0xb8;
	[tilespmem:$0x1C500] =	vst v63  }
0x36: {  	s31 =	rddreg [dreg:$0x5]  }
0x37: {  	[tilespmem:s12], [sflag:$0x5] =	stream.linear.gather [hbm4b:s31+s4], $0x100, $0x38;
	[tilespmem:$0x1C500] =	vst v63  }
0x38: {  	_ =	swait.ge [sflag:s11], $0x100  }
0x39: {  	[sflag:s11] =	ssyncset.done $0x0  }
0x3a: {  	[sflag:s11] =	ssyncadd.s32 $0xFFFFFF00  }
0x3b: {  	v2 =	vld [tilespmem:$0x100]  }
0x3c: {  	v3 =	vld [tilespmem:$0x110]  }
0x3d: {  	v52 =	vld [tilespmem:$0x120]  }
0x3e: {  	v53 =	vld [tilespmem:$0x130]  }
0x3f: {  	v54 =	vld [tilespmem:$0x140]  }
0x40: {  	v55 =	vld [tilespmem:$0x150];
	v2 =	vshrl.u32 v2, $0x2  }
0x41: {  	[tilespmem:$0x300] =	vst v2;
	v2 =	vshrl.u32 v3, $0x2;
	v3 =	vld [tilespmem:$0x160]  }
0x42: {  	v56 =	vld [tilespmem:$0x170];
	[tilespmem:$0x310] =	vst v2;
	v2 =	vshrl.u32 v52, $0x2  }
0x43: {  	v57 =	vld [tilespmem:$0x180];
	[tilespmem:$0x320] =	vst v2;
	v2 =	vshrl.u32 v53, $0x2  }
0x44: {  	v58 =	vld [tilespmem:$0x190];
	[tilespmem:$0x330] =	vst v2;
	v2 =	vshrl.u32 v54, $0x2  }
0x45: {  	v59 =	vld [tilespmem:$0x1A0];
	[tilespmem:$0x340] =	vst v2;
	v2 =	vshrl.u32 v55, $0x2  }
0x46: {  	[tilespmem:$0x350] =	vst v2;
	v2 =	vshrl.u32 v3, $0x2;
	v3 =	vld [tilespmem:$0x1B0]  }
0x47: {  	v60 =	vld [tilespmem:$0x1C0];
	[tilespmem:$0x360] =	vst v2;
	v2 =	vshrl.u32 v56, $0x2  }
0x48: {  	v61 =	vld [tilespmem:$0x1D0];
	[tilespmem:$0x370] =	vst v2;
	v2 =	vshrl.u32 v57, $0x2  }
0x49: {  	v62 =	vld [tilespmem:$0x1E0];
	[tilespmem:$0x380] =	vst v2;
	v2 =	vshrl.u32 v58, $0x2  }
0x4a: {  	v63 =	vld [tilespmem:$0x1F0];
	[tilespmem:$0x390] =	vst v2;
	v2 =	vshrl.u32 v59, $0x2  }
0x4b: {  	[tilespmem:$0x3A0] =	vst v2;
	v2 =	vshrl.u32 v3, $0x2  }
0x4c: {  	[tilespmem:$0x3B0] =	vst v2;
	v2 =	vshrl.u32 v60, $0x2  }
.Ltmp2:
0x4d: {  	[tilespmem:$0x3C0] =	vst v2;
	v2 =	vshrl.u32 v61, $0x2;
	(pc) =	sbr.rel .LBB2_2-.Ltmp2, $4  }
0x4e: {  	[tilespmem:$0x3D0] =	vst v2;
	v2 =	vshrl.u32 v62, $0x2  }
0x4f: {  	[tilespmem:$0x3E0] =	vst v2;
	v2 =	vshrl.u32 v63, $0x2  }
0x50: {  	s26 =	simm.s32 $0x0;
	[tilespmem:$0x3F0] =	vst v2  }
0x51: {  	[tilespmem:s16], [sflag:$0x2] =	stream.indirect.gather [hbm4b:s6+s12], $0x80, s15, s12, $0xb8;
	[tilespmem:$0x1C500] =	vst v63  }
.LBB2_18:
0x52: {  	s26 =	sadd.s32 $0x1, s26  }
0x53: {  	p0 =	sne.s32 s26, $0x32  }
.Ltmp3:
0x54: {  	_ = 	snop;
	(pc) =	sbr.rel @!p0 .LBB2_19-.Ltmp3, $3  }
0x55: {  	_ =	sdelay $0x1  }
0x56: {  	s0 =	sadd.s32 s29, s9  }
0x57: {  	[hbm4b:s0+s14] =	stream.strided.scatter [tilespmem:s22], [sflag:$0x4], $0x2000, s19, s14, $0x38;
	[tilespmem:$0x1C500] =	vst v63  }
.LBB2_2:
0x58: {  	_ =	swait.ge [sflag:s17], $0x8000  }
0x59: {  	p0 =	seq.s32 s26, $0x0;
	[sflag:s17] =	ssyncset.done $0x0  }
0x5a: {  	s0 =	simm.s32 @!p0 $0x3;
	[sflag:s17] =	ssyncadd.s32 $0xFFFF8000  }
0x5b: {  	_ =	swait.ge @!p0 [sflag:s0], $0x2000  }
0x5c: {  	[sflag:s0] =	ssyncset.done @!p0 $0x0  }
0x5d: {  	s7 =	simm.s32 $0x480;
	[sflag:s0] =	ssyncadd.s32 @!p0 $0xFFFFE000  }
0x5e: {  	v2 =	vld [tilespmem:s7+$0x0]  }
0x5f: {  	v3 =	vld [tilespmem:s7+$0xFFFFFF80];
	_ =	sdelay $0x2  }
0x60: {  	s0 =	simm.s32 $0x10481  }
0x61: {  	[tilespmem:s0+$0x0] =	vst v2  }
0x62: {  	[tilespmem:s0+$0xFFFFFF7F] =	vst v3;
	v2 =	vld [tilespmem:s7+$0x10]  }
0x63: {  	v3 =	vld [tilespmem:s7+$0xFFFFFF90];
	_ =	sdelay $0x3  }
0x64: {  	[tilespmem:s0+$0x10] =	vst v2  }
0x65: {  	[tilespmem:s0+$0xFFFFFF8F] =	vst v3;
	v2 =	vld [tilespmem:s7+$0x20]  }
0x66: {  	v3 =	vld [tilespmem:s7+$0xFFFFFFA0];
	_ =	sdelay $0x1  }
0x67: {  	s30 =	simm.s32 $0x580  }
0x68: {  	v4 =	vld [tilespmem:s30+$0x0]  }
0x69: {  	v5 =	vld [tilespmem:s30+$0xFFFFFF80];
	[tilespmem:s0+$0x20] =	vst v2  }
0x6a: {  	[tilespmem:s0+$0xFFFFFF9F] =	vst v3;
	v2 =	vld [tilespmem:s7+$0x30]  }
0x6b: {  	v3 =	vld [tilespmem:s7+$0xFFFFFFB0]  }
0x6c: {  	s29 =	simm.s32 $0x10583  }
0x6d: {  	[tilespmem:s29+$0x0] =	vst v4  }
0x6e: {  	[tilespmem:s29+$0xFFFFFF7F] =	vst v5;
	v4 =	vld [tilespmem:s30+$0x10]  }
0x6f: {  	v5 =	vld [tilespmem:s30+$0xFFFFFF90];
	[tilespmem:s0+$0x30] =	vst v2  }
0x70: {  	[tilespmem:s0+$0xFFFFFFAF] =	vst v3;
	v2 =	vld [tilespmem:s7+$0x40]  }
0x71: {  	v3 =	vld [tilespmem:s7+$0xFFFFFFC0];
	_ =	sdelay $0x1  }
0x72: {  	[tilespmem:s29+$0x10] =	vst v4  }
0x73: {  	[tilespmem:s29+$0xFFFFFF8F] =	vst v5;
	v4 =	vld [tilespmem:s30+$0x20]  }
0x74: {  	v5 =	vld [tilespmem:s30+$0xFFFFFFA0];
	[tilespmem:s0+$0x40] =	vst v2  }
0x75: {  	[tilespmem:s0+$0xFFFFFFBF] =	vst v3;
	v2 =	vld [tilespmem:s7+$0x50]  }
0x76: {  	s31 =	simm.s32 $0x680;
	v3 =	vld [tilespmem:s7+$0xFFFFFFD0]  }
0x77: {  	v6 =	vld [tilespmem:s31+$0x0]  }
0x78: {  	v7 =	vld [tilespmem:s31+$0xFFFFFF80];
	[tilespmem:s29+$0x20] =	vst v4  }
0x79: {  	[tilespmem:s29+$0xFFFFFF9F] =	vst v5;
	v4 =	vld [tilespmem:s30+$0x30]  }
0x7a: {  	v5 =	vld [tilespmem:s30+$0xFFFFFFB0];
	[tilespmem:s0+$0x50] =	vst v2  }
0x7b: {  	s2 =	simm.s32 $0x10685;
	[tilespmem:s0+$0xFFFFFFCF] =	vst v3;
	v2 =	vld [tilespmem:s7+$0x60]  }
0x7c: {  	[tilespmem:s2+$0x0] =	vst v6;
	v3 =	vld [tilespmem:s7+$0xFFFFFFE0]  }
0x7d: {  	[tilespmem:s2+$0xFFFFFF7F] =	vst v7;
	v6 =	vld [tilespmem:s31+$0x10]  }
0x7e: {  	v7 =	vld [tilespmem:s31+$0xFFFFFF90];
	[tilespmem:s29+$0x30] =	vst v4  }
0x7f: {  	[tilespmem:s29+$0xFFFFFFAF] =	vst v5;
	v4 =	vld [tilespmem:s30+$0x40]  }
0x80: {  	v8 =	vld [tilespmem:s30+$0xFFFFFFC0];
	[tilespmem:s0+$0x60] =	vst v2  }
0x81: {  	[tilespmem:s0+$0xFFFFFFDF] =	vst v3;
	v9 =	vld [tilespmem:s7+$0x70]  }
0x82: {  	[tilespmem:s2+$0x10] =	vst v6;
	v2 =	vld [tilespmem:s7+$0xFFFFFFF0]  }
0x83: {  	[tilespmem:s2+$0xFFFFFF8F] =	vst v7;
	v5 =	vld [tilespmem:s31+$0x20]  }
0x84: {  	v6 =	vld [tilespmem:s31+$0xFFFFFFA0];
	[tilespmem:s29+$0x40] =	vst v4  }
0x85: {  	[tilespmem:s29+$0xFFFFFFBF] =	vst v8;
	v3 =	vld [tilespmem:s30+$0x50]  }
0x86: {  	s28 =	sshll.u32 s26, $0x1;
	s8 =	simm.s32 $0x4;
	s10 =	simm.s32 $0x780;
	v4 =	vld [tilespmem:s30+$0xFFFFFFD0];
	[tilespmem:s0+$0x70] =	vst v9  }
.LBB2_3:
0x87: {  	v7 =	vld [tilespmem:s10+$0x0];
	s8 =	sadd.s32 $0x2, s8;
	[tilespmem:s0+$0xFFFFFFEF] =	vst v2;
	s0 =	smov.u32 s29;
	s29 =	smov.u32 s2  }
0x88: {  	v2 =	vld [tilespmem:s10+$0xFFFFFF80];
	p1 =	slt.u32 s8, $0xFE;
	[tilespmem:s2+$0x20] =	vst v5  }
0x89: {  	[tilespmem:s2+$0xFFFFFF9F] =	vst v6;
	v5 =	vld [tilespmem:s31+$0x30]  }
0x8a: {  	v6 =	vld [tilespmem:s31+$0xFFFFFFB0];
	[tilespmem:s0+$0x50] =	vst v3  }
0x8b: {  	s2 =	sadd.s32 $0x102, s2;
	[tilespmem:s0+$0xFFFFFFCF] =	vst v4;
	v3 =	vld [tilespmem:s30+$0x60]  }
0x8c: {  	[tilespmem:s2+$0x0] =	vst v7;
	v4 =	vld [tilespmem:s30+$0xFFFFFFE0]  }
0x8d: {  	[tilespmem:s2+$0xFFFFFF7F] =	vst v2;
	v2 =	vld [tilespmem:s10+$0x10]  }
0x8e: {  	v7 =	vld [tilespmem:s10+$0xFFFFFF90];
	[tilespmem:s29+$0x30] =	vst v5  }
0x8f: {  	[tilespmem:s29+$0xFFFFFFAF] =	vst v6;
	v8 =	vld [tilespmem:s31+$0x40]  }
0x90: {  	v9 =	vld [tilespmem:s31+$0xFFFFFFC0];
	[tilespmem:s0+$0x60] =	vst v3  }
0x91: {  	[tilespmem:s0+$0xFFFFFFDF] =	vst v4;
	v10 =	vld [tilespmem:s30+$0x70]  }
.Ltmp4:
0x92: {  	[tilespmem:s2+$0x10] =	vst v2;
	v2 =	vld [tilespmem:s30+$0xFFFFFFF0];
	s30 =	smov.u32 s31;
	s31 =	smov.u32 s10;
	(pc) =	sbr.rel @p1 .LBB2_3-.Ltmp4, $4  }
0x93: {  	[tilespmem:s2+$0xFFFFFF8F] =	vst v7;
	v5 =	vld [tilespmem:s10+$0x20]  }
0x94: {  	v6 =	vld [tilespmem:s10+$0xFFFFFFA0];
	[tilespmem:s29+$0x40] =	vst v8  }
0x95: {  	[tilespmem:s29+$0xFFFFFFBF] =	vst v9;
	v3 =	vld [tilespmem:s30+$0x50]  }
0x96: {  	s10 =	sadd.s32 $0x100, s10;
	v4 =	vld [tilespmem:s30+$0xFFFFFFD0];
	[tilespmem:s0+$0x70] =	vst v10  }
0x97: {  	_ = 	snop  }
0x98: {  	[tilespmem:s2+$0x20] =	vst v5  }
0x99: {  	[tilespmem:s2+$0xFFFFFF9F] =	vst v6;
	v5 =	vld [tilespmem:s31+$0x30]  }
0x9a: {  	v6 =	vld [tilespmem:s31+$0xFFFFFFB0];
	_ =	sdelay $0x3  }
0x9b: {  	[tilespmem:s2+$0x30] =	vst v5  }
0x9c: {  	[tilespmem:s2+$0xFFFFFFAF] =	vst v6;
	v5 =	vld [tilespmem:s31+$0x40]  }
0x9d: {  	v6 =	vld [tilespmem:s31+$0xFFFFFFC0];
	_ =	sdelay $0x3  }
0x9e: {  	[tilespmem:s2+$0x40] =	vst v5  }
0x9f: {  	[tilespmem:s2+$0xFFFFFFBF] =	vst v6;
	v5 =	vld [tilespmem:s31+$0x50]  }
0xa0: {  	v6 =	vld [tilespmem:s31+$0xFFFFFFD0];
	_ =	sdelay $0x1  }
0xa1: {  	[tilespmem:s29+$0x50] =	vst v3  }
0xa2: {  	[tilespmem:s29+$0xFFFFFFCF] =	vst v4;
	v3 =	vld [tilespmem:s30+$0x60]  }
0xa3: {  	v4 =	vld [tilespmem:s30+$0xFFFFFFE0];
	[tilespmem:s2+$0x50] =	vst v5  }
0xa4: {  	[tilespmem:s2+$0xFFFFFFCF] =	vst v6;
	v5 =	vld [tilespmem:s31+$0x60]  }
0xa5: {  	v6 =	vld [tilespmem:s31+$0xFFFFFFE0];
	_ =	sdelay $0x1  }
0xa6: {  	[tilespmem:s29+$0x60] =	vst v3  }
0xa7: {  	[tilespmem:s29+$0xFFFFFFDF] =	vst v4;
	v3 =	vld [tilespmem:s30+$0x70]  }
0xa8: {  	v4 =	vld [tilespmem:s30+$0xFFFFFFF0];
	[tilespmem:s2+$0x60] =	vst v5  }
0xa9: {  	[tilespmem:s2+$0xFFFFFFDF] =	vst v6;
	v5 =	vld [tilespmem:s31+$0x70]  }
0xaa: {  	v6 =	vld [tilespmem:s31+$0xFFFFFFF0]  }
0xab: {  	[tilespmem:s0+$0xFFFFFFEF] =	vst v2  }
0xac: {  	[tilespmem:s29+$0x70] =	vst v3  }
0xad: {  	[tilespmem:s29+$0xFFFFFFEF] =	vst v4  }
0xae: {  	[tilespmem:s2+$0x70] =	vst v5  }
0xaf: {  	s0 =	simm.s32 $0x0;
	s8 =	simm.s32 $0x18D00;
	[tilespmem:s2+$0xFFFFFFEF] =	vst v6;
	s2 =	simm.s32 $0x0  }
.LBB2_5:
0xb0: {  	v2 =	vld [tilespmem:s0+$0x0];
	_ =	sdelay $0x4  }
0xb1: {  	v2 =	vshll.u32 v2, $0x5  }
0xb2: {  	v2 =	vand.u32 $0x60, v2  }
0xb3: {  	v2 =	vadd.s32 s2, v2  }
0xb4: {  	v3 =	vadd.s32 v0, v2;
	_ =	sdelay $0x4  }
0xb5: {  	v4 =	vld.idx.msk [tilespmem:v3+s18+$0x0], $0xffff  }
0xb6: {  	v5 =	vadd.s32 $0x1, v3;
	_ =	sdelay $0x3  }
0xb7: {  	[tilespmem:s8+$0xFFFFF800] =	vst v4  }
0xb8: {  	v4 =	vld.idx.msk [tilespmem:v5+s18+$0x0], $0xffff  }
0xb9: {  	v36 =	vadd.s32 $0x2, v3;
	_ =	sdelay $0x3  }
0xba: {  	[tilespmem:s8+$0xFFFFF880] =	vst v4  }
0xbb: {  	v4 =	vld.idx.msk [tilespmem:v36+s18+$0x0], $0xffff  }
0xbc: {  	v37 =	vadd.s32 $0x3, v3;
	_ =	sdelay $0x3  }
0xbd: {  	[tilespmem:s8+$0xFFFFF900] =	vst v4  }
0xbe: {  	v4 =	vld.idx.msk [tilespmem:v37+s18+$0x0], $0xffff  }
0xbf: {  	v38 =	vadd.s32 $0x4, v3;
	_ =	sdelay $0x3  }
0xc0: {  	[tilespmem:s8+$0xFFFFF980] =	vst v4  }
0xc1: {  	v4 =	vld.idx.msk [tilespmem:v38+s18+$0x0], $0xffff  }
0xc2: {  	v2 =	vadd.s32 v1, v2;
	_ =	sdelay $0x3  }
0xc3: {  	[tilespmem:s8+$0xFFFFFA00] =	vst v4  }
0xc4: {  	v2 =	vld.idx.msk [tilespmem:v2+s18+$0x0], $0xffff  }
0xc5: {  	v39 =	vadd.s32 $0x6, v3;
	_ =	sdelay $0x3  }
0xc6: {  	[tilespmem:s8+$0xFFFFFA80] =	vst v2  }
0xc7: {  	v2 =	vld.idx.msk [tilespmem:v39+s18+$0x0], $0xffff  }
0xc8: {  	v40 =	vadd.s32 $0x7, v3;
	_ =	sdelay $0x3  }
0xc9: {  	[tilespmem:s8+$0xFFFFFB00] =	vst v2  }
0xca: {  	v2 =	vld.idx.msk [tilespmem:v40+s18+$0x0], $0xffff  }
0xcb: {  	v41 =	vadd.s32 $0x8, v3;
	_ =	sdelay $0x3  }
0xcc: {  	[tilespmem:s8+$0xFFFFFB80] =	vst v2  }
0xcd: {  	v2 =	vld.idx.msk [tilespmem:v41+s18+$0x0], $0xffff  }
0xce: {  	v42 =	vadd.s32 $0x9, v3;
	_ =	sdelay $0x3  }
0xcf: {  	[tilespmem:s8+$0xFFFFFC00] =	vst v2  }
0xd0: {  	v2 =	vld.idx.msk [tilespmem:v42+s18+$0x0], $0xffff  }
0xd1: {  	v43 =	vadd.s32 $0xA, v3;
	_ =	sdelay $0x3  }
0xd2: {  	[tilespmem:s8+$0xFFFFFC80] =	vst v2  }
0xd3: {  	v2 =	vld.idx.msk [tilespmem:v43+s18+$0x0], $0xffff  }
0xd4: {  	v44 =	vadd.s32 $0xB, v3;
	_ =	sdelay $0x3  }
0xd5: {  	[tilespmem:s8+$0xFFFFFD00] =	vst v2  }
0xd6: {  	v2 =	vld.idx.msk [tilespmem:v44+s18+$0x0], $0xffff  }
0xd7: {  	v45 =	vadd.s32 $0xC, v3;
	_ =	sdelay $0x3  }
0xd8: {  	[tilespmem:s8+$0xFFFFFD80] =	vst v2  }
0xd9: {  	v2 =	vld.idx.msk [tilespmem:v45+s18+$0x0], $0xffff  }
0xda: {  	v46 =	vadd.s32 $0xD, v3;
	_ =	sdelay $0x3  }
0xdb: {  	[tilespmem:s8+$0xFFFFFE00] =	vst v2  }
0xdc: {  	v2 =	vld.idx.msk [tilespmem:v46+s18+$0x0], $0xffff  }
0xdd: {  	v47 =	vadd.s32 $0xE, v3;
	_ =	sdelay $0x3  }
0xde: {  	[tilespmem:s8+$0xFFFFFE80] =	vst v2  }
0xdf: {  	v2 =	vld.idx.msk [tilespmem:v47+s18+$0x0], $0xffff  }
0xe0: {  	v48 =	vadd.s32 $0xF, v3;
	_ =	sdelay $0x3  }
0xe1: {  	[tilespmem:s8+$0xFFFFFF00] =	vst v2  }
0xe2: {  	v2 =	vld.idx.msk [tilespmem:v48+s18+$0x0], $0xffff  }
0xe3: {  	v49 =	vadd.s32 $0x10, v3;
	_ =	sdelay $0x3  }
0xe4: {  	[tilespmem:s8+$0xFFFFFF80] =	vst v2  }
0xe5: {  	v2 =	vld.idx.msk [tilespmem:v49+s18+$0x0], $0xffff  }
0xe6: {  	v50 =	vadd.s32 $0x11, v3;
	_ =	sdelay $0x3  }
0xe7: {  	[tilespmem:s8+$0x0] =	vst v2  }
0xe8: {  	v2 =	vld.idx.msk [tilespmem:v50+s18+$0x0], $0xffff  }
0xe9: {  	v51 =	vadd.s32 $0x12, v3;
	_ =	sdelay $0x3  }
0xea: {  	[tilespmem:s8+$0x80] =	vst v2  }
0xeb: {  	v2 =	vld.idx.msk [tilespmem:v51+s18+$0x0], $0xffff  }
0xec: {  	v52 =	vadd.s32 $0x13, v3;
	_ =	sdelay $0x3  }
0xed: {  	[tilespmem:s8+$0x100] =	vst v2  }
0xee: {  	v2 =	vld.idx.msk [tilespmem:v52+s18+$0x0], $0xffff  }
0xef: {  	v53 =	vadd.s32 $0x14, v3;
	_ =	sdelay $0x3  }
0xf0: {  	[tilespmem:s8+$0x180] =	vst v2  }
0xf1: {  	v2 =	vld.idx.msk [tilespmem:v53+s18+$0x0], $0xffff  }
0xf2: {  	v54 =	vadd.s32 $0x15, v3;
	_ =	sdelay $0x3  }
0xf3: {  	[tilespmem:s8+$0x200] =	vst v2  }
0xf4: {  	v2 =	vld.idx.msk [tilespmem:v54+s18+$0x0], $0xffff  }
0xf5: {  	v55 =	vadd.s32 $0x16, v3;
	_ =	sdelay $0x3  }
0xf6: {  	[tilespmem:s8+$0x280] =	vst v2  }
0xf7: {  	v2 =	vld.idx.msk [tilespmem:v55+s18+$0x0], $0xffff  }
0xf8: {  	v56 =	vadd.s32 $0x17, v3;
	_ =	sdelay $0x3  }
0xf9: {  	[tilespmem:s8+$0x300] =	vst v2  }
0xfa: {  	v2 =	vld.idx.msk [tilespmem:v56+s18+$0x0], $0xffff  }
0xfb: {  	v57 =	vadd.s32 $0x18, v3;
	_ =	sdelay $0x3  }
0xfc: {  	[tilespmem:s8+$0x380] =	vst v2  }
0xfd: {  	v2 =	vld.idx.msk [tilespmem:v57+s18+$0x0], $0xffff  }
0xfe: {  	v58 =	vadd.s32 $0x19, v3;
	_ =	sdelay $0x3  }
0xff: {  	[tilespmem:s8+$0x400] =	vst v2  }
0x100: {  	v2 =	vld.idx.msk [tilespmem:v58+s18+$0x0], $0xffff  }
0x101: {  	v59 =	vadd.s32 $0x1A, v3;
	_ =	sdelay $0x3  }
0x102: {  	[tilespmem:s8+$0x480] =	vst v2  }
0x103: {  	v2 =	vld.idx.msk [tilespmem:v59+s18+$0x0], $0xffff  }
0x104: {  	v60 =	vadd.s32 $0x1B, v3;
	_ =	sdelay $0x3  }
0x105: {  	[tilespmem:s8+$0x500] =	vst v2  }
0x106: {  	v2 =	vld.idx.msk [tilespmem:v60+s18+$0x0], $0xffff  }
0x107: {  	v61 =	vadd.s32 $0x1C, v3;
	_ =	sdelay $0x3  }
0x108: {  	[tilespmem:s8+$0x580] =	vst v2  }
0x109: {  	v2 =	vld.idx.msk [tilespmem:v61+s18+$0x0], $0xffff  }
0x10a: {  	v62 =	vadd.s32 $0x1D, v3;
	_ =	sdelay $0x3  }
0x10b: {  	[tilespmem:s8+$0x600] =	vst v2  }
0x10c: {  	v2 =	vld.idx.msk [tilespmem:v62+s18+$0x0], $0xffff  }
0x10d: {  	v63 =	vadd.s32 $0x1E, v3;
	_ =	sdelay $0x3  }
0x10e: {  	[tilespmem:s8+$0x680] =	vst v2  }
0x10f: {  	v2 =	vld.idx.msk [tilespmem:v63+s18+$0x0], $0xffff  }
0x110: {  	v3 =	vadd.s32 $0x1F, v3;
	_ =	sdelay $0x3  }
0x111: {  	[tilespmem:s8+$0x700] =	vst v2  }
0x112: {  	p1 =	sne.s32 s2, $0x3870;
	v2 =	vld.idx.msk [tilespmem:v3+s18+$0x0], $0xffff  }
.Ltmp5:
0x113: {  	_ = 	snop;
	(pc) =	sbr.rel @p1 .LBB2_5-.Ltmp5, $2  }
0x114: {  	_ =	sdelay $0x2  }
0x115: {  	s0 =	sadd.s32 $0x10, s0;
	s2 =	sadd.s32 $0x810, s2;
	[tilespmem:s8+$0x780] =	vst v2;
	s8 =	sadd.s32 $0x10, s8  }
0x116: {  	s29 =	simm.s32 $0x80  }
0x117: {  	v2 =	vld [tilespmem:s29+$0x0];
	_ =	sdelay $0x4  }
0x118: {  	v2 =	vshll.u32 v2, $0x5  }
0x119: {  	s0 =	simm.s32 $0x4080;
	v2 =	vand.u32 $0x60, v2  }
0x11a: {  	v2 =	vadd.s32 s0, v2  }
0x11b: {  	v3 =	vadd.s32 v0, v2;
	_ =	sdelay $0x4  }
0x11c: {  	v4 =	vld.idx.msk [tilespmem:v3+s18+$0x0], $0xffff  }
0x11d: {  	v5 =	vadd.s32 $0x1, v3;
	_ =	sdelay $0x2  }
0x11e: {  	s30 =	simm.s32 $0x1A480  }
0x11f: {  	[tilespmem:s30+$0xFFFFF080] =	vst v4  }
0x120: {  	v4 =	vld.idx.msk [tilespmem:v5+s18+$0x0], $0xffff  }
0x121: {  	v36 =	vadd.s32 $0x2, v3;
	_ =	sdelay $0x3  }
0x122: {  	[tilespmem:s30+$0xFFFFF100] =	vst v4  }
0x123: {  	v4 =	vld.idx.msk [tilespmem:v36+s18+$0x0], $0xffff  }
0x124: {  	v37 =	vadd.s32 $0x3, v3;
	_ =	sdelay $0x3  }
0x125: {  	[tilespmem:s30+$0xFFFFF180] =	vst v4  }
0x126: {  	v4 =	vld.idx.msk [tilespmem:v37+s18+$0x0], $0xffff  }
0x127: {  	v38 =	vadd.s32 $0x4, v3;
	_ =	sdelay $0x3  }
0x128: {  	[tilespmem:s30+$0xFFFFF200] =	vst v4  }
0x129: {  	v4 =	vld.idx.msk [tilespmem:v38+s18+$0x0], $0xffff  }
0x12a: {  	v2 =	vadd.s32 v1, v2;
	_ =	sdelay $0x3  }
0x12b: {  	[tilespmem:s30+$0xFFFFF280] =	vst v4  }
0x12c: {  	v2 =	vld.idx.msk [tilespmem:v2+s18+$0x0], $0xffff  }
0x12d: {  	v39 =	vadd.s32 $0x6, v3;
	_ =	sdelay $0x3  }
0x12e: {  	[tilespmem:s30+$0xFFFFF300] =	vst v2  }
0x12f: {  	v2 =	vld.idx.msk [tilespmem:v39+s18+$0x0], $0xffff  }
0x130: {  	v40 =	vadd.s32 $0x7, v3;
	_ =	sdelay $0x3  }
0x131: {  	[tilespmem:s30+$0xFFFFF380] =	vst v2  }
0x132: {  	v2 =	vld.idx.msk [tilespmem:v40+s18+$0x0], $0xffff  }
0x133: {  	v41 =	vadd.s32 $0x8, v3;
	_ =	sdelay $0x3  }
0x134: {  	[tilespmem:s30+$0xFFFFF400] =	vst v2  }
0x135: {  	v2 =	vld.idx.msk [tilespmem:v41+s18+$0x0], $0xffff  }
0x136: {  	v42 =	vadd.s32 $0x9, v3;
	_ =	sdelay $0x3  }
0x137: {  	[tilespmem:s30+$0xFFFFF480] =	vst v2  }
0x138: {  	v2 =	vld.idx.msk [tilespmem:v42+s18+$0x0], $0xffff  }
0x139: {  	v43 =	vadd.s32 $0xA, v3;
	_ =	sdelay $0x3  }
0x13a: {  	[tilespmem:s30+$0xFFFFF500] =	vst v2  }
0x13b: {  	v2 =	vld.idx.msk [tilespmem:v43+s18+$0x0], $0xffff  }
0x13c: {  	v44 =	vadd.s32 $0xB, v3;
	_ =	sdelay $0x3  }
0x13d: {  	[tilespmem:s30+$0xFFFFF580] =	vst v2  }
0x13e: {  	v2 =	vld.idx.msk [tilespmem:v44+s18+$0x0], $0xffff  }
0x13f: {  	v45 =	vadd.s32 $0xC, v3;
	_ =	sdelay $0x3  }
0x140: {  	[tilespmem:s30+$0xFFFFF600] =	vst v2  }
0x141: {  	v2 =	vld.idx.msk [tilespmem:v45+s18+$0x0], $0xffff  }
0x142: {  	v46 =	vadd.s32 $0xD, v3;
	_ =	sdelay $0x3  }
0x143: {  	[tilespmem:s30+$0xFFFFF680] =	vst v2  }
0x144: {  	v2 =	vld.idx.msk [tilespmem:v46+s18+$0x0], $0xffff  }
0x145: {  	v47 =	vadd.s32 $0xE, v3;
	_ =	sdelay $0x3  }
0x146: {  	[tilespmem:s30+$0xFFFFF700] =	vst v2  }
0x147: {  	v2 =	vld.idx.msk [tilespmem:v47+s18+$0x0], $0xffff  }
0x148: {  	v48 =	vadd.s32 $0xF, v3;
	_ =	sdelay $0x3  }
0x149: {  	[tilespmem:s30+$0xFFFFF780] =	vst v2  }
0x14a: {  	v2 =	vld.idx.msk [tilespmem:v48+s18+$0x0], $0xffff  }
0x14b: {  	v49 =	vadd.s32 $0x10, v3;
	_ =	sdelay $0x3  }
0x14c: {  	[tilespmem:s30+$0xFFFFF800] =	vst v2  }
0x14d: {  	v2 =	vld.idx.msk [tilespmem:v49+s18+$0x0], $0xffff  }
0x14e: {  	v50 =	vadd.s32 $0x11, v3;
	_ =	sdelay $0x3  }
0x14f: {  	[tilespmem:s30+$0xFFFFF880] =	vst v2  }
0x150: {  	v2 =	vld.idx.msk [tilespmem:v50+s18+$0x0], $0xffff  }
0x151: {  	v51 =	vadd.s32 $0x12, v3;
	_ =	sdelay $0x3  }
0x152: {  	[tilespmem:s30+$0xFFFFF900] =	vst v2  }
0x153: {  	v2 =	vld.idx.msk [tilespmem:v51+s18+$0x0], $0xffff  }
0x154: {  	v52 =	vadd.s32 $0x13, v3;
	_ =	sdelay $0x3  }
0x155: {  	[tilespmem:s30+$0xFFFFF980] =	vst v2  }
0x156: {  	v2 =	vld.idx.msk [tilespmem:v52+s18+$0x0], $0xffff  }
0x157: {  	v53 =	vadd.s32 $0x14, v3;
	_ =	sdelay $0x3  }
0x158: {  	[tilespmem:s30+$0xFFFFFA00] =	vst v2  }
0x159: {  	v2 =	vld.idx.msk [tilespmem:v53+s18+$0x0], $0xffff  }
0x15a: {  	v54 =	vadd.s32 $0x15, v3;
	_ =	sdelay $0x3  }
0x15b: {  	[tilespmem:s30+$0xFFFFFA80] =	vst v2  }
0x15c: {  	v2 =	vld.idx.msk [tilespmem:v54+s18+$0x0], $0xffff  }
0x15d: {  	v55 =	vadd.s32 $0x16, v3;
	_ =	sdelay $0x3  }
0x15e: {  	[tilespmem:s30+$0xFFFFFB00] =	vst v2  }
0x15f: {  	v2 =	vld.idx.msk [tilespmem:v55+s18+$0x0], $0xffff  }
0x160: {  	v56 =	vadd.s32 $0x17, v3;
	_ =	sdelay $0x3  }
0x161: {  	[tilespmem:s30+$0xFFFFFB80] =	vst v2  }
0x162: {  	v2 =	vld.idx.msk [tilespmem:v56+s18+$0x0], $0xffff  }
0x163: {  	v57 =	vadd.s32 $0x18, v3;
	_ =	sdelay $0x3  }
0x164: {  	[tilespmem:s30+$0xFFFFFC00] =	vst v2  }
0x165: {  	v2 =	vld.idx.msk [tilespmem:v57+s18+$0x0], $0xffff  }
0x166: {  	v58 =	vadd.s32 $0x19, v3;
	_ =	sdelay $0x3  }
0x167: {  	[tilespmem:s30+$0xFFFFFC80] =	vst v2  }
0x168: {  	v2 =	vld.idx.msk [tilespmem:v58+s18+$0x0], $0xffff  }
0x169: {  	v59 =	vadd.s32 $0x1A, v3;
	_ =	sdelay $0x3  }
0x16a: {  	[tilespmem:s30+$0xFFFFFD00] =	vst v2  }
0x16b: {  	v2 =	vld.idx.msk [tilespmem:v59+s18+$0x0], $0xffff  }
0x16c: {  	v60 =	vadd.s32 $0x1B, v3;
	_ =	sdelay $0x3  }
0x16d: {  	[tilespmem:s30+$0xFFFFFD80] =	vst v2  }
0x16e: {  	v2 =	vld.idx.msk [tilespmem:v60+s18+$0x0], $0xffff  }
0x16f: {  	v61 =	vadd.s32 $0x1C, v3;
	_ =	sdelay $0x3  }
0x170: {  	[tilespmem:s30+$0xFFFFFE00] =	vst v2  }
0x171: {  	v2 =	vld.idx.msk [tilespmem:v61+s18+$0x0], $0xffff  }
0x172: {  	v62 =	vadd.s32 $0x1D, v3;
	_ =	sdelay $0x3  }
0x173: {  	[tilespmem:s30+$0xFFFFFE80] =	vst v2  }
0x174: {  	v2 =	vld.idx.msk [tilespmem:v62+s18+$0x0], $0xffff  }
0x175: {  	v63 =	vadd.s32 $0x1E, v3;
	_ =	sdelay $0x3  }
0x176: {  	[tilespmem:s30+$0xFFFFFF00] =	vst v2  }
0x177: {  	v2 =	vld.idx.msk [tilespmem:v63+s18+$0x0], $0xffff  }
0x178: {  	v3 =	vadd.s32 $0x1F, v3;
	_ =	sdelay $0x3  }
0x179: {  	[tilespmem:s30+$0xFFFFFF80] =	vst v2  }
0x17a: {  	s31 =	simm.s32 $0x4890;
	v2 =	vld.idx.msk [tilespmem:v3+s18+$0x0], $0xffff  }
.LBB2_7:
0x17b: {  	_ =	sdelay $0x3  }
0x17c: {  	p1 =	sne.s32 s31, $0x78F0;
	s29 =	sadd.s32 $0x10, s29;
	[tilespmem:s30+$0x0] =	vst v2;
	s30 =	sadd.s32 $0x10, s30  }
0x17d: {  	s0 =	smov.u32 s31;
	s31 =	sadd.s32 $0x810, s31;
	v2 =	vld [tilespmem:s29+$0x0];
	_ =	sdelay $0x4  }
0x17e: {  	v2 =	vshll.u32 v2, $0x5  }
0x17f: {  	v2 =	vand.u32 $0x60, v2  }
0x180: {  	v3 =	vadd.s32 s0, v2  }
0x181: {  	v2 =	vadd.s32 v0, v3;
	_ =	sdelay $0x4  }
0x182: {  	v4 =	vld.idx.msk [tilespmem:v2+s18+$0x0], $0xffff;
	_ =	sdelay $0x1  }
0x183: {  	v5 =	vadd.s32 $0x1, v2;
	_ =	sdelay $0x3  }
0x184: {  	[tilespmem:s30+$0xFFFFF080] =	vst v4  }
0x185: {  	v4 =	vld.idx.msk [tilespmem:v5+s18+$0x0], $0xffff;
	_ =	sdelay $0x1  }
0x186: {  	v5 =	vadd.s32 $0x2, v2;
	_ =	sdelay $0x3  }
0x187: {  	[tilespmem:s30+$0xFFFFF100] =	vst v4  }
0x188: {  	v4 =	vld.idx.msk [tilespmem:v5+s18+$0x0], $0xffff;
	_ =	sdelay $0x1  }
0x189: {  	v5 =	vadd.s32 $0x3, v2;
	_ =	sdelay $0x3  }
0x18a: {  	[tilespmem:s30+$0xFFFFF180] =	vst v4  }
0x18b: {  	v4 =	vld.idx.msk [tilespmem:v5+s18+$0x0], $0xffff;
	_ =	sdelay $0x1  }
0x18c: {  	v5 =	vadd.s32 $0x4, v2;
	_ =	sdelay $0x3  }
0x18d: {  	[tilespmem:s30+$0xFFFFF200] =	vst v4  }
0x18e: {  	v4 =	vld.idx.msk [tilespmem:v5+s18+$0x0], $0xffff;
	_ =	sdelay $0x1  }
0x18f: {  	v3 =	vadd.s32 v1, v3;
	_ =	sdelay $0x3  }
0x190: {  	[tilespmem:s30+$0xFFFFF280] =	vst v4  }
0x191: {  	v3 =	vld.idx.msk [tilespmem:v3+s18+$0x0], $0xffff;
	_ =	sdelay $0x1  }
0x192: {  	v4 =	vadd.s32 $0x6, v2;
	_ =	sdelay $0x3  }
0x193: {  	[tilespmem:s30+$0xFFFFF300] =	vst v3  }
0x194: {  	v3 =	vld.idx.msk [tilespmem:v4+s18+$0x0], $0xffff;
	_ =	sdelay $0x1  }
0x195: {  	v4 =	vadd.s32 $0x7, v2;
	_ =	sdelay $0x3  }
0x196: {  	[tilespmem:s30+$0xFFFFF380] =	vst v3  }
0x197: {  	v3 =	vld.idx.msk [tilespmem:v4+s18+$0x0], $0xffff;
	_ =	sdelay $0x1  }
0x198: {  	v4 =	vadd.s32 $0x8, v2;
	_ =	sdelay $0x3  }
0x199: {  	[tilespmem:s30+$0xFFFFF400] =	vst v3  }
0x19a: {  	v3 =	vld.idx.msk [tilespmem:v4+s18+$0x0], $0xffff;
	_ =	sdelay $0x1  }
0x19b: {  	v4 =	vadd.s32 $0x9, v2;
	_ =	sdelay $0x3  }
0x19c: {  	[tilespmem:s30+$0xFFFFF480] =	vst v3  }
0x19d: {  	v3 =	vld.idx.msk [tilespmem:v4+s18+$0x0], $0xffff;
	_ =	sdelay $0x1  }
0x19e: {  	v4 =	vadd.s32 $0xA, v2;
	_ =	sdelay $0x3  }
0x19f: {  	[tilespmem:s30+$0xFFFFF500] =	vst v3  }
0x1a0: {  	v3 =	vld.idx.msk [tilespmem:v4+s18+$0x0], $0xffff;
	_ =	sdelay $0x1  }
0x1a1: {  	v4 =	vadd.s32 $0xB, v2;
	_ =	sdelay $0x3  }
0x1a2: {  	[tilespmem:s30+$0xFFFFF580] =	vst v3  }
0x1a3: {  	v3 =	vld.idx.msk [tilespmem:v4+s18+$0x0], $0xffff;
	_ =	sdelay $0x1  }
0x1a4: {  	v4 =	vadd.s32 $0xC, v2;
	_ =	sdelay $0x3  }
0x1a5: {  	[tilespmem:s30+$0xFFFFF600] =	vst v3  }
0x1a6: {  	v3 =	vld.idx.msk [tilespmem:v4+s18+$0x0], $0xffff;
	_ =	sdelay $0x1  }
0x1a7: {  	v4 =	vadd.s32 $0xD, v2;
	_ =	sdelay $0x3  }
0x1a8: {  	[tilespmem:s30+$0xFFFFF680] =	vst v3  }
0x1a9: {  	v3 =	vld.idx.msk [tilespmem:v4+s18+$0x0], $0xffff;
	_ =	sdelay $0x1  }
0x1aa: {  	v4 =	vadd.s32 $0xE, v2;
	_ =	sdelay $0x3  }
0x1ab: {  	[tilespmem:s30+$0xFFFFF700] =	vst v3  }
0x1ac: {  	v3 =	vld.idx.msk [tilespmem:v4+s18+$0x0], $0xffff;
	_ =	sdelay $0x1  }
0x1ad: {  	v4 =	vadd.s32 $0xF, v2;
	_ =	sdelay $0x3  }
0x1ae: {  	[tilespmem:s30+$0xFFFFF780] =	vst v3  }
0x1af: {  	v3 =	vld.idx.msk [tilespmem:v4+s18+$0x0], $0xffff;
	_ =	sdelay $0x1  }
0x1b0: {  	v4 =	vadd.s32 $0x10, v2;
	_ =	sdelay $0x3  }
0x1b1: {  	[tilespmem:s30+$0xFFFFF800] =	vst v3  }
0x1b2: {  	v3 =	vld.idx.msk [tilespmem:v4+s18+$0x0], $0xffff;
	_ =	sdelay $0x1  }
0x1b3: {  	v4 =	vadd.s32 $0x11, v2;
	_ =	sdelay $0x3  }
0x1b4: {  	[tilespmem:s30+$0xFFFFF880] =	vst v3  }
0x1b5: {  	v3 =	vld.idx.msk [tilespmem:v4+s18+$0x0], $0xffff;
	_ =	sdelay $0x1  }
0x1b6: {  	v4 =	vadd.s32 $0x12, v2;
	_ =	sdelay $0x3  }
0x1b7: {  	[tilespmem:s30+$0xFFFFF900] =	vst v3  }
0x1b8: {  	v3 =	vld.idx.msk [tilespmem:v4+s18+$0x0], $0xffff;
	_ =	sdelay $0x1  }
0x1b9: {  	v4 =	vadd.s32 $0x13, v2;
	_ =	sdelay $0x3  }
0x1ba: {  	[tilespmem:s30+$0xFFFFF980] =	vst v3  }
0x1bb: {  	v3 =	vld.idx.msk [tilespmem:v4+s18+$0x0], $0xffff;
	_ =	sdelay $0x1  }
0x1bc: {  	v4 =	vadd.s32 $0x14, v2;
	_ =	sdelay $0x3  }
0x1bd: {  	[tilespmem:s30+$0xFFFFFA00] =	vst v3  }
0x1be: {  	v3 =	vld.idx.msk [tilespmem:v4+s18+$0x0], $0xffff;
	_ =	sdelay $0x1  }
0x1bf: {  	v4 =	vadd.s32 $0x15, v2;
	_ =	sdelay $0x3  }
0x1c0: {  	[tilespmem:s30+$0xFFFFFA80] =	vst v3  }
0x1c1: {  	v3 =	vld.idx.msk [tilespmem:v4+s18+$0x0], $0xffff;
	_ =	sdelay $0x1  }
0x1c2: {  	v4 =	vadd.s32 $0x16, v2;
	_ =	sdelay $0x3  }
0x1c3: {  	[tilespmem:s30+$0xFFFFFB00] =	vst v3  }
0x1c4: {  	v3 =	vld.idx.msk [tilespmem:v4+s18+$0x0], $0xffff;
	_ =	sdelay $0x1  }
0x1c5: {  	v4 =	vadd.s32 $0x17, v2;
	_ =	sdelay $0x3  }
0x1c6: {  	[tilespmem:s30+$0xFFFFFB80] =	vst v3  }
0x1c7: {  	v3 =	vld.idx.msk [tilespmem:v4+s18+$0x0], $0xffff;
	_ =	sdelay $0x1  }
0x1c8: {  	v4 =	vadd.s32 $0x18, v2;
	_ =	sdelay $0x3  }
0x1c9: {  	[tilespmem:s30+$0xFFFFFC00] =	vst v3  }
0x1ca: {  	v3 =	vld.idx.msk [tilespmem:v4+s18+$0x0], $0xffff;
	_ =	sdelay $0x1  }
0x1cb: {  	v4 =	vadd.s32 $0x19, v2;
	_ =	sdelay $0x3  }
0x1cc: {  	[tilespmem:s30+$0xFFFFFC80] =	vst v3  }
0x1cd: {  	v3 =	vld.idx.msk [tilespmem:v4+s18+$0x0], $0xffff;
	_ =	sdelay $0x1  }
0x1ce: {  	v4 =	vadd.s32 $0x1A, v2;
	_ =	sdelay $0x3  }
0x1cf: {  	[tilespmem:s30+$0xFFFFFD00] =	vst v3  }
0x1d0: {  	v3 =	vld.idx.msk [tilespmem:v4+s18+$0x0], $0xffff;
	_ =	sdelay $0x1  }
0x1d1: {  	v4 =	vadd.s32 $0x1B, v2;
	_ =	sdelay $0x3  }
0x1d2: {  	[tilespmem:s30+$0xFFFFFD80] =	vst v3  }
0x1d3: {  	v3 =	vld.idx.msk [tilespmem:v4+s18+$0x0], $0xffff;
	_ =	sdelay $0x1  }
0x1d4: {  	v4 =	vadd.s32 $0x1C, v2;
	_ =	sdelay $0x3  }
0x1d5: {  	[tilespmem:s30+$0xFFFFFE00] =	vst v3  }
0x1d6: {  	v3 =	vld.idx.msk [tilespmem:v4+s18+$0x0], $0xffff;
	_ =	sdelay $0x1  }
0x1d7: {  	v4 =	vadd.s32 $0x1D, v2;
	_ =	sdelay $0x3  }
0x1d8: {  	[tilespmem:s30+$0xFFFFFE80] =	vst v3  }
0x1d9: {  	v3 =	vld.idx.msk [tilespmem:v4+s18+$0x0], $0xffff;
	_ =	sdelay $0x1  }
0x1da: {  	v4 =	vadd.s32 $0x1E, v2;
	_ =	sdelay $0x3  }
0x1db: {  	[tilespmem:s30+$0xFFFFFF00] =	vst v3  }
0x1dc: {  	v3 =	vld.idx.msk [tilespmem:v4+s18+$0x0], $0xffff;
	_ =	sdelay $0x1  }
0x1dd: {  	v2 =	vadd.s32 $0x1F, v2  }
.Ltmp6:
0x1de: {  	(pc) =	sbr.rel @p1 .LBB2_7-.Ltmp6, $3  }
0x1df: {  	_ =	sdelay $0x1  }
0x1e0: {  	[tilespmem:s30+$0xFFFFFF80] =	vst v3  }
0x1e1: {  	v2 =	vld.idx.msk [tilespmem:v2+s18+$0x0], $0xffff  }
0x1e2: {  	p1 =	seq.s32 s26, $0x31  }
.Ltmp7:
0x1e3: {  	_ = 	snop;
	(pc) =	sbr.rel @p1 .LBB2_10-.Ltmp7, $2  }
0x1e4: {  	_ =	sdelay $0x2  }
0x1e5: {  	[tilespmem:s30+$0x0] =	vst v2  }
0x1e6: {  	s0 =	sadd.s32 $0x2, s28  }
0x1e7: {  	s2 =	sshll.u32 s0, $0x8;
	s0 =	sshll.u32 s0, $0xD  }
0x1e8: {  	s2 =	sand.u32 $0x200, s2;
	s0 =	sand.u32 $0x1F8000, s0  }
0x1e9: {  	s0 =	sor.u32 s0, s2  }
0x1ea: {  	s0 =	sor.u32 s5, s0  }
0x1eb: {  	s0 =	sshrl.u32 s0, $0x3  }
0x1ec: {  	s0 =	sadd.s32 s1, s0  }
0x1ed: {  	[tilespmem:s4], [sflag:$0x5] =	stream.linear.gather [hbm4b:s0+s4], $0x100, $0x38;
	[tilespmem:$0x1C500] =	vst v63  }
0x1ee: {  	_ =	swait.ge [sflag:s11], $0x100  }
0x1ef: {  	[sflag:s11] =	ssyncset.done $0x0  }
0x1f0: {  	[sflag:s11] =	ssyncadd.s32 $0xFFFFFF00  }
0x1f1: {  	v2 =	vld [tilespmem:$0x0]  }
0x1f2: {  	v3 =	vld [tilespmem:$0x10]  }
0x1f3: {  	v4 =	vld [tilespmem:$0x20]  }
0x1f4: {  	v5 =	vld [tilespmem:$0x30]  }
0x1f5: {  	v6 =	vld [tilespmem:$0x40]  }
0x1f6: {  	v7 =	vld [tilespmem:$0x50];
	v2 =	vshrl.u32 v2, $0x2  }
0x1f7: {  	[tilespmem:$0x200] =	vst v2;
	v2 =	vshrl.u32 v3, $0x2;
	v3 =	vld [tilespmem:$0x60]  }
0x1f8: {  	v56 =	vld [tilespmem:$0x70];
	[tilespmem:$0x210] =	vst v2;
	v2 =	vshrl.u32 v4, $0x2  }
0x1f9: {  	v57 =	vld [tilespmem:$0x80];
	[tilespmem:$0x220] =	vst v2;
	v2 =	vshrl.u32 v5, $0x2  }
0x1fa: {  	v58 =	vld [tilespmem:$0x90];
	[tilespmem:$0x230] =	vst v2;
	v2 =	vshrl.u32 v6, $0x2  }
0x1fb: {  	v59 =	vld [tilespmem:$0xA0];
	[tilespmem:$0x240] =	vst v2;
	v2 =	vshrl.u32 v7, $0x2  }
0x1fc: {  	[tilespmem:$0x250] =	vst v2;
	v2 =	vshrl.u32 v3, $0x2;
	v3 =	vld [tilespmem:$0xB0]  }
0x1fd: {  	v60 =	vld [tilespmem:$0xC0];
	[tilespmem:$0x260] =	vst v2;
	v2 =	vshrl.u32 v56, $0x2  }
0x1fe: {  	v61 =	vld [tilespmem:$0xD0];
	[tilespmem:$0x270] =	vst v2;
	v2 =	vshrl.u32 v57, $0x2  }
0x1ff: {  	v62 =	vld [tilespmem:$0xE0];
	[tilespmem:$0x280] =	vst v2;
	v2 =	vshrl.u32 v58, $0x2  }
0x200: {  	v63 =	vld [tilespmem:$0xF0];
	[tilespmem:$0x290] =	vst v2;
	v2 =	vshrl.u32 v59, $0x2  }
0x201: {  	[tilespmem:$0x2A0] =	vst v2;
	v2 =	vshrl.u32 v3, $0x2  }
0x202: {  	[tilespmem:$0x2B0] =	vst v2;
	v2 =	vshrl.u32 v60, $0x2  }
0x203: {  	[tilespmem:$0x2C0] =	vst v2;
	v2 =	vshrl.u32 v61, $0x2  }
0x204: {  	[tilespmem:$0x2D0] =	vst v2;
	v2 =	vshrl.u32 v62, $0x2  }
0x205: {  	[tilespmem:$0x2E0] =	vst v2;
	v2 =	vshrl.u32 v63, $0x2  }
0x206: {  	[tilespmem:$0x2F0] =	vst v2  }
0x207: {  	[tilespmem:s14], [sflag:$0x1] =	stream.indirect.gather [hbm4b:s6+s12], $0x80, s13, s12, $0xb8;
	[tilespmem:$0x1C500] =	vst v63  }
.LBB2_10:
0x208: {  	s0 =	sshll.u32 s26, $0x13  }
0x209: {  	s0 =	sor.u32 s5, s0  }
0x20a: {  	s29 =	sshrl.u32 s0, $0x3  }
0x20b: {  	s0 =	sadd.s32 s3, s29  }
0x20c: {  	[hbm4b:s0+s14] =	stream.strided.scatter [tilespmem:s20], [sflag:$0x3], $0x2000, s19, s14, $0x38;
	[tilespmem:$0x1C500] =	vst v63  }
0x20d: {  	_ =	swait.ge [sflag:s21], $0x8000  }
0x20e: {  	[sflag:s21] =	ssyncset.done $0x0  }
0x20f: {  	s0 =	simm.s32 @!p0 $0x4;
	[sflag:s21] =	ssyncadd.s32 $0xFFFF8000  }
0x210: {  	_ =	swait.ge @!p0 [sflag:s0], $0x2000  }
0x211: {  	[sflag:s0] =	ssyncset.done @!p0 $0x0  }
0x212: {  	s7 =	simm.s32 $0x8480;
	[sflag:s0] =	ssyncadd.s32 @!p0 $0xFFFFE000  }
0x213: {  	v2 =	vld [tilespmem:s7+$0x0]  }
0x214: {  	v3 =	vld [tilespmem:s7+$0xFFFFFF80];
	_ =	sdelay $0x2  }
0x215: {  	s0 =	simm.s32 $0x10481  }
0x216: {  	[tilespmem:s0+$0x0] =	vst v2  }
0x217: {  	[tilespmem:s0+$0xFFFFFF7F] =	vst v3;
	v2 =	vld [tilespmem:s7+$0x10]  }
0x218: {  	v3 =	vld [tilespmem:s7+$0xFFFFFF90];
	_ =	sdelay $0x3  }
0x219: {  	[tilespmem:s0+$0x10] =	vst v2  }
0x21a: {  	[tilespmem:s0+$0xFFFFFF8F] =	vst v3;
	v2 =	vld [tilespmem:s7+$0x20]  }
0x21b: {  	v3 =	vld [tilespmem:s7+$0xFFFFFFA0];
	_ =	sdelay $0x1  }
0x21c: {  	s31 =	simm.s32 $0x8580  }
0x21d: {  	v4 =	vld [tilespmem:s31+$0x0]  }
0x21e: {  	v5 =	vld [tilespmem:s31+$0xFFFFFF80];
	[tilespmem:s0+$0x20] =	vst v2  }
0x21f: {  	[tilespmem:s0+$0xFFFFFF9F] =	vst v3;
	v2 =	vld [tilespmem:s7+$0x30]  }
0x220: {  	v3 =	vld [tilespmem:s7+$0xFFFFFFB0]  }
0x221: {  	s30 =	simm.s32 $0x10583  }
0x222: {  	[tilespmem:s30+$0x0] =	vst v4  }
0x223: {  	[tilespmem:s30+$0xFFFFFF7F] =	vst v5;
	v4 =	vld [tilespmem:s31+$0x10]  }
0x224: {  	v5 =	vld [tilespmem:s31+$0xFFFFFF90];
	[tilespmem:s0+$0x30] =	vst v2  }
0x225: {  	[tilespmem:s0+$0xFFFFFFAF] =	vst v3;
	v2 =	vld [tilespmem:s7+$0x40]  }
0x226: {  	v3 =	vld [tilespmem:s7+$0xFFFFFFC0];
	_ =	sdelay $0x1  }
0x227: {  	[tilespmem:s30+$0x10] =	vst v4  }
0x228: {  	[tilespmem:s30+$0xFFFFFF8F] =	vst v5;
	v4 =	vld [tilespmem:s31+$0x20]  }
0x229: {  	v5 =	vld [tilespmem:s31+$0xFFFFFFA0];
	[tilespmem:s0+$0x40] =	vst v2  }
0x22a: {  	[tilespmem:s0+$0xFFFFFFBF] =	vst v3;
	v2 =	vld [tilespmem:s7+$0x50]  }
0x22b: {  	s2 =	simm.s32 $0x8680;
	v3 =	vld [tilespmem:s7+$0xFFFFFFD0]  }
0x22c: {  	v6 =	vld [tilespmem:s2+$0x0]  }
0x22d: {  	v7 =	vld [tilespmem:s2+$0xFFFFFF80];
	[tilespmem:s30+$0x20] =	vst v4  }
0x22e: {  	[tilespmem:s30+$0xFFFFFF9F] =	vst v5;
	v4 =	vld [tilespmem:s31+$0x30]  }
0x22f: {  	v5 =	vld [tilespmem:s31+$0xFFFFFFB0];
	[tilespmem:s0+$0x50] =	vst v2  }
0x230: {  	s8 =	simm.s32 $0x10685;
	[tilespmem:s0+$0xFFFFFFCF] =	vst v3;
	v2 =	vld [tilespmem:s7+$0x60]  }
0x231: {  	[tilespmem:s8+$0x0] =	vst v6;
	v3 =	vld [tilespmem:s7+$0xFFFFFFE0]  }
0x232: {  	[tilespmem:s8+$0xFFFFFF7F] =	vst v7;
	v6 =	vld [tilespmem:s2+$0x10]  }
0x233: {  	v7 =	vld [tilespmem:s2+$0xFFFFFF90];
	[tilespmem:s30+$0x30] =	vst v4  }
0x234: {  	[tilespmem:s30+$0xFFFFFFAF] =	vst v5;
	v4 =	vld [tilespmem:s31+$0x40]  }
0x235: {  	v8 =	vld [tilespmem:s31+$0xFFFFFFC0];
	[tilespmem:s0+$0x60] =	vst v2  }
0x236: {  	[tilespmem:s0+$0xFFFFFFDF] =	vst v3;
	v9 =	vld [tilespmem:s7+$0x70]  }
0x237: {  	[tilespmem:s8+$0x10] =	vst v6;
	v2 =	vld [tilespmem:s7+$0xFFFFFFF0]  }
0x238: {  	[tilespmem:s8+$0xFFFFFF8F] =	vst v7;
	v5 =	vld [tilespmem:s2+$0x20]  }
0x239: {  	v6 =	vld [tilespmem:s2+$0xFFFFFFA0];
	[tilespmem:s30+$0x40] =	vst v4  }
0x23a: {  	[tilespmem:s30+$0xFFFFFFBF] =	vst v8;
	v3 =	vld [tilespmem:s31+$0x50]  }
0x23b: {  	s10 =	simm.s32 $0x4;
	v4 =	vld [tilespmem:s31+$0xFFFFFFD0];
	s7 =	simm.s32 $0x8780;
	[tilespmem:s0+$0x70] =	vst v9  }
.LBB2_11:
0x23c: {  	v7 =	vld [tilespmem:s7+$0x0];
	s10 =	sadd.s32 $0x2, s10;
	[tilespmem:s0+$0xFFFFFFEF] =	vst v2;
	s0 =	smov.u32 s30;
	s30 =	smov.u32 s8  }
0x23d: {  	v2 =	vld [tilespmem:s7+$0xFFFFFF80];
	p0 =	slt.u32 s10, $0xFE;
	[tilespmem:s8+$0x20] =	vst v5  }
0x23e: {  	[tilespmem:s8+$0xFFFFFF9F] =	vst v6;
	v5 =	vld [tilespmem:s2+$0x30]  }
0x23f: {  	v6 =	vld [tilespmem:s2+$0xFFFFFFB0];
	[tilespmem:s0+$0x50] =	vst v3  }
0x240: {  	s8 =	sadd.s32 $0x102, s8;
	[tilespmem:s0+$0xFFFFFFCF] =	vst v4;
	v3 =	vld [tilespmem:s31+$0x60]  }
0x241: {  	[tilespmem:s8+$0x0] =	vst v7;
	v4 =	vld [tilespmem:s31+$0xFFFFFFE0]  }
0x242: {  	[tilespmem:s8+$0xFFFFFF7F] =	vst v2;
	v2 =	vld [tilespmem:s7+$0x10]  }
0x243: {  	v7 =	vld [tilespmem:s7+$0xFFFFFF90];
	[tilespmem:s30+$0x30] =	vst v5  }
0x244: {  	[tilespmem:s30+$0xFFFFFFAF] =	vst v6;
	v8 =	vld [tilespmem:s2+$0x40]  }
0x245: {  	v9 =	vld [tilespmem:s2+$0xFFFFFFC0];
	[tilespmem:s0+$0x60] =	vst v3  }
0x246: {  	[tilespmem:s0+$0xFFFFFFDF] =	vst v4;
	v10 =	vld [tilespmem:s31+$0x70]  }
.Ltmp8:
0x247: {  	[tilespmem:s8+$0x10] =	vst v2;
	v2 =	vld [tilespmem:s31+$0xFFFFFFF0];
	s31 =	smov.u32 s2;
	s2 =	smov.u32 s7;
	(pc) =	sbr.rel @p0 .LBB2_11-.Ltmp8, $4  }
0x248: {  	[tilespmem:s8+$0xFFFFFF8F] =	vst v7;
	v5 =	vld [tilespmem:s7+$0x20]  }
0x249: {  	v6 =	vld [tilespmem:s7+$0xFFFFFFA0];
	[tilespmem:s30+$0x40] =	vst v8  }
0x24a: {  	[tilespmem:s30+$0xFFFFFFBF] =	vst v9;
	v3 =	vld [tilespmem:s31+$0x50]  }
0x24b: {  	s7 =	sadd.s32 $0x100, s7;
	v4 =	vld [tilespmem:s31+$0xFFFFFFD0];
	[tilespmem:s0+$0x70] =	vst v10  }
0x24c: {  	_ = 	snop  }
0x24d: {  	[tilespmem:s8+$0x20] =	vst v5  }
0x24e: {  	[tilespmem:s8+$0xFFFFFF9F] =	vst v6;
	v5 =	vld [tilespmem:s2+$0x30]  }
0x24f: {  	v6 =	vld [tilespmem:s2+$0xFFFFFFB0];
	_ =	sdelay $0x3  }
0x250: {  	[tilespmem:s8+$0x30] =	vst v5  }
0x251: {  	[tilespmem:s8+$0xFFFFFFAF] =	vst v6;
	v5 =	vld [tilespmem:s2+$0x40]  }
0x252: {  	v6 =	vld [tilespmem:s2+$0xFFFFFFC0];
	_ =	sdelay $0x3  }
0x253: {  	[tilespmem:s8+$0x40] =	vst v5  }
0x254: {  	[tilespmem:s8+$0xFFFFFFBF] =	vst v6;
	v5 =	vld [tilespmem:s2+$0x50]  }
0x255: {  	v6 =	vld [tilespmem:s2+$0xFFFFFFD0];
	_ =	sdelay $0x1  }
0x256: {  	[tilespmem:s30+$0x50] =	vst v3  }
0x257: {  	[tilespmem:s30+$0xFFFFFFCF] =	vst v4;
	v3 =	vld [tilespmem:s31+$0x60]  }
0x258: {  	v4 =	vld [tilespmem:s31+$0xFFFFFFE0];
	[tilespmem:s8+$0x50] =	vst v5  }
0x259: {  	[tilespmem:s8+$0xFFFFFFCF] =	vst v6;
	v5 =	vld [tilespmem:s2+$0x60]  }
0x25a: {  	v6 =	vld [tilespmem:s2+$0xFFFFFFE0];
	_ =	sdelay $0x1  }
0x25b: {  	[tilespmem:s30+$0x60] =	vst v3  }
0x25c: {  	[tilespmem:s30+$0xFFFFFFDF] =	vst v4;
	v3 =	vld [tilespmem:s31+$0x70]  }
0x25d: {  	v4 =	vld [tilespmem:s31+$0xFFFFFFF0];
	[tilespmem:s8+$0x60] =	vst v5  }
0x25e: {  	[tilespmem:s8+$0xFFFFFFDF] =	vst v6;
	v5 =	vld [tilespmem:s2+$0x70]  }
0x25f: {  	v6 =	vld [tilespmem:s2+$0xFFFFFFF0]  }
0x260: {  	[tilespmem:s0+$0xFFFFFFEF] =	vst v2  }
0x261: {  	[tilespmem:s30+$0x70] =	vst v3  }
0x262: {  	[tilespmem:s30+$0xFFFFFFEF] =	vst v4  }
0x263: {  	[tilespmem:s8+$0x70] =	vst v5  }
0x264: {  	s0 =	simm.s32 $0x1AD00;
	s30 =	simm.s32 $0x100;
	s2 =	simm.s32 $0x0;
	[tilespmem:s8+$0xFFFFFFEF] =	vst v6  }
.LBB2_13:
0x265: {  	v2 =	vld [tilespmem:s30+$0x0];
	_ =	sdelay $0x4  }
0x266: {  	v2 =	vshll.u32 v2, $0x5  }
0x267: {  	v2 =	vand.u32 $0x60, v2  }
0x268: {  	v2 =	vadd.s32 s2, v2  }
0x269: {  	v3 =	vadd.s32 v0, v2;
	_ =	sdelay $0x4  }
0x26a: {  	v4 =	vld.idx.msk [tilespmem:v3+s18+$0x0], $0xffff  }
0x26b: {  	v5 =	vadd.s32 $0x1, v3;
	_ =	sdelay $0x3  }
0x26c: {  	[tilespmem:s0+$0xFFFFF800] =	vst v4  }
0x26d: {  	v4 =	vld.idx.msk [tilespmem:v5+s18+$0x0], $0xffff  }
0x26e: {  	v36 =	vadd.s32 $0x2, v3;
	_ =	sdelay $0x3  }
0x26f: {  	[tilespmem:s0+$0xFFFFF880] =	vst v4  }
0x270: {  	v4 =	vld.idx.msk [tilespmem:v36+s18+$0x0], $0xffff  }
0x271: {  	v37 =	vadd.s32 $0x3, v3;
	_ =	sdelay $0x3  }
0x272: {  	[tilespmem:s0+$0xFFFFF900] =	vst v4  }
0x273: {  	v4 =	vld.idx.msk [tilespmem:v37+s18+$0x0], $0xffff  }
0x274: {  	v38 =	vadd.s32 $0x4, v3;
	_ =	sdelay $0x3  }
0x275: {  	[tilespmem:s0+$0xFFFFF980] =	vst v4  }
0x276: {  	v4 =	vld.idx.msk [tilespmem:v38+s18+$0x0], $0xffff  }
0x277: {  	v2 =	vadd.s32 v1, v2;
	_ =	sdelay $0x3  }
0x278: {  	[tilespmem:s0+$0xFFFFFA00] =	vst v4  }
0x279: {  	v2 =	vld.idx.msk [tilespmem:v2+s18+$0x0], $0xffff  }
0x27a: {  	v39 =	vadd.s32 $0x6, v3;
	_ =	sdelay $0x3  }
0x27b: {  	[tilespmem:s0+$0xFFFFFA80] =	vst v2  }
0x27c: {  	v2 =	vld.idx.msk [tilespmem:v39+s18+$0x0], $0xffff  }
0x27d: {  	v40 =	vadd.s32 $0x7, v3;
	_ =	sdelay $0x3  }
0x27e: {  	[tilespmem:s0+$0xFFFFFB00] =	vst v2  }
0x27f: {  	v2 =	vld.idx.msk [tilespmem:v40+s18+$0x0], $0xffff  }
0x280: {  	v41 =	vadd.s32 $0x8, v3;
	_ =	sdelay $0x3  }
0x281: {  	[tilespmem:s0+$0xFFFFFB80] =	vst v2  }
0x282: {  	v2 =	vld.idx.msk [tilespmem:v41+s18+$0x0], $0xffff  }
0x283: {  	v42 =	vadd.s32 $0x9, v3;
	_ =	sdelay $0x3  }
0x284: {  	[tilespmem:s0+$0xFFFFFC00] =	vst v2  }
0x285: {  	v2 =	vld.idx.msk [tilespmem:v42+s18+$0x0], $0xffff  }
0x286: {  	v43 =	vadd.s32 $0xA, v3;
	_ =	sdelay $0x3  }
0x287: {  	[tilespmem:s0+$0xFFFFFC80] =	vst v2  }
0x288: {  	v2 =	vld.idx.msk [tilespmem:v43+s18+$0x0], $0xffff  }
0x289: {  	v44 =	vadd.s32 $0xB, v3;
	_ =	sdelay $0x3  }
0x28a: {  	[tilespmem:s0+$0xFFFFFD00] =	vst v2  }
0x28b: {  	v2 =	vld.idx.msk [tilespmem:v44+s18+$0x0], $0xffff  }
0x28c: {  	v45 =	vadd.s32 $0xC, v3;
	_ =	sdelay $0x3  }
0x28d: {  	[tilespmem:s0+$0xFFFFFD80] =	vst v2  }
0x28e: {  	v2 =	vld.idx.msk [tilespmem:v45+s18+$0x0], $0xffff  }
0x28f: {  	v46 =	vadd.s32 $0xD, v3;
	_ =	sdelay $0x3  }
0x290: {  	[tilespmem:s0+$0xFFFFFE00] =	vst v2  }
0x291: {  	v2 =	vld.idx.msk [tilespmem:v46+s18+$0x0], $0xffff  }
0x292: {  	v47 =	vadd.s32 $0xE, v3;
	_ =	sdelay $0x3  }
0x293: {  	[tilespmem:s0+$0xFFFFFE80] =	vst v2  }
0x294: {  	v2 =	vld.idx.msk [tilespmem:v47+s18+$0x0], $0xffff  }
0x295: {  	v48 =	vadd.s32 $0xF, v3;
	_ =	sdelay $0x3  }
0x296: {  	[tilespmem:s0+$0xFFFFFF00] =	vst v2  }
0x297: {  	v2 =	vld.idx.msk [tilespmem:v48+s18+$0x0], $0xffff  }
0x298: {  	v49 =	vadd.s32 $0x10, v3;
	_ =	sdelay $0x3  }
0x299: {  	[tilespmem:s0+$0xFFFFFF80] =	vst v2  }
0x29a: {  	v2 =	vld.idx.msk [tilespmem:v49+s18+$0x0], $0xffff  }
0x29b: {  	v50 =	vadd.s32 $0x11, v3;
	_ =	sdelay $0x3  }
0x29c: {  	[tilespmem:s0+$0x0] =	vst v2  }
0x29d: {  	v2 =	vld.idx.msk [tilespmem:v50+s18+$0x0], $0xffff  }
0x29e: {  	v51 =	vadd.s32 $0x12, v3;
	_ =	sdelay $0x3  }
0x29f: {  	[tilespmem:s0+$0x80] =	vst v2  }
0x2a0: {  	v2 =	vld.idx.msk [tilespmem:v51+s18+$0x0], $0xffff  }
0x2a1: {  	v52 =	vadd.s32 $0x13, v3;
	_ =	sdelay $0x3  }
0x2a2: {  	[tilespmem:s0+$0x100] =	vst v2  }
0x2a3: {  	v2 =	vld.idx.msk [tilespmem:v52+s18+$0x0], $0xffff  }
0x2a4: {  	v53 =	vadd.s32 $0x14, v3;
	_ =	sdelay $0x3  }
0x2a5: {  	[tilespmem:s0+$0x180] =	vst v2  }
0x2a6: {  	v2 =	vld.idx.msk [tilespmem:v53+s18+$0x0], $0xffff  }
0x2a7: {  	v54 =	vadd.s32 $0x15, v3;
	_ =	sdelay $0x3  }
0x2a8: {  	[tilespmem:s0+$0x200] =	vst v2  }
0x2a9: {  	v2 =	vld.idx.msk [tilespmem:v54+s18+$0x0], $0xffff  }
0x2aa: {  	v55 =	vadd.s32 $0x16, v3;
	_ =	sdelay $0x3  }
0x2ab: {  	[tilespmem:s0+$0x280] =	vst v2  }
0x2ac: {  	v2 =	vld.idx.msk [tilespmem:v55+s18+$0x0], $0xffff  }
0x2ad: {  	v56 =	vadd.s32 $0x17, v3;
	_ =	sdelay $0x3  }
0x2ae: {  	[tilespmem:s0+$0x300] =	vst v2  }
0x2af: {  	v2 =	vld.idx.msk [tilespmem:v56+s18+$0x0], $0xffff  }
0x2b0: {  	v57 =	vadd.s32 $0x18, v3;
	_ =	sdelay $0x3  }
0x2b1: {  	[tilespmem:s0+$0x380] =	vst v2  }
0x2b2: {  	v2 =	vld.idx.msk [tilespmem:v57+s18+$0x0], $0xffff  }
0x2b3: {  	v58 =	vadd.s32 $0x19, v3;
	_ =	sdelay $0x3  }
0x2b4: {  	[tilespmem:s0+$0x400] =	vst v2  }
0x2b5: {  	v2 =	vld.idx.msk [tilespmem:v58+s18+$0x0], $0xffff  }
0x2b6: {  	v59 =	vadd.s32 $0x1A, v3;
	_ =	sdelay $0x3  }
0x2b7: {  	[tilespmem:s0+$0x480] =	vst v2  }
0x2b8: {  	v2 =	vld.idx.msk [tilespmem:v59+s18+$0x0], $0xffff  }
0x2b9: {  	v60 =	vadd.s32 $0x1B, v3;
	_ =	sdelay $0x3  }
0x2ba: {  	[tilespmem:s0+$0x500] =	vst v2  }
0x2bb: {  	v2 =	vld.idx.msk [tilespmem:v60+s18+$0x0], $0xffff  }
0x2bc: {  	v61 =	vadd.s32 $0x1C, v3;
	_ =	sdelay $0x3  }
0x2bd: {  	[tilespmem:s0+$0x580] =	vst v2  }
0x2be: {  	v2 =	vld.idx.msk [tilespmem:v61+s18+$0x0], $0xffff  }
0x2bf: {  	v62 =	vadd.s32 $0x1D, v3;
	_ =	sdelay $0x3  }
0x2c0: {  	[tilespmem:s0+$0x600] =	vst v2  }
0x2c1: {  	v2 =	vld.idx.msk [tilespmem:v62+s18+$0x0], $0xffff  }
0x2c2: {  	v63 =	vadd.s32 $0x1E, v3;
	_ =	sdelay $0x3  }
0x2c3: {  	[tilespmem:s0+$0x680] =	vst v2  }
0x2c4: {  	v2 =	vld.idx.msk [tilespmem:v63+s18+$0x0], $0xffff  }
0x2c5: {  	v3 =	vadd.s32 $0x1F, v3;
	_ =	sdelay $0x3  }
0x2c6: {  	[tilespmem:s0+$0x700] =	vst v2  }
0x2c7: {  	p0 =	sne.s32 s2, $0x3870;
	v2 =	vld.idx.msk [tilespmem:v3+s18+$0x0], $0xffff  }
.Ltmp9:
0x2c8: {  	_ = 	snop;
	(pc) =	sbr.rel @p0 .LBB2_13-.Ltmp9, $2  }
0x2c9: {  	_ =	sdelay $0x2  }
0x2ca: {  	s30 =	sadd.s32 $0x10, s30;
	s2 =	sadd.s32 $0x810, s2;
	[tilespmem:s0+$0x780] =	vst v2;
	s0 =	sadd.s32 $0x10, s0  }
0x2cb: {  	s30 =	simm.s32 $0x180  }
0x2cc: {  	v2 =	vld [tilespmem:s30+$0x0];
	_ =	sdelay $0x4  }
0x2cd: {  	v2 =	vshll.u32 v2, $0x5  }
0x2ce: {  	s0 =	simm.s32 $0x4080;
	v2 =	vand.u32 $0x60, v2  }
0x2cf: {  	v2 =	vadd.s32 s0, v2  }
0x2d0: {  	v3 =	vadd.s32 v0, v2;
	_ =	sdelay $0x4  }
0x2d1: {  	v4 =	vld.idx.msk [tilespmem:v3+s18+$0x0], $0xffff  }
0x2d2: {  	v5 =	vadd.s32 $0x1, v3;
	_ =	sdelay $0x2  }
0x2d3: {  	s31 =	simm.s32 $0x1C480  }
0x2d4: {  	[tilespmem:s31+$0xFFFFF080] =	vst v4  }
0x2d5: {  	v4 =	vld.idx.msk [tilespmem:v5+s18+$0x0], $0xffff  }
0x2d6: {  	v36 =	vadd.s32 $0x2, v3;
	_ =	sdelay $0x3  }
0x2d7: {  	[tilespmem:s31+$0xFFFFF100] =	vst v4  }
0x2d8: {  	v4 =	vld.idx.msk [tilespmem:v36+s18+$0x0], $0xffff  }
0x2d9: {  	v37 =	vadd.s32 $0x3, v3;
	_ =	sdelay $0x3  }
0x2da: {  	[tilespmem:s31+$0xFFFFF180] =	vst v4  }
0x2db: {  	v4 =	vld.idx.msk [tilespmem:v37+s18+$0x0], $0xffff  }
0x2dc: {  	v38 =	vadd.s32 $0x4, v3;
	_ =	sdelay $0x3  }
0x2dd: {  	[tilespmem:s31+$0xFFFFF200] =	vst v4  }
0x2de: {  	v4 =	vld.idx.msk [tilespmem:v38+s18+$0x0], $0xffff  }
0x2df: {  	v2 =	vadd.s32 v1, v2;
	_ =	sdelay $0x3  }
0x2e0: {  	[tilespmem:s31+$0xFFFFF280] =	vst v4  }
0x2e1: {  	v2 =	vld.idx.msk [tilespmem:v2+s18+$0x0], $0xffff  }
0x2e2: {  	v39 =	vadd.s32 $0x6, v3;
	_ =	sdelay $0x3  }
0x2e3: {  	[tilespmem:s31+$0xFFFFF300] =	vst v2  }
0x2e4: {  	v2 =	vld.idx.msk [tilespmem:v39+s18+$0x0], $0xffff  }
0x2e5: {  	v40 =	vadd.s32 $0x7, v3;
	_ =	sdelay $0x3  }
0x2e6: {  	[tilespmem:s31+$0xFFFFF380] =	vst v2  }
0x2e7: {  	v2 =	vld.idx.msk [tilespmem:v40+s18+$0x0], $0xffff  }
0x2e8: {  	v41 =	vadd.s32 $0x8, v3;
	_ =	sdelay $0x3  }
0x2e9: {  	[tilespmem:s31+$0xFFFFF400] =	vst v2  }
0x2ea: {  	v2 =	vld.idx.msk [tilespmem:v41+s18+$0x0], $0xffff  }
0x2eb: {  	v42 =	vadd.s32 $0x9, v3;
	_ =	sdelay $0x3  }
0x2ec: {  	[tilespmem:s31+$0xFFFFF480] =	vst v2  }
0x2ed: {  	v2 =	vld.idx.msk [tilespmem:v42+s18+$0x0], $0xffff  }
0x2ee: {  	v43 =	vadd.s32 $0xA, v3;
	_ =	sdelay $0x3  }
0x2ef: {  	[tilespmem:s31+$0xFFFFF500] =	vst v2  }
0x2f0: {  	v2 =	vld.idx.msk [tilespmem:v43+s18+$0x0], $0xffff  }
0x2f1: {  	v44 =	vadd.s32 $0xB, v3;
	_ =	sdelay $0x3  }
0x2f2: {  	[tilespmem:s31+$0xFFFFF580] =	vst v2  }
0x2f3: {  	v2 =	vld.idx.msk [tilespmem:v44+s18+$0x0], $0xffff  }
0x2f4: {  	v45 =	vadd.s32 $0xC, v3;
	_ =	sdelay $0x3  }
0x2f5: {  	[tilespmem:s31+$0xFFFFF600] =	vst v2  }
0x2f6: {  	v2 =	vld.idx.msk [tilespmem:v45+s18+$0x0], $0xffff  }
0x2f7: {  	v46 =	vadd.s32 $0xD, v3;
	_ =	sdelay $0x3  }
0x2f8: {  	[tilespmem:s31+$0xFFFFF680] =	vst v2  }
0x2f9: {  	v2 =	vld.idx.msk [tilespmem:v46+s18+$0x0], $0xffff  }
0x2fa: {  	v47 =	vadd.s32 $0xE, v3;
	_ =	sdelay $0x3  }
0x2fb: {  	[tilespmem:s31+$0xFFFFF700] =	vst v2  }
0x2fc: {  	v2 =	vld.idx.msk [tilespmem:v47+s18+$0x0], $0xffff  }
0x2fd: {  	v48 =	vadd.s32 $0xF, v3;
	_ =	sdelay $0x3  }
0x2fe: {  	[tilespmem:s31+$0xFFFFF780] =	vst v2  }
0x2ff: {  	v2 =	vld.idx.msk [tilespmem:v48+s18+$0x0], $0xffff  }
0x300: {  	v49 =	vadd.s32 $0x10, v3;
	_ =	sdelay $0x3  }
0x301: {  	[tilespmem:s31+$0xFFFFF800] =	vst v2  }
0x302: {  	v2 =	vld.idx.msk [tilespmem:v49+s18+$0x0], $0xffff  }
0x303: {  	v50 =	vadd.s32 $0x11, v3;
	_ =	sdelay $0x3  }
0x304: {  	[tilespmem:s31+$0xFFFFF880] =	vst v2  }
0x305: {  	v2 =	vld.idx.msk [tilespmem:v50+s18+$0x0], $0xffff  }
0x306: {  	v51 =	vadd.s32 $0x12, v3;
	_ =	sdelay $0x3  }
0x307: {  	[tilespmem:s31+$0xFFFFF900] =	vst v2  }
0x308: {  	v2 =	vld.idx.msk [tilespmem:v51+s18+$0x0], $0xffff  }
0x309: {  	v52 =	vadd.s32 $0x13, v3;
	_ =	sdelay $0x3  }
0x30a: {  	[tilespmem:s31+$0xFFFFF980] =	vst v2  }
0x30b: {  	v2 =	vld.idx.msk [tilespmem:v52+s18+$0x0], $0xffff  }
0x30c: {  	v53 =	vadd.s32 $0x14, v3;
	_ =	sdelay $0x3  }
0x30d: {  	[tilespmem:s31+$0xFFFFFA00] =	vst v2  }
0x30e: {  	v2 =	vld.idx.msk [tilespmem:v53+s18+$0x0], $0xffff  }
0x30f: {  	v54 =	vadd.s32 $0x15, v3;
	_ =	sdelay $0x3  }
0x310: {  	[tilespmem:s31+$0xFFFFFA80] =	vst v2  }
0x311: {  	v2 =	vld.idx.msk [tilespmem:v54+s18+$0x0], $0xffff  }
0x312: {  	v55 =	vadd.s32 $0x16, v3;
	_ =	sdelay $0x3  }
0x313: {  	[tilespmem:s31+$0xFFFFFB00] =	vst v2  }
0x314: {  	v2 =	vld.idx.msk [tilespmem:v55+s18+$0x0], $0xffff  }
0x315: {  	v56 =	vadd.s32 $0x17, v3;
	_ =	sdelay $0x3  }
0x316: {  	[tilespmem:s31+$0xFFFFFB80] =	vst v2  }
0x317: {  	v2 =	vld.idx.msk [tilespmem:v56+s18+$0x0], $0xffff  }
0x318: {  	v57 =	vadd.s32 $0x18, v3;
	_ =	sdelay $0x3  }
0x319: {  	[tilespmem:s31+$0xFFFFFC00] =	vst v2  }
0x31a: {  	v2 =	vld.idx.msk [tilespmem:v57+s18+$0x0], $0xffff  }
0x31b: {  	v58 =	vadd.s32 $0x19, v3;
	_ =	sdelay $0x3  }
0x31c: {  	[tilespmem:s31+$0xFFFFFC80] =	vst v2  }
0x31d: {  	v2 =	vld.idx.msk [tilespmem:v58+s18+$0x0], $0xffff  }
0x31e: {  	v59 =	vadd.s32 $0x1A, v3;
	_ =	sdelay $0x3  }
0x31f: {  	[tilespmem:s31+$0xFFFFFD00] =	vst v2  }
0x320: {  	v2 =	vld.idx.msk [tilespmem:v59+s18+$0x0], $0xffff  }
0x321: {  	v60 =	vadd.s32 $0x1B, v3;
	_ =	sdelay $0x3  }
0x322: {  	[tilespmem:s31+$0xFFFFFD80] =	vst v2  }
0x323: {  	v2 =	vld.idx.msk [tilespmem:v60+s18+$0x0], $0xffff  }
0x324: {  	v61 =	vadd.s32 $0x1C, v3;
	_ =	sdelay $0x3  }
0x325: {  	[tilespmem:s31+$0xFFFFFE00] =	vst v2  }
0x326: {  	v2 =	vld.idx.msk [tilespmem:v61+s18+$0x0], $0xffff  }
0x327: {  	v62 =	vadd.s32 $0x1D, v3;
	_ =	sdelay $0x3  }
0x328: {  	[tilespmem:s31+$0xFFFFFE80] =	vst v2  }
0x329: {  	v2 =	vld.idx.msk [tilespmem:v62+s18+$0x0], $0xffff  }
0x32a: {  	v63 =	vadd.s32 $0x1E, v3;
	_ =	sdelay $0x3  }
0x32b: {  	[tilespmem:s31+$0xFFFFFF00] =	vst v2  }
0x32c: {  	v2 =	vld.idx.msk [tilespmem:v63+s18+$0x0], $0xffff  }
0x32d: {  	v3 =	vadd.s32 $0x1F, v3;
	_ =	sdelay $0x3  }
0x32e: {  	[tilespmem:s31+$0xFFFFFF80] =	vst v2  }
0x32f: {  	s0 =	simm.s32 $0x4890;
	v2 =	vld.idx.msk [tilespmem:v3+s18+$0x0], $0xffff  }
.LBB2_15:
0x330: {  	_ =	sdelay $0x3  }
0x331: {  	p0 =	sne.s32 s0, $0x78F0;
	s30 =	sadd.s32 $0x10, s30;
	[tilespmem:s31+$0x0] =	vst v2;
	s31 =	sadd.s32 $0x10, s31  }
0x332: {  	s2 =	smov.u32 s0;
	s0 =	sadd.s32 $0x810, s0;
	v2 =	vld [tilespmem:s30+$0x0];
	_ =	sdelay $0x4  }
0x333: {  	v2 =	vshll.u32 v2, $0x5  }
0x334: {  	v2 =	vand.u32 $0x60, v2  }
0x335: {  	v3 =	vadd.s32 s2, v2  }
0x336: {  	v2 =	vadd.s32 v0, v3;
	_ =	sdelay $0x4  }
0x337: {  	v4 =	vld.idx.msk [tilespmem:v2+s18+$0x0], $0xffff;
	_ =	sdelay $0x1  }
0x338: {  	v5 =	vadd.s32 $0x1, v2;
	_ =	sdelay $0x3  }
0x339: {  	[tilespmem:s31+$0xFFFFF080] =	vst v4  }
0x33a: {  	v4 =	vld.idx.msk [tilespmem:v5+s18+$0x0], $0xffff;
	_ =	sdelay $0x1  }
0x33b: {  	v5 =	vadd.s32 $0x2, v2;
	_ =	sdelay $0x3  }
0x33c: {  	[tilespmem:s31+$0xFFFFF100] =	vst v4  }
0x33d: {  	v4 =	vld.idx.msk [tilespmem:v5+s18+$0x0], $0xffff;
	_ =	sdelay $0x1  }
0x33e: {  	v5 =	vadd.s32 $0x3, v2;
	_ =	sdelay $0x3  }
0x33f: {  	[tilespmem:s31+$0xFFFFF180] =	vst v4  }
0x340: {  	v4 =	vld.idx.msk [tilespmem:v5+s18+$0x0], $0xffff;
	_ =	sdelay $0x1  }
0x341: {  	v5 =	vadd.s32 $0x4, v2;
	_ =	sdelay $0x3  }
0x342: {  	[tilespmem:s31+$0xFFFFF200] =	vst v4  }
0x343: {  	v4 =	vld.idx.msk [tilespmem:v5+s18+$0x0], $0xffff;
	_ =	sdelay $0x1  }
0x344: {  	v3 =	vadd.s32 v1, v3;
	_ =	sdelay $0x3  }
0x345: {  	[tilespmem:s31+$0xFFFFF280] =	vst v4  }
0x346: {  	v3 =	vld.idx.msk [tilespmem:v3+s18+$0x0], $0xffff;
	_ =	sdelay $0x1  }
0x347: {  	v4 =	vadd.s32 $0x6, v2;
	_ =	sdelay $0x3  }
0x348: {  	[tilespmem:s31+$0xFFFFF300] =	vst v3  }
0x349: {  	v3 =	vld.idx.msk [tilespmem:v4+s18+$0x0], $0xffff;
	_ =	sdelay $0x1  }
0x34a: {  	v4 =	vadd.s32 $0x7, v2;
	_ =	sdelay $0x3  }
0x34b: {  	[tilespmem:s31+$0xFFFFF380] =	vst v3  }
0x34c: {  	v3 =	vld.idx.msk [tilespmem:v4+s18+$0x0], $0xffff;
	_ =	sdelay $0x1  }
0x34d: {  	v4 =	vadd.s32 $0x8, v2;
	_ =	sdelay $0x3  }
0x34e: {  	[tilespmem:s31+$0xFFFFF400] =	vst v3  }
0x34f: {  	v3 =	vld.idx.msk [tilespmem:v4+s18+$0x0], $0xffff;
	_ =	sdelay $0x1  }
0x350: {  	v4 =	vadd.s32 $0x9, v2;
	_ =	sdelay $0x3  }
0x351: {  	[tilespmem:s31+$0xFFFFF480] =	vst v3  }
0x352: {  	v3 =	vld.idx.msk [tilespmem:v4+s18+$0x0], $0xffff;
	_ =	sdelay $0x1  }
0x353: {  	v4 =	vadd.s32 $0xA, v2;
	_ =	sdelay $0x3  }
0x354: {  	[tilespmem:s31+$0xFFFFF500] =	vst v3  }
0x355: {  	v3 =	vld.idx.msk [tilespmem:v4+s18+$0x0], $0xffff;
	_ =	sdelay $0x1  }
0x356: {  	v4 =	vadd.s32 $0xB, v2;
	_ =	sdelay $0x3  }
0x357: {  	[tilespmem:s31+$0xFFFFF580] =	vst v3  }
0x358: {  	v3 =	vld.idx.msk [tilespmem:v4+s18+$0x0], $0xffff;
	_ =	sdelay $0x1  }
0x359: {  	v4 =	vadd.s32 $0xC, v2;
	_ =	sdelay $0x3  }
0x35a: {  	[tilespmem:s31+$0xFFFFF600] =	vst v3  }
0x35b: {  	v3 =	vld.idx.msk [tilespmem:v4+s18+$0x0], $0xffff;
	_ =	sdelay $0x1  }
0x35c: {  	v4 =	vadd.s32 $0xD, v2;
	_ =	sdelay $0x3  }
0x35d: {  	[tilespmem:s31+$0xFFFFF680] =	vst v3  }
0x35e: {  	v3 =	vld.idx.msk [tilespmem:v4+s18+$0x0], $0xffff;
	_ =	sdelay $0x1  }
0x35f: {  	v4 =	vadd.s32 $0xE, v2;
	_ =	sdelay $0x3  }
0x360: {  	[tilespmem:s31+$0xFFFFF700] =	vst v3  }
0x361: {  	v3 =	vld.idx.msk [tilespmem:v4+s18+$0x0], $0xffff;
	_ =	sdelay $0x1  }
0x362: {  	v4 =	vadd.s32 $0xF, v2;
	_ =	sdelay $0x3  }
0x363: {  	[tilespmem:s31+$0xFFFFF780] =	vst v3  }
0x364: {  	v3 =	vld.idx.msk [tilespmem:v4+s18+$0x0], $0xffff;
	_ =	sdelay $0x1  }
0x365: {  	v4 =	vadd.s32 $0x10, v2;
	_ =	sdelay $0x3  }
0x366: {  	[tilespmem:s31+$0xFFFFF800] =	vst v3  }
0x367: {  	v3 =	vld.idx.msk [tilespmem:v4+s18+$0x0], $0xffff;
	_ =	sdelay $0x1  }
0x368: {  	v4 =	vadd.s32 $0x11, v2;
	_ =	sdelay $0x3  }
0x369: {  	[tilespmem:s31+$0xFFFFF880] =	vst v3  }
0x36a: {  	v3 =	vld.idx.msk [tilespmem:v4+s18+$0x0], $0xffff;
	_ =	sdelay $0x1  }
0x36b: {  	v4 =	vadd.s32 $0x12, v2;
	_ =	sdelay $0x3  }
0x36c: {  	[tilespmem:s31+$0xFFFFF900] =	vst v3  }
0x36d: {  	v3 =	vld.idx.msk [tilespmem:v4+s18+$0x0], $0xffff;
	_ =	sdelay $0x1  }
0x36e: {  	v4 =	vadd.s32 $0x13, v2;
	_ =	sdelay $0x3  }
0x36f: {  	[tilespmem:s31+$0xFFFFF980] =	vst v3  }
0x370: {  	v3 =	vld.idx.msk [tilespmem:v4+s18+$0x0], $0xffff;
	_ =	sdelay $0x1  }
0x371: {  	v4 =	vadd.s32 $0x14, v2;
	_ =	sdelay $0x3  }
0x372: {  	[tilespmem:s31+$0xFFFFFA00] =	vst v3  }
0x373: {  	v3 =	vld.idx.msk [tilespmem:v4+s18+$0x0], $0xffff;
	_ =	sdelay $0x1  }
0x374: {  	v4 =	vadd.s32 $0x15, v2;
	_ =	sdelay $0x3  }
0x375: {  	[tilespmem:s31+$0xFFFFFA80] =	vst v3  }
0x376: {  	v3 =	vld.idx.msk [tilespmem:v4+s18+$0x0], $0xffff;
	_ =	sdelay $0x1  }
0x377: {  	v4 =	vadd.s32 $0x16, v2;
	_ =	sdelay $0x3  }
0x378: {  	[tilespmem:s31+$0xFFFFFB00] =	vst v3  }
0x379: {  	v3 =	vld.idx.msk [tilespmem:v4+s18+$0x0], $0xffff;
	_ =	sdelay $0x1  }
0x37a: {  	v4 =	vadd.s32 $0x17, v2;
	_ =	sdelay $0x3  }
0x37b: {  	[tilespmem:s31+$0xFFFFFB80] =	vst v3  }
0x37c: {  	v3 =	vld.idx.msk [tilespmem:v4+s18+$0x0], $0xffff;
	_ =	sdelay $0x1  }
0x37d: {  	v4 =	vadd.s32 $0x18, v2;
	_ =	sdelay $0x3  }
0x37e: {  	[tilespmem:s31+$0xFFFFFC00] =	vst v3  }
0x37f: {  	v3 =	vld.idx.msk [tilespmem:v4+s18+$0x0], $0xffff;
	_ =	sdelay $0x1  }
0x380: {  	v4 =	vadd.s32 $0x19, v2;
	_ =	sdelay $0x3  }
0x381: {  	[tilespmem:s31+$0xFFFFFC80] =	vst v3  }
0x382: {  	v3 =	vld.idx.msk [tilespmem:v4+s18+$0x0], $0xffff;
	_ =	sdelay $0x1  }
0x383: {  	v4 =	vadd.s32 $0x1A, v2;
	_ =	sdelay $0x3  }
0x384: {  	[tilespmem:s31+$0xFFFFFD00] =	vst v3  }
0x385: {  	v3 =	vld.idx.msk [tilespmem:v4+s18+$0x0], $0xffff;
	_ =	sdelay $0x1  }
0x386: {  	v4 =	vadd.s32 $0x1B, v2;
	_ =	sdelay $0x3  }
0x387: {  	[tilespmem:s31+$0xFFFFFD80] =	vst v3  }
0x388: {  	v3 =	vld.idx.msk [tilespmem:v4+s18+$0x0], $0xffff;
	_ =	sdelay $0x1  }
0x389: {  	v4 =	vadd.s32 $0x1C, v2;
	_ =	sdelay $0x3  }
0x38a: {  	[tilespmem:s31+$0xFFFFFE00] =	vst v3  }
0x38b: {  	v3 =	vld.idx.msk [tilespmem:v4+s18+$0x0], $0xffff;
	_ =	sdelay $0x1  }
0x38c: {  	v4 =	vadd.s32 $0x1D, v2;
	_ =	sdelay $0x3  }
0x38d: {  	[tilespmem:s31+$0xFFFFFE80] =	vst v3  }
0x38e: {  	v3 =	vld.idx.msk [tilespmem:v4+s18+$0x0], $0xffff;
	_ =	sdelay $0x1  }
0x38f: {  	v4 =	vadd.s32 $0x1E, v2;
	_ =	sdelay $0x3  }
0x390: {  	[tilespmem:s31+$0xFFFFFF00] =	vst v3  }
0x391: {  	v3 =	vld.idx.msk [tilespmem:v4+s18+$0x0], $0xffff;
	_ =	sdelay $0x1  }
0x392: {  	v2 =	vadd.s32 $0x1F, v2  }
.Ltmp10:
0x393: {  	(pc) =	sbr.rel @p0 .LBB2_15-.Ltmp10, $3  }
0x394: {  	_ =	sdelay $0x1  }
0x395: {  	[tilespmem:s31+$0xFFFFFF80] =	vst v3  }
0x396: {  	v2 =	vld.idx.msk [tilespmem:v2+s18+$0x0], $0xffff  }
.Ltmp11:
0x397: {  	_ = 	snop;
	(pc) =	sbr.rel @p1 .LBB2_18-.Ltmp11, $2  }
0x398: {  	_ =	sdelay $0x2  }
0x399: {  	[tilespmem:s31+$0x0] =	vst v2  }
0x39a: {  	s0 =	sadd.s32 $0x3, s28  }
0x39b: {  	s2 =	sshll.u32 s0, $0x8;
	s0 =	sshll.u32 s0, $0xD  }
0x39c: {  	s2 =	sand.u32 $0x300, s2;
	s0 =	sand.u32 $0x1F8000, s0  }
0x39d: {  	s0 =	sor.u32 s0, s2  }
0x39e: {  	s0 =	sor.u32 s5, s0  }
0x39f: {  	s0 =	sshrl.u32 s0, $0x3  }
0x3a0: {  	s0 =	sadd.s32 s1, s0  }
0x3a1: {  	[tilespmem:s12], [sflag:$0x5] =	stream.linear.gather [hbm4b:s0+s4], $0x100, $0x38;
	[tilespmem:$0x1C500] =	vst v63  }
0x3a2: {  	_ =	swait.ge [sflag:s11], $0x100  }
0x3a3: {  	[sflag:s11] =	ssyncset.done $0x0  }
0x3a4: {  	[sflag:s11] =	ssyncadd.s32 $0xFFFFFF00  }
0x3a5: {  	v2 =	vld [tilespmem:$0x100]  }
0x3a6: {  	v3 =	vld [tilespmem:$0x110]  }
0x3a7: {  	v4 =	vld [tilespmem:$0x120]  }
0x3a8: {  	v5 =	vld [tilespmem:$0x130]  }
0x3a9: {  	v6 =	vld [tilespmem:$0x140]  }
0x3aa: {  	v7 =	vld [tilespmem:$0x150];
	v2 =	vshrl.u32 v2, $0x2  }
0x3ab: {  	[tilespmem:$0x300] =	vst v2;
	v2 =	vshrl.u32 v3, $0x2;
	v3 =	vld [tilespmem:$0x160]  }
0x3ac: {  	v56 =	vld [tilespmem:$0x170];
	[tilespmem:$0x310] =	vst v2;
	v2 =	vshrl.u32 v4, $0x2  }
0x3ad: {  	v57 =	vld [tilespmem:$0x180];
	[tilespmem:$0x320] =	vst v2;
	v2 =	vshrl.u32 v5, $0x2  }
0x3ae: {  	v58 =	vld [tilespmem:$0x190];
	[tilespmem:$0x330] =	vst v2;
	v2 =	vshrl.u32 v6, $0x2  }
0x3af: {  	v59 =	vld [tilespmem:$0x1A0];
	[tilespmem:$0x340] =	vst v2;
	v2 =	vshrl.u32 v7, $0x2  }
0x3b0: {  	[tilespmem:$0x350] =	vst v2;
	v2 =	vshrl.u32 v3, $0x2;
	v3 =	vld [tilespmem:$0x1B0]  }
0x3b1: {  	v60 =	vld [tilespmem:$0x1C0];
	[tilespmem:$0x360] =	vst v2;
	v2 =	vshrl.u32 v56, $0x2  }
0x3b2: {  	v61 =	vld [tilespmem:$0x1D0];
	[tilespmem:$0x370] =	vst v2;
	v2 =	vshrl.u32 v57, $0x2  }
0x3b3: {  	v62 =	vld [tilespmem:$0x1E0];
	[tilespmem:$0x380] =	vst v2;
	v2 =	vshrl.u32 v58, $0x2  }
0x3b4: {  	v63 =	vld [tilespmem:$0x1F0];
	[tilespmem:$0x390] =	vst v2;
	v2 =	vshrl.u32 v59, $0x2  }
0x3b5: {  	[tilespmem:$0x3A0] =	vst v2;
	v2 =	vshrl.u32 v3, $0x2  }
0x3b6: {  	[tilespmem:$0x3B0] =	vst v2;
	v2 =	vshrl.u32 v60, $0x2  }
.Ltmp12:
0x3b7: {  	[tilespmem:$0x3C0] =	vst v2;
	v2 =	vshrl.u32 v61, $0x2;
	(pc) =	sbr.rel .LBB2_18-.Ltmp12, $4  }
0x3b8: {  	[tilespmem:$0x3D0] =	vst v2;
	v2 =	vshrl.u32 v62, $0x2  }
0x3b9: {  	[tilespmem:$0x3E0] =	vst v2;
	v2 =	vshrl.u32 v63, $0x2  }
0x3ba: {  	[tilespmem:$0x3F0] =	vst v2  }
0x3bb: {  	[tilespmem:s16], [sflag:$0x2] =	stream.indirect.gather [hbm4b:s6+s12], $0x80, s15, s12, $0xb8;
	[tilespmem:$0x1C500] =	vst v63  }
.LBB2_20:
0x3bc: {  	_ =	sfence.sel $0x180000  }
0x3bd: {  	[bflag:$0x0] =	sbarrier.arrive $0xFFFF  }
0x3be: {  	_ =	strace $0x90000047  }
0x3bf: {  	s0 =	stileid.u32;
	[bflag:$0x2] =	sbarrier.arrive $0xFFFF  }
0x3c0: {  	p0 =	sne.s32 s0, $0x0;
	s0 =	rddreg [dreg:$0x3]  }
0x3c1: {  	s0 =	sadd.s32 @!p0 $0x100000, s0  }
0x3c2: {  	[sflag:s0] =	ssyncadd.tile.s32 @!p0 $0x1;
	_ =	shalt  }
.Lfunc_end2:
_tile_overlayer_lowered:
.L_overlay_start_2:
0x3c3: {  	(tag) =	ssettag $0x2  }
0x3c4: {  	s0 =	rddreg [dreg:$0x0];
	s2 =	stileid.u32  }
0x3c5: {  	s1 =	rddreg [dreg:$0x1];
	p0 =	sne.s32 s2, $0x0  }
0x3c6: {  	s3 =	rddreg [dreg:$0x2];
	[bflag:$0x3] =	sbarrier.arrive $0xFFFF;
	s2 =	simm.s32 @!p0 $0x1C05  }
0x3c7: {  	[timem:s3], [sflag:s2] =	dma.local @!p0 [hbm:s0], s1  }
0x3c8: {  	s0 =	simm.s32 @!p0 $0x5  }
0x3c9: {  	_ =	swait.ge @!p0 [sflag:s0], s1  }
0x3ca: {  	s1 =	ssub.s32 @!p0 $0x0, s1;
	[sflag:s0] =	ssyncset.done @!p0 $0x0  }
0x3cb: {  	[sflag:s0] =	ssyncadd.s32 @!p0 s1  }
0x3cc: {  	[bflag:$0x3] =	sbarrier.arrive $0xFFFF  }
0x3cd: {  	_ =	shalt  }

</sc_bundles>
